<compile_context>
chip_gen: v7x
topology: tpu7x:2x2x1
jax: 0.10.2.dev20260603
libtpu: 0.0.44.dev20260713+nightly
codegen_flags: <defaults>
</compile_context>

<pallas_src>
import functools

import jax
import jax.numpy as jnp
from jax import lax
from jax.experimental import pallas as pl
from jax.experimental.pallas import tpu as pltpu
from jax.experimental.pallas import tpu_sc as plsc

_NC = 2
_NS = 16
_NW = _NC * _NS
_L = 16
_C = 512
_CB = 1024


def _sc_edge_kernel(N, NR, EW):
    rows = NR // _NS
    wclamp = N * N - 1

    K = EW // _CB
    assert EW % _CB == 0 and K >= 2

    def body(xT, eT, wflat, src, dst, mu_out, ag_out,
             t_sh, e_sh, mu_sh, ag_sh,
             tb, src_v, dst_v, wi_v, we_v, src_s, dst_s,
             t_rows, e_rows, mu_c, ag_c, semG0):
        cid = lax.axis_index("c")
        sid = lax.axis_index("s")
        wid = sid * _NC + cid
        r0 = sid * rows

        pltpu.sync_copy(xT.at[pl.ds(r0, rows)], tb)

        def p0(i, carry):
            v = tb[i, :]
            tb[i, :] = 1.0 - 2.0 / (jnp.exp(2.0 * v) + 1.0)
            return carry
        lax.fori_loop(0, rows, p0, 0)
        pltpu.sync_copy(tb, t_sh.at[pl.ds(r0, rows)])
        pltpu.sync_copy(eT.at[pl.ds(r0, rows)], tb)
        pltpu.sync_copy(tb, e_sh.at[pl.ds(r0, rows)])

        def z0(i, carry):
            tb[i, :] = jnp.zeros((_L,), jnp.float32)
            return carry
        lax.fori_loop(0, rows, z0, 0)
        pltpu.sync_copy(tb, mu_sh.at[pl.ds(r0, rows)])
        pltpu.sync_copy(tb, ag_sh.at[pl.ds(r0, rows)])
        plsc.subcore_barrier()

        eb = wid * (EW + 2 * _C)

        def chunk(k, carry):
            off = eb + k * _CB
            pltpu.sync_copy(src.at[pl.ds(off, _CB)], src_v)
            pltpu.sync_copy(dst.at[pl.ds(off, _CB)], dst_v)

            for jr in range(_CB // _C):
                def widx(j2, carry2, jr=jr):
                    sv = src_v[pl.ds(jr * _C + j2 * _L, _L)]
                    dv = dst_v[pl.ds(jr * _C + j2 * _L, _L)]
                    wi_v[pl.ds(jr * _C + j2 * _L, _L)] = (
                        jnp.minimum(sv * N + dv, wclamp))
                    src_s[jr, pl.ds(j2 * _L, _L)] = sv
                    dst_s[jr, pl.ds(j2 * _L, _L)] = dv
                    return carry2
                lax.fori_loop(0, _C // _L, widx, 0)

            pltpu.async_copy(wflat.at[wi_v], we_v, semG0).wait()
            pltpu.async_copy(t_sh.at[dst_v], t_rows, semG0).wait()
            pltpu.async_copy(e_sh.at[src_v], e_rows, semG0).wait()

            for jr in range(_CB // _C):
                def edge16(j2, carry2, jr=jr):
                    base = jr * _C + j2 * _L
                    wv16 = we_v[pl.ds(base, _L)]
                    for l in range(_L):
                        wv = wv16[l]
                        t = t_rows[base + l, :]
                        e = e_rows[base + l, :]
                        mu_c[jr, j2 * _L + l, :] = t * wv
                        ag_c[jr, j2 * _L + l, :] = (1.0 - t * t) * (e * wv)
                    return carry2
                lax.fori_loop(0, _C // _L, edge16, 0)
                pltpu.sync_copy(mu_c.at[jr], mu_sh.at[src_s.at[jr]],
                                add=True)
                pltpu.sync_copy(ag_c.at[jr], ag_sh.at[dst_s.at[jr]],
                                add=True)
            return carry
        lax.fori_loop(0, K, chunk, 0)
        plsc.subcore_barrier()

        pltpu.sync_copy(mu_sh.at[pl.ds(r0, rows)], tb)
        pltpu.sync_copy(tb, mu_out.at[cid, pl.ds(r0, rows)])
        pltpu.sync_copy(ag_sh.at[pl.ds(r0, rows)], tb)
        pltpu.sync_copy(tb, ag_out.at[cid, pl.ds(r0, rows)])

    return pl.kernel(
        body,
        out_type=[jax.ShapeDtypeStruct((_NC, NR, _L), jnp.float32)] * 2,
        mesh=plsc.VectorSubcoreMesh(core_axis_name="c", subcore_axis_name="s",
                                    num_cores=_NC, num_subcores=_NS),
        compiler_params=pltpu.CompilerParams(use_tc_tiling_on_sc=False),
        scratch_types=[
            pltpu.VMEM_SHARED((NR, _L), jnp.float32),
            pltpu.VMEM_SHARED((NR, _L), jnp.float32),
            pltpu.VMEM_SHARED((NR, _L), jnp.float32),
            pltpu.VMEM_SHARED((NR, _L), jnp.float32),
            pltpu.VMEM((NR // _NS, _L), jnp.float32),
            pltpu.VMEM((_CB,), jnp.int32),
            pltpu.VMEM((_CB,), jnp.int32),
            pltpu.VMEM((_CB,), jnp.int32),
            pltpu.VMEM((_CB,), jnp.float32),
            pltpu.VMEM((_CB // _C, _C), jnp.int32),
            pltpu.VMEM((_CB // _C, _C), jnp.int32),
            pltpu.VMEM((_CB, _L), jnp.float32),
            pltpu.VMEM((_CB, _L), jnp.float32),
            pltpu.VMEM((_CB // _C, _C, _L), jnp.float32),
            pltpu.VMEM((_CB // _C, _C, _L), jnp.float32),
            pltpu.SemaphoreType.DMA,
        ],
    )


def _combine_body(mu_p, ag_p, e2, mu_o, gr_o):
    mu_o[...] = mu_p[0] + mu_p[1]
    gr_o[...] = e2[...] - (ag_p[0] + ag_p[1])


def kernel(x, error, w, edge_index):
    N = w.shape[0]
    BN = x.shape[0]
    B = BN // N
    E = edge_index.shape[1]
    assert B == _L
    NR = -(-(N + 1) // (_NS * 8)) * (_NS * 8)
    EW = -(-E // _NW)
    EW = -(-EW // _CB) * _CB
    E_pad = EW * _NW
    pad = E_pad - E

    xT = jnp.pad(x.reshape(B, N).T, ((0, NR - N), (0, 0)))
    eT = jnp.pad(error.reshape(B, N).T, ((0, NR - N), (0, 0)))
    wflat = w.reshape(-1)
    padv = jnp.full((pad,), N, jnp.int32)
    tail = jnp.full((_NW, 2 * _C), N, jnp.int32)
    src = jnp.concatenate(
        [jnp.concatenate([edge_index[0], padv]).reshape(_NW, EW), tail],
        axis=1).reshape(-1)
    dst = jnp.concatenate(
        [jnp.concatenate([edge_index[1], padv]).reshape(_NW, EW), tail],
        axis=1).reshape(-1)

    mu_p, ag_p = _sc_edge_kernel(N, NR, EW)(xT, eT, wflat, src, dst)

    F = NR * _L
    assert F % 128 == 0
    R = F // 128
    muT, gradT = pl.pallas_call(
        _combine_body,
        out_shape=[jax.ShapeDtypeStruct((R, 128), jnp.float32)] * 2,
    )(mu_p.reshape(_NC, R, 128), ag_p.reshape(_NC, R, 128),
      eT.reshape(R, 128))

    mu = muT.reshape(NR, _L)[:N].T.reshape(BN, 1)
    grad = gradT.reshape(NR, _L)[:N].T.reshape(BN, 1)
    return mu, grad

# --- scband reference (transcript-rebuilt; emitter-appended) ---
"""Pipeline reference for scband-pcgraph-19834158973336 (READ-ONLY COPY).

The authoritative reference and input builder live on the scoring server;
editing this copy changes nothing except your own understanding.
"""

import jax, jax.numpy as jnp
import numpy as np

N = 10000   # num_vertices
B = 16      # batch_size
E = 160000  # edges in single graph

def f(v):
    return jnp.tanh(v)

def dfdx(v):
    t = jnp.tanh(v)
    return 1.0 - t * t

def setup_inputs(seed: int = 0) -> dict:
    key = jax.random.key(seed)
    k1, k2, k3, k4 = jax.random.split(key, 4)
    x = jax.random.normal(k1, (B * N, 1), dtype=jnp.float32)
    error = jax.random.normal(k2, (B * N, 1), dtype=jnp.float32)
    w = jax.random.normal(k3, (N, N), dtype=jnp.float32) * 0.02
    edge_index = jax.random.randint(k4, (2, E), 0, N, dtype=jnp.int32)
    return {"x": x, "error": error, "w": w, "edge_index": edge_index}

def reference(x, error, w, edge_index):
    # weights_1d = w[edge_index[0], edge_index[1]]; repeated per batch element
    weights_1d = w[edge_index[0], edge_index[1]]            # [E]
    bw = jnp.tile(weights_1d, B).reshape(-1, 1)              # [B*E, 1]
    # batched_edge_index = cat([edge_index + i*N for i in range(B)], dim=1)
    offsets = (jnp.arange(B, dtype=edge_index.dtype) * N)
    src = (edge_index[0][None, :] + offsets[:, None]).reshape(-1)  # [B*E]
    dst = (edge_index[1][None, :] + offsets[:, None]).reshape(-1)  # [B*E]
    # PredictionMessagePassing: flow='target_to_source', aggr='add'
    #   message: f(x_j) * weight with x_j = x[dst]; aggregated at src
    mu = jnp.zeros((B * N, 1), dtype=x.dtype).at[src].add(f(x[dst]) * bw)
    # GradientMessagePassing: flow='source_to_target', aggr='add'
    #   message: dfdx(x_i) * error_j * weight with x_i = x[dst], error_j = error[src]; aggregated at dst
    aggr = jnp.zeros((B * N, 1), dtype=x.dtype).at[dst].add(dfdx(x[dst]) * error[src] * bw)
    grad_x = error - aggr  # update: error - aggr_out
    return mu, grad_x

if __name__ == "__main__":
    import jax
    _d = setup_inputs()
    print(jax.jit(kernel)(*tuple(_d.values())))

</pallas_src>

<mosaic_0001>
#map = affine_map<(d0, d1) -> (0, 0)>
#map1 = affine_map<(d0, d1) -> (0)>
#map2 = affine_map<(d0, d1) -> (0, 0, 0)>
module attributes {stable_mosaic.version = 14 : i64} {
  func.func @body(%arg0: i32, %arg1: i32, %arg2: memref<10112x16xf32, #tpu.memory_space<hbm>>, %arg3: memref<10112x16xf32, #tpu.memory_space<hbm>>, %arg4: memref<100000000xf32, #tpu.memory_space<hbm>>, %arg5: memref<196608xi32, #tpu.memory_space<hbm>>, %arg6: memref<196608xi32, #tpu.memory_space<hbm>>, %arg7: memref<2x10112x16xf32, #tpu.memory_space<hbm>>, %arg8: memref<2x10112x16xf32, #tpu.memory_space<hbm>>, %arg9: memref<10112x16xf32, #tpu.memory_space<vmem_shared>>, %arg10: memref<10112x16xf32, #tpu.memory_space<vmem_shared>>, %arg11: memref<10112x16xf32, #tpu.memory_space<vmem_shared>>, %arg12: memref<10112x16xf32, #tpu.memory_space<vmem_shared>>, %arg13: memref<632x16xf32, #tpu.memory_space<vmem>>, %arg14: memref<1024xi32, #tpu.memory_space<vmem>>, %arg15: memref<1024xi32, #tpu.memory_space<vmem>>, %arg16: memref<1024xi32, #tpu.memory_space<vmem>>, %arg17: memref<1024xf32, #tpu.memory_space<vmem>>, %arg18: memref<2x512xi32, #tpu.memory_space<vmem>>, %arg19: memref<2x512xi32, #tpu.memory_space<vmem>>, %arg20: memref<1024x16xf32, #tpu.memory_space<vmem>>, %arg21: memref<1024x16xf32, #tpu.memory_space<vmem>>, %arg22: memref<2x512x16xf32, #tpu.memory_space<vmem>>, %arg23: memref<2x512x16xf32, #tpu.memory_space<vmem>>, %arg24: memref<!tpu.dma_semaphore, #tpu.memory_space<semaphore_mem>>) attributes {dimension_semantics = [#tpu.dimension_semantics<core_parallel>, #tpu.dimension_semantics<subcore_parallel>], iteration_bounds = array<i64: 2, 16>, scalar_prefetch = 0 : i64, scratch_operands = 16 : i64, tpu.core_type = #tpu.core_type<sc_vector_subcore>, window_params = [{transform_indices = #map}, {transform_indices = #map}, {transform_indices = #map1}, {transform_indices = #map1}, {transform_indices = #map1}, {transform_indices = #map2}, {transform_indices = #map2}]} {
    %mul3A = arith.constant 2 : i32
    %mul3A_0 = arith.muli %arg1, %mul3A : i32
    %add3A = arith.addi %mul3A_0, %arg0 : i32
    %mul3A_1 = arith.constant 632 : i32
    %mul3A_2 = arith.muli %arg1, %mul3A_1 : i32
    "tpu.region"() ({
      %run_scoped3A = tpu.sem_alloc : memref<!tpu.dma_semaphore, #tpu.memory_space<semaphore_mem>>
      %dma_start3A = arith.constant 0 : i32
      %dma_start3A_23 = tpu.memref_slice %arg2[%mul3A_2, %dma_start3A] : memref<10112x16xf32, #tpu.memory_space<hbm>> -> memref<632x16xf32, #tpu.memory_space<hbm>>
      %dma_start3A_24 = arith.constant 0 : i32
      %dma_start3A_25 = tpu.memref_slice %arg2[%mul3A_2, %dma_start3A_24] : memref<10112x16xf32, #tpu.memory_space<hbm>> -> memref<632x16xf32, #tpu.memory_space<hbm>>
      tpu.enqueue_dma source(%dma_start3A_25 : memref<632x16xf32, #tpu.memory_space<hbm>>) target(%arg13 : memref<632x16xf32, #tpu.memory_space<vmem>>) target_semaphore(%run_scoped3A : memref<!tpu.dma_semaphore, #tpu.memory_space<semaphore_mem>>)
      %dma_wait3A = arith.constant 0 : i32
      %dma_wait3A_26 = tpu.memref_slice %arg2[%mul3A_2, %dma_wait3A] : memref<10112x16xf32, #tpu.memory_space<hbm>> -> memref<632x16xf32, #tpu.memory_space<hbm>>
      %dma_wait3A_27 = arith.constant 0 : i32
      %dma_wait3A_28 = tpu.memref_slice %arg2[%mul3A_2, %dma_wait3A_27] : memref<10112x16xf32, #tpu.memory_space<hbm>> -> memref<632x16xf32, #tpu.memory_space<hbm>>
      tpu.wait_dma2 semaphore(%run_scoped3A : memref<!tpu.dma_semaphore, #tpu.memory_space<semaphore_mem>>) src(%dma_wait3A_28 : memref<632x16xf32, #tpu.memory_space<hbm>>) dst(%arg13 : memref<632x16xf32, #tpu.memory_space<vmem>>)
      tpu.yield
    }) : () -> ()
    %scan3A = arith.constant 0 : i32
    %scan3A_3 = arith.constant 0 : i32
    %scan3A_4 = arith.constant 632 : i32
    %scan3A_5 = arith.addi %scan3A_3, %scan3A_4 : i32
    %scan3A_6 = arith.constant 1 : i32
    scf.for %scan3A_23 = %scan3A_3 to %scan3A_5 step %scan3A_6  : i32 {
      %get3A = arith.index_cast %scan3A_23 : i32 to index
      %get3A_24 = arith.constant 0 : index
      %get3A_25 = tpu.vector_load %arg13[%get3A, %get3A_24] {strides = array<i32>} : memref<632x16xf32, #tpu.memory_space<vmem>>, vector<1x16xf32>,
      %get3A_26 = vector.shape_cast %get3A_25 : vector<1x16xf32> to vector<16xf32>
      %mul3A_27 = arith.constant 2.000000e+00 : f32
      %mul3A_28 = vector.broadcast %mul3A_27 : f32 to vector<16xf32>
      %mul3A_29 = arith.mulf %mul3A_28, %get3A_26 : vector<16xf32>
      %exp3A = math.exp %mul3A_29 : vector<16xf32>
      %add3A_30 = arith.constant 1.000000e+00 : f32
      %add3A_31 = vector.broadcast %add3A_30 : f32 to vector<16xf32>
      %add3A_32 = arith.addf %exp3A, %add3A_31 : vector<16xf32>
      %div3A = arith.constant 2.000000e+00 : f32
      %div3A_33 = vector.broadcast %div3A : f32 to vector<16xf32>
      %div3A_34 = arith.divf %div3A_33, %add3A_32 : vector<16xf32>
      %sub3A = arith.constant 1.000000e+00 : f32
      %sub3A_35 = vector.broadcast %sub3A : f32 to vector<16xf32>
      %sub3A_36 = arith.subf %sub3A_35, %div3A_34 : vector<16xf32>
      %swap3A = arith.index_cast %scan3A_23 : i32 to index
      %swap3A_37 = arith.constant 0 : index
      %swap3A_38 = tpu.vector_load %arg13[%swap3A, %swap3A_37] {strides = array<i32>} : memref<632x16xf32, #tpu.memory_space<vmem>>, vector<1x16xf32>,
      %swap3A_39 = vector.shape_cast %swap3A_38 : vector<1x16xf32> to vector<16xf32>
      %swap3A_40 = vector.shape_cast %sub3A_36 : vector<16xf32> to vector<1x16xf32>
      tpu.vector_store %arg13[%swap3A, %swap3A_37], %swap3A_40 {strides = array<i32>} : memref<632x16xf32, #tpu.memory_space<vmem>>, vector<1x16xf32>,
    }
    %scan3A_7 = arith.constant 632 : i32
    "tpu.region"() ({
      %run_scoped3A = tpu.sem_alloc : memref<!tpu.dma_semaphore, #tpu.memory_space<semaphore_mem>>
      %dma_start3A = arith.constant 0 : i32
      %dma_start3A_23 = tpu.memref_slice %arg9[%mul3A_2, %dma_start3A] : memref<10112x16xf32, #tpu.memory_space<vmem_shared>> -> memref<632x16xf32, #tpu.memory_space<vmem_shared>>
      %dma_start3A_24 = arith.constant 0 : i32
      %dma_start3A_25 = tpu.memref_slice %arg9[%mul3A_2, %dma_start3A_24] : memref<10112x16xf32, #tpu.memory_space<vmem_shared>> -> memref<632x16xf32, #tpu.memory_space<vmem_shared>>
      tpu.enqueue_dma source(%arg13 : memref<632x16xf32, #tpu.memory_space<vmem>>) target(%dma_start3A_25 : memref<632x16xf32, #tpu.memory_space<vmem_shared>>) target_semaphore(%run_scoped3A : memref<!tpu.dma_semaphore, #tpu.memory_space<semaphore_mem>>)
      %dma_wait3A = arith.constant 0 : i32
      %dma_wait3A_26 = tpu.memref_slice %arg9[%mul3A_2, %dma_wait3A] : memref<10112x16xf32, #tpu.memory_space<vmem_shared>> -> memref<632x16xf32, #tpu.memory_space<vmem_shared>>
      %dma_wait3A_27 = arith.constant 0 : i32
      %dma_wait3A_28 = tpu.memref_slice %arg9[%mul3A_2, %dma_wait3A_27] : memref<10112x16xf32, #tpu.memory_space<vmem_shared>> -> memref<632x16xf32, #tpu.memory_space<vmem_shared>>
      tpu.wait_dma2 semaphore(%run_scoped3A : memref<!tpu.dma_semaphore, #tpu.memory_space<semaphore_mem>>) src(%arg13 : memref<632x16xf32, #tpu.memory_space<vmem>>) dst(%dma_wait3A_28 : memref<632x16xf32, #tpu.memory_space<vmem_shared>>)
      tpu.yield
    }) : () -> ()
    "tpu.region"() ({
      %run_scoped3A = tpu.sem_alloc : memref<!tpu.dma_semaphore, #tpu.memory_space<semaphore_mem>>
      %dma_start3A = arith.constant 0 : i32
      %dma_start3A_23 = tpu.memref_slice %arg3[%mul3A_2, %dma_start3A] : memref<10112x16xf32, #tpu.memory_space<hbm>> -> memref<632x16xf32, #tpu.memory_space<hbm>>
      %dma_start3A_24 = arith.constant 0 : i32
      %dma_start3A_25 = tpu.memref_slice %arg3[%mul3A_2, %dma_start3A_24] : memref<10112x16xf32, #tpu.memory_space<hbm>> -> memref<632x16xf32, #tpu.memory_space<hbm>>
      tpu.enqueue_dma source(%dma_start3A_25 : memref<632x16xf32, #tpu.memory_space<hbm>>) target(%arg13 : memref<632x16xf32, #tpu.memory_space<vmem>>) target_semaphore(%run_scoped3A : memref<!tpu.dma_semaphore, #tpu.memory_space<semaphore_mem>>)
      %dma_wait3A = arith.constant 0 : i32
      %dma_wait3A_26 = tpu.memref_slice %arg3[%mul3A_2, %dma_wait3A] : memref<10112x16xf32, #tpu.memory_space<hbm>> -> memref<632x16xf32, #tpu.memory_space<hbm>>
      %dma_wait3A_27 = arith.constant 0 : i32
      %dma_wait3A_28 = tpu.memref_slice %arg3[%mul3A_2, %dma_wait3A_27] : memref<10112x16xf32, #tpu.memory_space<hbm>> -> memref<632x16xf32, #tpu.memory_space<hbm>>
      tpu.wait_dma2 semaphore(%run_scoped3A : memref<!tpu.dma_semaphore, #tpu.memory_space<semaphore_mem>>) src(%dma_wait3A_28 : memref<632x16xf32, #tpu.memory_space<hbm>>) dst(%arg13 : memref<632x16xf32, #tpu.memory_space<vmem>>)
      tpu.yield
    }) : () -> ()
    "tpu.region"() ({
      %run_scoped3A = tpu.sem_alloc : memref<!tpu.dma_semaphore, #tpu.memory_space<semaphore_mem>>
      %dma_start3A = arith.constant 0 : i32
      %dma_start3A_23 = tpu.memref_slice %arg10[%mul3A_2, %dma_start3A] : memref<10112x16xf32, #tpu.memory_space<vmem_shared>> -> memref<632x16xf32, #tpu.memory_space<vmem_shared>>
      %dma_start3A_24 = arith.constant 0 : i32
      %dma_start3A_25 = tpu.memref_slice %arg10[%mul3A_2, %dma_start3A_24] : memref<10112x16xf32, #tpu.memory_space<vmem_shared>> -> memref<632x16xf32, #tpu.memory_space<vmem_shared>>
      tpu.enqueue_dma source(%arg13 : memref<632x16xf32, #tpu.memory_space<vmem>>) target(%dma_start3A_25 : memref<632x16xf32, #tpu.memory_space<vmem_shared>>) target_semaphore(%run_scoped3A : memref<!tpu.dma_semaphore, #tpu.memory_space<semaphore_mem>>)
      %dma_wait3A = arith.constant 0 : i32
      %dma_wait3A_26 = tpu.memref_slice %arg10[%mul3A_2, %dma_wait3A] : memref<10112x16xf32, #tpu.memory_space<vmem_shared>> -> memref<632x16xf32, #tpu.memory_space<vmem_shared>>
      %dma_wait3A_27 = arith.constant 0 : i32
      %dma_wait3A_28 = tpu.memref_slice %arg10[%mul3A_2, %dma_wait3A_27] : memref<10112x16xf32, #tpu.memory_space<vmem_shared>> -> memref<632x16xf32, #tpu.memory_space<vmem_shared>>
      tpu.wait_dma2 semaphore(%run_scoped3A : memref<!tpu.dma_semaphore, #tpu.memory_space<semaphore_mem>>) src(%arg13 : memref<632x16xf32, #tpu.memory_space<vmem>>) dst(%dma_wait3A_28 : memref<632x16xf32, #tpu.memory_space<vmem_shared>>)
      tpu.yield
    }) : () -> ()
    %scan3A_8 = arith.constant 0 : i32
    %scan3A_9 = arith.constant 0 : i32
    %scan3A_10 = arith.constant 632 : i32
    %scan3A_11 = arith.addi %scan3A_9, %scan3A_10 : i32
    %scan3A_12 = arith.constant 1 : i32
    scf.for %scan3A_23 = %scan3A_9 to %scan3A_11 step %scan3A_12  : i32 {
      %broadcast_in_dim3A = arith.constant 0.000000e+00 : f32
      %broadcast_in_dim3A_24 = vector.broadcast %broadcast_in_dim3A : f32 to vector<16xf32>
      %swap3A = arith.index_cast %scan3A_23 : i32 to index
      %swap3A_25 = arith.constant 0 : index
      %swap3A_26 = tpu.vector_load %arg13[%swap3A, %swap3A_25] {strides = array<i32>} : memref<632x16xf32, #tpu.memory_space<vmem>>, vector<1x16xf32>,
      %swap3A_27 = vector.shape_cast %swap3A_26 : vector<1x16xf32> to vector<16xf32>
      %swap3A_28 = vector.shape_cast %broadcast_in_dim3A_24 : vector<16xf32> to vector<1x16xf32>
      tpu.vector_store %arg13[%swap3A, %swap3A_25], %swap3A_28 {strides = array<i32>} : memref<632x16xf32, #tpu.memory_space<vmem>>, vector<1x16xf32>,
    }
    %scan3A_13 = arith.constant 632 : i32
    "tpu.region"() ({
      %run_scoped3A = tpu.sem_alloc : memref<!tpu.dma_semaphore, #tpu.memory_space<semaphore_mem>>
      %dma_start3A = arith.constant 0 : i32
      %dma_start3A_23 = tpu.memref_slice %arg11[%mul3A_2, %dma_start3A] : memref<10112x16xf32, #tpu.memory_space<vmem_shared>> -> memref<632x16xf32, #tpu.memory_space<vmem_shared>>
      %dma_start3A_24 = arith.constant 0 : i32
      %dma_start3A_25 = tpu.memref_slice %arg11[%mul3A_2, %dma_start3A_24] : memref<10112x16xf32, #tpu.memory_space<vmem_shared>> -> memref<632x16xf32, #tpu.memory_space<vmem_shared>>
      tpu.enqueue_dma source(%arg13 : memref<632x16xf32, #tpu.memory_space<vmem>>) target(%dma_start3A_25 : memref<632x16xf32, #tpu.memory_space<vmem_shared>>) target_semaphore(%run_scoped3A : memref<!tpu.dma_semaphore, #tpu.memory_space<semaphore_mem>>)
      %dma_wait3A = arith.constant 0 : i32
      %dma_wait3A_26 = tpu.memref_slice %arg11[%mul3A_2, %dma_wait3A] : memref<10112x16xf32, #tpu.memory_space<vmem_shared>> -> memref<632x16xf32, #tpu.memory_space<vmem_shared>>
      %dma_wait3A_27 = arith.constant 0 : i32
      %dma_wait3A_28 = tpu.memref_slice %arg11[%mul3A_2, %dma_wait3A_27] : memref<10112x16xf32, #tpu.memory_space<vmem_shared>> -> memref<632x16xf32, #tpu.memory_space<vmem_shared>>
      tpu.wait_dma2 semaphore(%run_scoped3A : memref<!tpu.dma_semaphore, #tpu.memory_space<semaphore_mem>>) src(%arg13 : memref<632x16xf32, #tpu.memory_space<vmem>>) dst(%dma_wait3A_28 : memref<632x16xf32, #tpu.memory_space<vmem_shared>>)
      tpu.yield
    }) : () -> ()
    "tpu.region"() ({
      %run_scoped3A = tpu.sem_alloc : memref<!tpu.dma_semaphore, #tpu.memory_space<semaphore_mem>>
      %dma_start3A = arith.constant 0 : i32
      %dma_start3A_23 = tpu.memref_slice %arg12[%mul3A_2, %dma_start3A] : memref<10112x16xf32, #tpu.memory_space<vmem_shared>> -> memref<632x16xf32, #tpu.memory_space<vmem_shared>>
      %dma_start3A_24 = arith.constant 0 : i32
      %dma_start3A_25 = tpu.memref_slice %arg12[%mul3A_2, %dma_start3A_24] : memref<10112x16xf32, #tpu.memory_space<vmem_shared>> -> memref<632x16xf32, #tpu.memory_space<vmem_shared>>
      tpu.enqueue_dma source(%arg13 : memref<632x16xf32, #tpu.memory_space<vmem>>) target(%dma_start3A_25 : memref<632x16xf32, #tpu.memory_space<vmem_shared>>) target_semaphore(%run_scoped3A : memref<!tpu.dma_semaphore, #tpu.memory_space<semaphore_mem>>)
      %dma_wait3A = arith.constant 0 : i32
      %dma_wait3A_26 = tpu.memref_slice %arg12[%mul3A_2, %dma_wait3A] : memref<10112x16xf32, #tpu.memory_space<vmem_shared>> -> memref<632x16xf32, #tpu.memory_space<vmem_shared>>
      %dma_wait3A_27 = arith.constant 0 : i32
      %dma_wait3A_28 = tpu.memref_slice %arg12[%mul3A_2, %dma_wait3A_27] : memref<10112x16xf32, #tpu.memory_space<vmem_shared>> -> memref<632x16xf32, #tpu.memory_space<vmem_shared>>
      tpu.wait_dma2 semaphore(%run_scoped3A : memref<!tpu.dma_semaphore, #tpu.memory_space<semaphore_mem>>) src(%arg13 : memref<632x16xf32, #tpu.memory_space<vmem>>) dst(%dma_wait3A_28 : memref<632x16xf32, #tpu.memory_space<vmem_shared>>)
      tpu.yield
    }) : () -> ()
    %barrier3A = arith.constant 0 : index
    tpu.barrier barrier_id(%barrier3A)
    %mul3A_14 = arith.constant 6144 : i32
    %mul3A_15 = arith.muli %add3A, %mul3A_14 : i32
    %scan3A_16 = arith.constant 0 : i32
    %scan3A_17 = arith.constant 0 : i32
    %scan3A_18 = arith.constant 5 : i32
    %scan3A_19 = arith.addi %scan3A_17, %scan3A_18 : i32
    %scan3A_20 = arith.constant 1 : i32
    scf.for %scan3A_23 = %scan3A_17 to %scan3A_19 step %scan3A_20  : i32 {
      %mul3A_24 = arith.constant 1024 : i32
      %mul3A_25 = arith.muli %scan3A_23, %mul3A_24 : i32
      %add3A_26 = arith.addi %mul3A_15, %mul3A_25 : i32
      "tpu.region"() ({
        %run_scoped3A_72 = tpu.sem_alloc : memref<!tpu.dma_semaphore, #tpu.memory_space<semaphore_mem>>
        %dma_start3A_73 = tpu.memref_slice %arg5[%add3A_26] : memref<196608xi32, #tpu.memory_space<hbm>> -> memref<1024xi32, #tpu.memory_space<hbm>>
        %dma_start3A_74 = tpu.memref_slice %arg5[%add3A_26] : memref<196608xi32, #tpu.memory_space<hbm>> -> memref<1024xi32, #tpu.memory_space<hbm>>
        tpu.enqueue_dma source(%dma_start3A_74 : memref<1024xi32, #tpu.memory_space<hbm>>) target(%arg14 : memref<1024xi32, #tpu.memory_space<vmem>>) target_semaphore(%run_scoped3A_72 : memref<!tpu.dma_semaphore, #tpu.memory_space<semaphore_mem>>)
        %dma_wait3A_75 = tpu.memref_slice %arg5[%add3A_26] : memref<196608xi32, #tpu.memory_space<hbm>> -> memref<1024xi32, #tpu.memory_space<hbm>>
        %dma_wait3A_76 = tpu.memref_slice %arg5[%add3A_26] : memref<196608xi32, #tpu.memory_space<hbm>> -> memref<1024xi32, #tpu.memory_space<hbm>>
        tpu.wait_dma2 semaphore(%run_scoped3A_72 : memref<!tpu.dma_semaphore, #tpu.memory_space<semaphore_mem>>) src(%dma_wait3A_76 : memref<1024xi32, #tpu.memory_space<hbm>>) dst(%arg14 : memref<1024xi32, #tpu.memory_space<vmem>>)
        tpu.yield
      }) : () -> ()
      "tpu.region"() ({
        %run_scoped3A_72 = tpu.sem_alloc : memref<!tpu.dma_semaphore, #tpu.memory_space<semaphore_mem>>
        %dma_start3A_73 = tpu.memref_slice %arg6[%add3A_26] : memref<196608xi32, #tpu.memory_space<hbm>> -> memref<1024xi32, #tpu.memory_space<hbm>>
        %dma_start3A_74 = tpu.memref_slice %arg6[%add3A_26] : memref<196608xi32, #tpu.memory_space<hbm>> -> memref<1024xi32, #tpu.memory_space<hbm>>
        tpu.enqueue_dma source(%dma_start3A_74 : memref<1024xi32, #tpu.memory_space<hbm>>) target(%arg15 : memref<1024xi32, #tpu.memory_space<vmem>>) target_semaphore(%run_scoped3A_72 : memref<!tpu.dma_semaphore, #tpu.memory_space<semaphore_mem>>)
        %dma_wait3A_75 = tpu.memref_slice %arg6[%add3A_26] : memref<196608xi32, #tpu.memory_space<hbm>> -> memref<1024xi32, #tpu.memory_space<hbm>>
        %dma_wait3A_76 = tpu.memref_slice %arg6[%add3A_26] : memref<196608xi32, #tpu.memory_space<hbm>> -> memref<1024xi32, #tpu.memory_space<hbm>>
        tpu.wait_dma2 semaphore(%run_scoped3A_72 : memref<!tpu.dma_semaphore, #tpu.memory_space<semaphore_mem>>) src(%dma_wait3A_76 : memref<1024xi32, #tpu.memory_space<hbm>>) dst(%arg15 : memref<1024xi32, #tpu.memory_space<vmem>>)
        tpu.yield
      }) : () -> ()
      %scan3A_27 = arith.constant 0 : i32
      %scan3A_28 = arith.constant 0 : i32
      %scan3A_29 = arith.constant 32 : i32
      %scan3A_30 = arith.addi %scan3A_28, %scan3A_29 : i32
      %scan3A_31 = arith.constant 1 : i32
      scf.for %scan3A_72 = %scan3A_28 to %scan3A_30 step %scan3A_31  : i32 {
        %mul3A_73 = arith.constant 16 : i32
        %mul3A_74 = arith.muli %scan3A_72, %mul3A_73 : i32
        %add3A_75 = arith.constant 0 : i32
        %add3A_76 = arith.addi %add3A_75, %mul3A_74 : i32
        %get3A = arith.index_cast %add3A_76 : i32 to index
        %get3A_77 = tpu.vector_load %arg14[%get3A] {strides = array<i32>} : memref<1024xi32, #tpu.memory_space<vmem>>, vector<16xi32>,
        %get3A_78 = vector.shape_cast %get3A_77 : vector<16xi32> to vector<16xi32>
        %mul3A_79 = arith.constant 16 : i32
        %mul3A_80 = arith.muli %scan3A_72, %mul3A_79 : i32
        %add3A_81 = arith.constant 0 : i32
        %add3A_82 = arith.addi %add3A_81, %mul3A_80 : i32
        %get3A_83 = arith.index_cast %add3A_82 : i32 to index
        %get3A_84 = tpu.vector_load %arg15[%get3A_83] {strides = array<i32>} : memref<1024xi32, #tpu.memory_space<vmem>>, vector<16xi32>,
        %get3A_85 = vector.shape_cast %get3A_84 : vector<16xi32> to vector<16xi32>
        %mul3A_86 = arith.constant 10000 : i32
        %mul3A_87 = vector.broadcast %mul3A_86 : i32 to vector<16xi32>
        %mul3A_88 = arith.muli %get3A_78, %mul3A_87 : vector<16xi32>
        %add3A_89 = arith.addi %mul3A_88, %get3A_85 : vector<16xi32>
        %min3A = arith.constant 99999999 : i32
        %min3A_90 = vector.broadcast %min3A : i32 to vector<16xi32>
        %min3A_91 = arith.minsi %add3A_89, %min3A_90 : vector<16xi32>
        %mul3A_92 = arith.constant 16 : i32
        %mul3A_93 = arith.muli %scan3A_72, %mul3A_92 : i32
        %add3A_94 = arith.constant 0 : i32
        %add3A_95 = arith.addi %add3A_94, %mul3A_93 : i32
        %swap3A = arith.index_cast %add3A_95 : i32 to index
        %swap3A_96 = tpu.vector_load %arg16[%swap3A] {strides = array<i32>} : memref<1024xi32, #tpu.memory_space<vmem>>, vector<16xi32>,
        %swap3A_97 = vector.shape_cast %swap3A_96 : vector<16xi32> to vector<16xi32>
        %swap3A_98 = vector.shape_cast %min3A_91 : vector<16xi32> to vector<16xi32>
        tpu.vector_store %arg16[%swap3A], %swap3A_98 {strides = array<i32>} : memref<1024xi32, #tpu.memory_space<vmem>>, vector<16xi32>,
        %mul3A_99 = arith.constant 16 : i32
        %mul3A_100 = arith.muli %scan3A_72, %mul3A_99 : i32
        %swap3A_101 = arith.constant 0 : i32
        %swap3A_102 = arith.index_cast %swap3A_101 : i32 to index
        %swap3A_103 = arith.index_cast %mul3A_100 : i32 to index
        %swap3A_104 = tpu.vector_load %arg18[%swap3A_102, %swap3A_103] {strides = array<i32>} : memref<2x512xi32, #tpu.memory_space<vmem>>, vector<1x16xi32>,
        %swap3A_105 = vector.shape_cast %swap3A_104 : vector<1x16xi32> to vector<16xi32>
        %swap3A_106 = vector.shape_cast %get3A_78 : vector<16xi32> to vector<1x16xi32>
        tpu.vector_store %arg18[%swap3A_102, %swap3A_103], %swap3A_106 {strides = array<i32>} : memref<2x512xi32, #tpu.memory_space<vmem>>, vector<1x16xi32>,
        %mul3A_107 = arith.constant 16 : i32
        %mul3A_108 = arith.muli %scan3A_72, %mul3A_107 : i32
        %swap3A_109 = arith.constant 0 : i32
        %swap3A_110 = arith.index_cast %swap3A_109 : i32 to index
        %swap3A_111 = arith.index_cast %mul3A_108 : i32 to index
        %swap3A_112 = tpu.vector_load %arg19[%swap3A_110, %swap3A_111] {strides = array<i32>} : memref<2x512xi32, #tpu.memory_space<vmem>>, vector<1x16xi32>,
        %swap3A_113 = vector.shape_cast %swap3A_112 : vector<1x16xi32> to vector<16xi32>
        %swap3A_114 = vector.shape_cast %get3A_85 : vector<16xi32> to vector<1x16xi32>
        tpu.vector_store %arg19[%swap3A_110, %swap3A_111], %swap3A_114 {strides = array<i32>} : memref<2x512xi32, #tpu.memory_space<vmem>>, vector<1x16xi32>,
      }
      %scan3A_32 = arith.constant 32 : i32
      %scan3A_33 = arith.constant 0 : i32
      %scan3A_34 = arith.constant 0 : i32
      %scan3A_35 = arith.constant 32 : i32
      %scan3A_36 = arith.addi %scan3A_34, %scan3A_35 : i32
      %scan3A_37 = arith.constant 1 : i32
      scf.for %scan3A_72 = %scan3A_34 to %scan3A_36 step %scan3A_37  : i32 {
        %mul3A_73 = arith.constant 16 : i32
        %mul3A_74 = arith.muli %scan3A_72, %mul3A_73 : i32
        %add3A_75 = arith.constant 512 : i32
        %add3A_76 = arith.addi %add3A_75, %mul3A_74 : i32
        %get3A = arith.index_cast %add3A_76 : i32 to index
        %get3A_77 = tpu.vector_load %arg14[%get3A] {strides = array<i32>} : memref<1024xi32, #tpu.memory_space<vmem>>, vector<16xi32>,
        %get3A_78 = vector.shape_cast %get3A_77 : vector<16xi32> to vector<16xi32>
        %mul3A_79 = arith.constant 16 : i32
        %mul3A_80 = arith.muli %scan3A_72, %mul3A_79 : i32
        %add3A_81 = arith.constant 512 : i32
        %add3A_82 = arith.addi %add3A_81, %mul3A_80 : i32
        %get3A_83 = arith.index_cast %add3A_82 : i32 to index
        %get3A_84 = tpu.vector_load %arg15[%get3A_83] {strides = array<i32>} : memref<1024xi32, #tpu.memory_space<vmem>>, vector<16xi32>,
        %get3A_85 = vector.shape_cast %get3A_84 : vector<16xi32> to vector<16xi32>
        %mul3A_86 = arith.constant 10000 : i32
        %mul3A_87 = vector.broadcast %mul3A_86 : i32 to vector<16xi32>
        %mul3A_88 = arith.muli %get3A_78, %mul3A_87 : vector<16xi32>
        %add3A_89 = arith.addi %mul3A_88, %get3A_85 : vector<16xi32>
        %min3A = arith.constant 99999999 : i32
        %min3A_90 = vector.broadcast %min3A : i32 to vector<16xi32>
        %min3A_91 = arith.minsi %add3A_89, %min3A_90 : vector<16xi32>
        %mul3A_92 = arith.constant 16 : i32
        %mul3A_93 = arith.muli %scan3A_72, %mul3A_92 : i32
        %add3A_94 = arith.constant 512 : i32
        %add3A_95 = arith.addi %add3A_94, %mul3A_93 : i32
        %swap3A = arith.index_cast %add3A_95 : i32 to index
        %swap3A_96 = tpu.vector_load %arg16[%swap3A] {strides = array<i32>} : memref<1024xi32, #tpu.memory_space<vmem>>, vector<16xi32>,
        %swap3A_97 = vector.shape_cast %swap3A_96 : vector<16xi32> to vector<16xi32>
        %swap3A_98 = vector.shape_cast %min3A_91 : vector<16xi32> to vector<16xi32>
        tpu.vector_store %arg16[%swap3A], %swap3A_98 {strides = array<i32>} : memref<1024xi32, #tpu.memory_space<vmem>>, vector<16xi32>,
        %mul3A_99 = arith.constant 16 : i32
        %mul3A_100 = arith.muli %scan3A_72, %mul3A_99 : i32
        %swap3A_101 = arith.constant 1 : i32
        %swap3A_102 = arith.index_cast %swap3A_101 : i32 to index
        %swap3A_103 = arith.index_cast %mul3A_100 : i32 to index
        %swap3A_104 = tpu.vector_load %arg18[%swap3A_102, %swap3A_103] {strides = array<i32>} : memref<2x512xi32, #tpu.memory_space<vmem>>, vector<1x16xi32>,
        %swap3A_105 = vector.shape_cast %swap3A_104 : vector<1x16xi32> to vector<16xi32>
        %swap3A_106 = vector.shape_cast %get3A_78 : vector<16xi32> to vector<1x16xi32>
        tpu.vector_store %arg18[%swap3A_102, %swap3A_103], %swap3A_106 {strides = array<i32>} : memref<2x512xi32, #tpu.memory_space<vmem>>, vector<1x16xi32>,
        %mul3A_107 = arith.constant 16 : i32
        %mul3A_108 = arith.muli %scan3A_72, %mul3A_107 : i32
        %swap3A_109 = arith.constant 1 : i32
        %swap3A_110 = arith.index_cast %swap3A_109 : i32 to index
        %swap3A_111 = arith.index_cast %mul3A_108 : i32 to index
        %swap3A_112 = tpu.vector_load %arg19[%swap3A_110, %swap3A_111] {strides = array<i32>} : memref<2x512xi32, #tpu.memory_space<vmem>>, vector<1x16xi32>,
        %swap3A_113 = vector.shape_cast %swap3A_112 : vector<1x16xi32> to vector<16xi32>
        %swap3A_114 = vector.shape_cast %get3A_85 : vector<16xi32> to vector<1x16xi32>
        tpu.vector_store %arg19[%swap3A_110, %swap3A_111], %swap3A_114 {strides = array<i32>} : memref<2x512xi32, #tpu.memory_space<vmem>>, vector<1x16xi32>,
      }
      %scan3A_38 = arith.constant 32 : i32
      %dma_start3A = arith.constant 0 : i32
      %dma_start3A_39 = tpu.memref_slice %arg4[%dma_start3A] : memref<100000000xf32, #tpu.memory_space<hbm>> -> memref<100000000xf32, #tpu.memory_space<hbm>>
      tpu.enqueue_indirect_dma source(%dma_start3A_39 : memref<100000000xf32, #tpu.memory_space<hbm>>) target(%arg17 : memref<1024xf32, #tpu.memory_space<vmem>>) offsets(%arg16 : memref<1024xi32, #tpu.memory_space<vmem>>) semaphore(%arg24 : memref<!tpu.dma_semaphore, #tpu.memory_space<semaphore_mem>>)
      %dma_wait3A = arith.constant 0 : i32
      %dma_wait3A_40 = tpu.memref_slice %arg4[%dma_wait3A] : memref<100000000xf32, #tpu.memory_space<hbm>> -> memref<100000000xf32, #tpu.memory_space<hbm>>
      tpu.wait_indirect_dma semaphore(%arg24 : memref<!tpu.dma_semaphore, #tpu.memory_space<semaphore_mem>>) src(%dma_wait3A_40 : memref<100000000xf32, #tpu.memory_space<hbm>>) dst(%arg17 : memref<1024xf32, #tpu.memory_space<vmem>>)
      %dma_start3A_41 = arith.constant 0 : i32
      %dma_start3A_42 = arith.constant 0 : i32
      %dma_start3A_43 = tpu.memref_slice %arg9[%dma_start3A_41, %dma_start3A_42] : memref<10112x16xf32, #tpu.memory_space<vmem_shared>> -> memref<10112x16xf32, #tpu.memory_space<vmem_shared>>
      tpu.enqueue_indirect_dma source(%dma_start3A_43 : memref<10112x16xf32, #tpu.memory_space<vmem_shared>>) target(%arg20 : memref<1024x16xf32, #tpu.memory_space<vmem>>) offsets(%arg15 : memref<1024xi32, #tpu.memory_space<vmem>>) semaphore(%arg24 : memref<!tpu.dma_semaphore, #tpu.memory_space<semaphore_mem>>)
      %dma_wait3A_44 = arith.constant 0 : i32
      %dma_wait3A_45 = arith.constant 0 : i32
      %dma_wait3A_46 = tpu.memref_slice %arg9[%dma_wait3A_44, %dma_wait3A_45] : memref<10112x16xf32, #tpu.memory_space<vmem_shared>> -> memref<10112x16xf32, #tpu.memory_space<vmem_shared>>
      tpu.wait_indirect_dma semaphore(%arg24 : memref<!tpu.dma_semaphore, #tpu.memory_space<semaphore_mem>>) src(%dma_wait3A_46 : memref<10112x16xf32, #tpu.memory_space<vmem_shared>>) dst(%arg20 : memref<1024x16xf32, #tpu.memory_space<vmem>>)
      %dma_start3A_47 = arith.constant 0 : i32
      %dma_start3A_48 = arith.constant 0 : i32
      %dma_start3A_49 = tpu.memref_slice %arg10[%dma_start3A_47, %dma_start3A_48] : memref<10112x16xf32, #tpu.memory_space<vmem_shared>> -> memref<10112x16xf32, #tpu.memory_space<vmem_shared>>
      tpu.enqueue_indirect_dma source(%dma_start3A_49 : memref<10112x16xf32, #tpu.memory_space<vmem_shared>>) target(%arg21 : memref<1024x16xf32, #tpu.memory_space<vmem>>) offsets(%arg14 : memref<1024xi32, #tpu.memory_space<vmem>>) semaphore(%arg24 : memref<!tpu.dma_semaphore, #tpu.memory_space<semaphore_mem>>)
      %dma_wait3A_50 = arith.constant 0 : i32
      %dma_wait3A_51 = arith.constant 0 : i32
      %dma_wait3A_52 = tpu.memref_slice %arg10[%dma_wait3A_50, %dma_wait3A_51] : memref<10112x16xf32, #tpu.memory_space<vmem_shared>> -> memref<10112x16xf32, #tpu.memory_space<vmem_shared>>
      tpu.wait_indirect_dma semaphore(%arg24 : memref<!tpu.dma_semaphore, #tpu.memory_space<semaphore_mem>>) src(%dma_wait3A_52 : memref<10112x16xf32, #tpu.memory_space<vmem_shared>>) dst(%arg21 : memref<1024x16xf32, #tpu.memory_space<vmem>>)
      %scan3A_53 = arith.constant 0 : i32
      %scan3A_54 = arith.constant 0 : i32
      %scan3A_55 = arith.constant 32 : i32
      %scan3A_56 = arith.addi %scan3A_54, %scan3A_55 : i32
      %scan3A_57 = arith.constant 1 : i32
      scf.for %scan3A_72 = %scan3A_54 to %scan3A_56 step %scan3A_57  : i32 {
        %mul3A_73 = arith.constant 16 : i32
        %mul3A_74 = arith.muli %scan3A_72, %mul3A_73 : i32
        %add3A_75 = arith.constant 0 : i32
        %add3A_76 = arith.addi %add3A_75, %mul3A_74 : i32
        %get3A = arith.index_cast %add3A_76 : i32 to index
        %get3A_77 = tpu.vector_load %arg17[%get3A] {strides = array<i32>} : memref<1024xf32, #tpu.memory_space<vmem>>, vector<16xf32>,
        %get3A_78 = vector.shape_cast %get3A_77 : vector<16xf32> to vector<16xf32>
        %slice3A = vector.extract_strided_slice %get3A_78 {offsets = [0], sizes = [1], strides = [1]} : vector<16xf32> to vector<1xf32>
        %squeeze3A = vector.extract %slice3A[0] : f32 from vector<1xf32>
        %add3A_79 = arith.constant 0 : i32
        %add3A_80 = arith.addi %add3A_76, %add3A_79 : i32
        %get3A_81 = arith.index_cast %add3A_80 : i32 to index
        %get3A_82 = arith.constant 0 : index
        %get3A_83 = tpu.vector_load %arg20[%get3A_81, %get3A_82] {strides = array<i32>} : memref<1024x16xf32, #tpu.memory_space<vmem>>, vector<1x16xf32>,
        %get3A_84 = vector.shape_cast %get3A_83 : vector<1x16xf32> to vector<16xf32>
        %add3A_85 = arith.constant 0 : i32
        %add3A_86 = arith.addi %add3A_76, %add3A_85 : i32
        %get3A_87 = arith.index_cast %add3A_86 : i32 to index
        %get3A_88 = arith.constant 0 : index
        %get3A_89 = tpu.vector_load %arg21[%get3A_87, %get3A_88] {strides = array<i32>} : memref<1024x16xf32, #tpu.memory_space<vmem>>, vector<1x16xf32>,
        %get3A_90 = vector.shape_cast %get3A_89 : vector<1x16xf32> to vector<16xf32>
        %mul3A_91 = vector.broadcast %squeeze3A : f32 to vector<16xf32>
        %mul3A_92 = arith.mulf %get3A_84, %mul3A_91 : vector<16xf32>
        %mul3A_93 = arith.constant 16 : i32
        %mul3A_94 = arith.muli %scan3A_72, %mul3A_93 : i32
        %add3A_95 = arith.constant 0 : i32
        %add3A_96 = arith.addi %mul3A_94, %add3A_95 : i32
        %swap3A = arith.constant 0 : i32
        %swap3A_97 = arith.index_cast %swap3A : i32 to index
        %swap3A_98 = arith.index_cast %add3A_96 : i32 to index
        %swap3A_99 = arith.constant 0 : index
        %swap3A_100 = tpu.vector_load %arg22[%swap3A_97, %swap3A_98, %swap3A_99] {strides = array<i32>} : memref<2x512x16xf32, #tpu.memory_space<vmem>>, vector<1x1x16xf32>,
        %swap3A_101 = vector.shape_cast %swap3A_100 : vector<1x1x16xf32> to vector<16xf32>
        %swap3A_102 = vector.shape_cast %mul3A_92 : vector<16xf32> to vector<1x1x16xf32>
        tpu.vector_store %arg22[%swap3A_97, %swap3A_98, %swap3A_99], %swap3A_102 {strides = array<i32>} : memref<2x512x16xf32, #tpu.memory_space<vmem>>, vector<1x1x16xf32>,
        %mul3A_103 = arith.mulf %get3A_84, %get3A_84 : vector<16xf32>
        %sub3A = arith.constant 1.000000e+00 : f32
        %sub3A_104 = vector.broadcast %sub3A : f32 to vector<16xf32>
        %sub3A_105 = arith.subf %sub3A_104, %mul3A_103 : vector<16xf32>
        %mul3A_106 = vector.broadcast %squeeze3A : f32 to vector<16xf32>
        %mul3A_107 = arith.mulf %get3A_90, %mul3A_106 : vector<16xf32>
        %mul3A_108 = arith.mulf %sub3A_105, %mul3A_107 : vector<16xf32>
        %mul3A_109 = arith.constant 16 : i32
        %mul3A_110 = arith.muli %scan3A_72, %mul3A_109 : i32
        %add3A_111 = arith.constant 0 : i32
        %add3A_112 = arith.addi %mul3A_110, %add3A_111 : i32
        %swap3A_113 = arith.constant 0 : i32
        %swap3A_114 = arith.index_cast %swap3A_113 : i32 to index
        %swap3A_115 = arith.index_cast %add3A_112 : i32 to index
        %swap3A_116 = arith.constant 0 : index
        %swap3A_117 = tpu.vector_load %arg23[%swap3A_114, %swap3A_115, %swap3A_116] {strides = array<i32>} : memref<2x512x16xf32, #tpu.memory_space<vmem>>, vector<1x1x16xf32>,
        %swap3A_118 = vector.shape_cast %swap3A_117 : vector<1x1x16xf32> to vector<16xf32>
        %swap3A_119 = vector.shape_cast %mul3A_108 : vector<16xf32> to vector<1x1x16xf32>
        tpu.vector_store %arg23[%swap3A_114, %swap3A_115, %swap3A_116], %swap3A_119 {strides = array<i32>} : memref<2x512x16xf32, #tpu.memory_space<vmem>>, vector<1x1x16xf32>,
        %slice3A_120 = vector.extract_strided_slice %get3A_78 {offsets = [1], sizes = [1], strides = [1]} : vector<16xf32> to vector<1xf32>
        %squeeze3A_121 = vector.extract %slice3A_120[0] : f32 from vector<1xf32>
        %add3A_122 = arith.constant 1 : i32
        %add3A_123 = arith.addi %add3A_76, %add3A_122 : i32
        %get3A_124 = arith.index_cast %add3A_123 : i32 to index
        %get3A_125 = arith.constant 0 : index
        %get3A_126 = tpu.vector_load %arg20[%get3A_124, %get3A_125] {strides = array<i32>} : memref<1024x16xf32, #tpu.memory_space<vmem>>, vector<1x16xf32>,
        %get3A_127 = vector.shape_cast %get3A_126 : vector<1x16xf32> to vector<16xf32>
        %add3A_128 = arith.constant 1 : i32
        %add3A_129 = arith.addi %add3A_76, %add3A_128 : i32
        %get3A_130 = arith.index_cast %add3A_129 : i32 to index
        %get3A_131 = arith.constant 0 : index
        %get3A_132 = tpu.vector_load %arg21[%get3A_130, %get3A_131] {strides = array<i32>} : memref<1024x16xf32, #tpu.memory_space<vmem>>, vector<1x16xf32>,
        %get3A_133 = vector.shape_cast %get3A_132 : vector<1x16xf32> to vector<16xf32>
        %mul3A_134 = vector.broadcast %squeeze3A_121 : f32 to vector<16xf32>
        %mul3A_135 = arith.mulf %get3A_127, %mul3A_134 : vector<16xf32>
        %mul3A_136 = arith.constant 16 : i32
        %mul3A_137 = arith.muli %scan3A_72, %mul3A_136 : i32
        %add3A_138 = arith.constant 1 : i32
        %add3A_139 = arith.addi %mul3A_137, %add3A_138 : i32
        %swap3A_140 = arith.constant 0 : i32
        %swap3A_141 = arith.index_cast %swap3A_140 : i32 to index
        %swap3A_142 = arith.index_cast %add3A_139 : i32 to index
        %swap3A_143 = arith.constant 0 : index
        %swap3A_144 = tpu.vector_load %arg22[%swap3A_141, %swap3A_142, %swap3A_143] {strides = array<i32>} : memref<2x512x16xf32, #tpu.memory_space<vmem>>, vector<1x1x16xf32>,
        %swap3A_145 = vector.shape_cast %swap3A_144 : vector<1x1x16xf32> to vector<16xf32>
        %swap3A_146 = vector.shape_cast %mul3A_135 : vector<16xf32> to vector<1x1x16xf32>
        tpu.vector_store %arg22[%swap3A_141, %swap3A_142, %swap3A_143], %swap3A_146 {strides = array<i32>} : memref<2x512x16xf32, #tpu.memory_space<vmem>>, vector<1x1x16xf32>,
        %mul3A_147 = arith.mulf %get3A_127, %get3A_127 : vector<16xf32>
        %sub3A_148 = arith.constant 1.000000e+00 : f32
        %sub3A_149 = vector.broadcast %sub3A_148 : f32 to vector<16xf32>
        %sub3A_150 = arith.subf %sub3A_149, %mul3A_147 : vector<16xf32>
        %mul3A_151 = vector.broadcast %squeeze3A_121 : f32 to vector<16xf32>
        %mul3A_152 = arith.mulf %get3A_133, %mul3A_151 : vector<16xf32>
        %mul3A_153 = arith.mulf %sub3A_150, %mul3A_152 : vector<16xf32>
        %mul3A_154 = arith.constant 16 : i32
        %mul3A_155 = arith.muli %scan3A_72, %mul3A_154 : i32
        %add3A_156 = arith.constant 1 : i32
        %add3A_157 = arith.addi %mul3A_155, %add3A_156 : i32
        %swap3A_158 = arith.constant 0 : i32
        %swap3A_159 = arith.index_cast %swap3A_158 : i32 to index
        %swap3A_160 = arith.index_cast %add3A_157 : i32 to index
        %swap3A_161 = arith.constant 0 : index
        %swap3A_162 = tpu.vector_load %arg23[%swap3A_159, %swap3A_160, %swap3A_161] {strides = array<i32>} : memref<2x512x16xf32, #tpu.memory_space<vmem>>, vector<1x1x16xf32>,
        %swap3A_163 = vector.shape_cast %swap3A_162 : vector<1x1x16xf32> to vector<16xf32>
        %swap3A_164 = vector.shape_cast %mul3A_153 : vector<16xf32> to vector<1x1x16xf32>
        tpu.vector_store %arg23[%swap3A_159, %swap3A_160, %swap3A_161], %swap3A_164 {strides = array<i32>} : memref<2x512x16xf32, #tpu.memory_space<vmem>>, vector<1x1x16xf32>,
        %slice3A_165 = vector.extract_strided_slice %get3A_78 {offsets = [2], sizes = [1], strides = [1]} : vector<16xf32> to vector<1xf32>
        %squeeze3A_166 = vector.extract %slice3A_165[0] : f32 from vector<1xf32>
        %add3A_167 = arith.constant 2 : i32
        %add3A_168 = arith.addi %add3A_76, %add3A_167 : i32
        %get3A_169 = arith.index_cast %add3A_168 : i32 to index
        %get3A_170 = arith.constant 0 : index
        %get3A_171 = tpu.vector_load %arg20[%get3A_169, %get3A_170] {strides = array<i32>} : memref<1024x16xf32, #tpu.memory_space<vmem>>, vector<1x16xf32>,
        %get3A_172 = vector.shape_cast %get3A_171 : vector<1x16xf32> to vector<16xf32>
        %add3A_173 = arith.constant 2 : i32
        %add3A_174 = arith.addi %add3A_76, %add3A_173 : i32
        %get3A_175 = arith.index_cast %add3A_174 : i32 to index
        %get3A_176 = arith.constant 0 : index
        %get3A_177 = tpu.vector_load %arg21[%get3A_175, %get3A_176] {strides = array<i32>} : memref<1024x16xf32, #tpu.memory_space<vmem>>, vector<1x16xf32>,
        %get3A_178 = vector.shape_cast %get3A_177 : vector<1x16xf32> to vector<16xf32>
        %mul3A_179 = vector.broadcast %squeeze3A_166 : f32 to vector<16xf32>
        %mul3A_180 = arith.mulf %get3A_172, %mul3A_179 : vector<16xf32>
        %mul3A_181 = arith.constant 16 : i32
        %mul3A_182 = arith.muli %scan3A_72, %mul3A_181 : i32
        %add3A_183 = arith.constant 2 : i32
        %add3A_184 = arith.addi %mul3A_182, %add3A_183 : i32
        %swap3A_185 = arith.constant 0 : i32
        %swap3A_186 = arith.index_cast %swap3A_185 : i32 to index
        %swap3A_187 = arith.index_cast %add3A_184 : i32 to index
        %swap3A_188 = arith.constant 0 : index
        %swap3A_189 = tpu.vector_load %arg22[%swap3A_186, %swap3A_187, %swap3A_188] {strides = array<i32>} : memref<2x512x16xf32, #tpu.memory_space<vmem>>, vector<1x1x16xf32>,
        %swap3A_190 = vector.shape_cast %swap3A_189 : vector<1x1x16xf32> to vector<16xf32>
        %swap3A_191 = vector.shape_cast %mul3A_180 : vector<16xf32> to vector<1x1x16xf32>
        tpu.vector_store %arg22[%swap3A_186, %swap3A_187, %swap3A_188], %swap3A_191 {strides = array<i32>} : memref<2x512x16xf32, #tpu.memory_space<vmem>>, vector<1x1x16xf32>,
        %mul3A_192 = arith.mulf %get3A_172, %get3A_172 : vector<16xf32>
        %sub3A_193 = arith.constant 1.000000e+00 : f32
        %sub3A_194 = vector.broadcast %sub3A_193 : f32 to vector<16xf32>
        %sub3A_195 = arith.subf %sub3A_194, %mul3A_192 : vector<16xf32>
        %mul3A_196 = vector.broadcast %squeeze3A_166 : f32 to vector<16xf32>
        %mul3A_197 = arith.mulf %get3A_178, %mul3A_196 : vector<16xf32>
        %mul3A_198 = arith.mulf %sub3A_195, %mul3A_197 : vector<16xf32>
        %mul3A_199 = arith.constant 16 : i32
        %mul3A_200 = arith.muli %scan3A_72, %mul3A_199 : i32
        %add3A_201 = arith.constant 2 : i32
        %add3A_202 = arith.addi %mul3A_200, %add3A_201 : i32
        %swap3A_203 = arith.constant 0 : i32
        %swap3A_204 = arith.index_cast %swap3A_203 : i32 to index
        %swap3A_205 = arith.index_cast %add3A_202 : i32 to index
        %swap3A_206 = arith.constant 0 : index
        %swap3A_207 = tpu.vector_load %arg23[%swap3A_204, %swap3A_205, %swap3A_206] {strides = array<i32>} : memref<2x512x16xf32, #tpu.memory_space<vmem>>, vector<1x1x16xf32>,
        %swap3A_208 = vector.shape_cast %swap3A_207 : vector<1x1x16xf32> to vector<16xf32>
        %swap3A_209 = vector.shape_cast %mul3A_198 : vector<16xf32> to vector<1x1x16xf32>
        tpu.vector_store %arg23[%swap3A_204, %swap3A_205, %swap3A_206], %swap3A_209 {strides = array<i32>} : memref<2x512x16xf32, #tpu.memory_space<vmem>>, vector<1x1x16xf32>,
        %slice3A_210 = vector.extract_strided_slice %get3A_78 {offsets = [3], sizes = [1], strides = [1]} : vector<16xf32> to vector<1xf32>
        %squeeze3A_211 = vector.extract %slice3A_210[0] : f32 from vector<1xf32>
        %add3A_212 = arith.constant 3 : i32
        %add3A_213 = arith.addi %add3A_76, %add3A_212 : i32
        %get3A_214 = arith.index_cast %add3A_213 : i32 to index
        %get3A_215 = arith.constant 0 : index
        %get3A_216 = tpu.vector_load %arg20[%get3A_214, %get3A_215] {strides = array<i32>} : memref<1024x16xf32, #tpu.memory_space<vmem>>, vector<1x16xf32>,
        %get3A_217 = vector.shape_cast %get3A_216 : vector<1x16xf32> to vector<16xf32>
        %add3A_218 = arith.constant 3 : i32
        %add3A_219 = arith.addi %add3A_76, %add3A_218 : i32
        %get3A_220 = arith.index_cast %add3A_219 : i32 to index
        %get3A_221 = arith.constant 0 : index
        %get3A_222 = tpu.vector_load %arg21[%get3A_220, %get3A_221] {strides = array<i32>} : memref<1024x16xf32, #tpu.memory_space<vmem>>, vector<1x16xf32>,
        %get3A_223 = vector.shape_cast %get3A_222 : vector<1x16xf32> to vector<16xf32>
        %mul3A_224 = vector.broadcast %squeeze3A_211 : f32 to vector<16xf32>
        %mul3A_225 = arith.mulf %get3A_217, %mul3A_224 : vector<16xf32>
        %mul3A_226 = arith.constant 16 : i32
        %mul3A_227 = arith.muli %scan3A_72, %mul3A_226 : i32
        %add3A_228 = arith.constant 3 : i32
        %add3A_229 = arith.addi %mul3A_227, %add3A_228 : i32
        %swap3A_230 = arith.constant 0 : i32
        %swap3A_231 = arith.index_cast %swap3A_230 : i32 to index
        %swap3A_232 = arith.index_cast %add3A_229 : i32 to index
        %swap3A_233 = arith.constant 0 : index
        %swap3A_234 = tpu.vector_load %arg22[%swap3A_231, %swap3A_232, %swap3A_233] {strides = array<i32>} : memref<2x512x16xf32, #tpu.memory_space<vmem>>, vector<1x1x16xf32>,
        %swap3A_235 = vector.shape_cast %swap3A_234 : vector<1x1x16xf32> to vector<16xf32>
        %swap3A_236 = vector.shape_cast %mul3A_225 : vector<16xf32> to vector<1x1x16xf32>
        tpu.vector_store %arg22[%swap3A_231, %swap3A_232, %swap3A_233], %swap3A_236 {strides = array<i32>} : memref<2x512x16xf32, #tpu.memory_space<vmem>>, vector<1x1x16xf32>,
        %mul3A_237 = arith.mulf %get3A_217, %get3A_217 : vector<16xf32>
        %sub3A_238 = arith.constant 1.000000e+00 : f32
        %sub3A_239 = vector.broadcast %sub3A_238 : f32 to vector<16xf32>
        %sub3A_240 = arith.subf %sub3A_239, %mul3A_237 : vector<16xf32>
        %mul3A_241 = vector.broadcast %squeeze3A_211 : f32 to vector<16xf32>
        %mul3A_242 = arith.mulf %get3A_223, %mul3A_241 : vector<16xf32>
        %mul3A_243 = arith.mulf %sub3A_240, %mul3A_242 : vector<16xf32>
        %mul3A_244 = arith.constant 16 : i32
        %mul3A_245 = arith.muli %scan3A_72, %mul3A_244 : i32
        %add3A_246 = arith.constant 3 : i32
        %add3A_247 = arith.addi %mul3A_245, %add3A_246 : i32
        %swap3A_248 = arith.constant 0 : i32
        %swap3A_249 = arith.index_cast %swap3A_248 : i32 to index
        %swap3A_250 = arith.index_cast %add3A_247 : i32 to index
        %swap3A_251 = arith.constant 0 : index
        %swap3A_252 = tpu.vector_load %arg23[%swap3A_249, %swap3A_250, %swap3A_251] {strides = array<i32>} : memref<2x512x16xf32, #tpu.memory_space<vmem>>, vector<1x1x16xf32>,
        %swap3A_253 = vector.shape_cast %swap3A_252 : vector<1x1x16xf32> to vector<16xf32>
        %swap3A_254 = vector.shape_cast %mul3A_243 : vector<16xf32> to vector<1x1x16xf32>
        tpu.vector_store %arg23[%swap3A_249, %swap3A_250, %swap3A_251], %swap3A_254 {strides = array<i32>} : memref<2x512x16xf32, #tpu.memory_space<vmem>>, vector<1x1x16xf32>,
        %slice3A_255 = vector.extract_strided_slice %get3A_78 {offsets = [4], sizes = [1], strides = [1]} : vector<16xf32> to vector<1xf32>
        %squeeze3A_256 = vector.extract %slice3A_255[0] : f32 from vector<1xf32>
        %add3A_257 = arith.constant 4 : i32
        %add3A_258 = arith.addi %add3A_76, %add3A_257 : i32
        %get3A_259 = arith.index_cast %add3A_258 : i32 to index
        %get3A_260 = arith.constant 0 : index
        %get3A_261 = tpu.vector_load %arg20[%get3A_259, %get3A_260] {strides = array<i32>} : memref<1024x16xf32, #tpu.memory_space<vmem>>, vector<1x16xf32>,
        %get3A_262 = vector.shape_cast %get3A_261 : vector<1x16xf32> to vector<16xf32>
        %add3A_263 = arith.constant 4 : i32
        %add3A_264 = arith.addi %add3A_76, %add3A_263 : i32
        %get3A_265 = arith.index_cast %add3A_264 : i32 to index
        %get3A_266 = arith.constant 0 : index
        %get3A_267 = tpu.vector_load %arg21[%get3A_265, %get3A_266] {strides = array<i32>} : memref<1024x16xf32, #tpu.memory_space<vmem>>, vector<1x16xf32>,
        %get3A_268 = vector.shape_cast %get3A_267 : vector<1x16xf32> to vector<16xf32>
        %mul3A_269 = vector.broadcast %squeeze3A_256 : f32 to vector<16xf32>
        %mul3A_270 = arith.mulf %get3A_262, %mul3A_269 : vector<16xf32>
        %mul3A_271 = arith.constant 16 : i32
        %mul3A_272 = arith.muli %scan3A_72, %mul3A_271 : i32
        %add3A_273 = arith.constant 4 : i32
        %add3A_274 = arith.addi %mul3A_272, %add3A_273 : i32
        %swap3A_275 = arith.constant 0 : i32
        %swap3A_276 = arith.index_cast %swap3A_275 : i32 to index
        %swap3A_277 = arith.index_cast %add3A_274 : i32 to index
        %swap3A_278 = arith.constant 0 : index
        %swap3A_279 = tpu.vector_load %arg22[%swap3A_276, %swap3A_277, %swap3A_278] {strides = array<i32>} : memref<2x512x16xf32, #tpu.memory_space<vmem>>, vector<1x1x16xf32>,
        %swap3A_280 = vector.shape_cast %swap3A_279 : vector<1x1x16xf32> to vector<16xf32>
        %swap3A_281 = vector.shape_cast %mul3A_270 : vector<16xf32> to vector<1x1x16xf32>
        tpu.vector_store %arg22[%swap3A_276, %swap3A_277, %swap3A_278], %swap3A_281 {strides = array<i32>} : memref<2x512x16xf32, #tpu.memory_space<vmem>>, vector<1x1x16xf32>,
        %mul3A_282 = arith.mulf %get3A_262, %get3A_262 : vector<16xf32>
        %sub3A_283 = arith.constant 1.000000e+00 : f32
        %sub3A_284 = vector.broadcast %sub3A_283 : f32 to vector<16xf32>
        %sub3A_285 = arith.subf %sub3A_284, %mul3A_282 : vector<16xf32>
        %mul3A_286 = vector.broadcast %squeeze3A_256 : f32 to vector<16xf32>
        %mul3A_287 = arith.mulf %get3A_268, %mul3A_286 : vector<16xf32>
        %mul3A_288 = arith.mulf %sub3A_285, %mul3A_287 : vector<16xf32>
        %mul3A_289 = arith.constant 16 : i32
        %mul3A_290 = arith.muli %scan3A_72, %mul3A_289 : i32
        %add3A_291 = arith.constant 4 : i32
        %add3A_292 = arith.addi %mul3A_290, %add3A_291 : i32
        %swap3A_293 = arith.constant 0 : i32
        %swap3A_294 = arith.index_cast %swap3A_293 : i32 to index
        %swap3A_295 = arith.index_cast %add3A_292 : i32 to index
        %swap3A_296 = arith.constant 0 : index
        %swap3A_297 = tpu.vector_load %arg23[%swap3A_294, %swap3A_295, %swap3A_296] {strides = array<i32>} : memref<2x512x16xf32, #tpu.memory_space<vmem>>, vector<1x1x16xf32>,
        %swap3A_298 = vector.shape_cast %swap3A_297 : vector<1x1x16xf32> to vector<16xf32>
        %swap3A_299 = vector.shape_cast %mul3A_288 : vector<16xf32> to vector<1x1x16xf32>
        tpu.vector_store %arg23[%swap3A_294, %swap3A_295, %swap3A_296], %swap3A_299 {strides = array<i32>} : memref<2x512x16xf32, #tpu.memory_space<vmem>>, vector<1x1x16xf32>,
        %slice3A_300 = vector.extract_strided_slice %get3A_78 {offsets = [5], sizes = [1], strides = [1]} : vector<16xf32> to vector<1xf32>
        %squeeze3A_301 = vector.extract %slice3A_300[0] : f32 from vector<1xf32>
        %add3A_302 = arith.constant 5 : i32
        %add3A_303 = arith.addi %add3A_76, %add3A_302 : i32
        %get3A_304 = arith.index_cast %add3A_303 : i32 to index
        %get3A_305 = arith.constant 0 : index
        %get3A_306 = tpu.vector_load %arg20[%get3A_304, %get3A_305] {strides = array<i32>} : memref<1024x16xf32, #tpu.memory_space<vmem>>, vector<1x16xf32>,
        %get3A_307 = vector.shape_cast %get3A_306 : vector<1x16xf32> to vector<16xf32>
        %add3A_308 = arith.constant 5 : i32
        %add3A_309 = arith.addi %add3A_76, %add3A_308 : i32
        %get3A_310 = arith.index_cast %add3A_309 : i32 to index
        %get3A_311 = arith.constant 0 : index
        %get3A_312 = tpu.vector_load %arg21[%get3A_310, %get3A_311] {strides = array<i32>} : memref<1024x16xf32, #tpu.memory_space<vmem>>, vector<1x16xf32>,
        %get3A_313 = vector.shape_cast %get3A_312 : vector<1x16xf32> to vector<16xf32>
        %mul3A_314 = vector.broadcast %squeeze3A_301 : f32 to vector<16xf32>
        %mul3A_315 = arith.mulf %get3A_307, %mul3A_314 : vector<16xf32>
        %mul3A_316 = arith.constant 16 : i32
        %mul3A_317 = arith.muli %scan3A_72, %mul3A_316 : i32
        %add3A_318 = arith.constant 5 : i32
        %add3A_319 = arith.addi %mul3A_317, %add3A_318 : i32
        %swap3A_320 = arith.constant 0 : i32
        %swap3A_321 = arith.index_cast %swap3A_320 : i32 to index
        %swap3A_322 = arith.index_cast %add3A_319 : i32 to index
        %swap3A_323 = arith.constant 0 : index
        %swap3A_324 = tpu.vector_load %arg22[%swap3A_321, %swap3A_322, %swap3A_323] {strides = array<i32>} : memref<2x512x16xf32, #tpu.memory_space<vmem>>, vector<1x1x16xf32>,
        %swap3A_325 = vector.shape_cast %swap3A_324 : vector<1x1x16xf32> to vector<16xf32>
        %swap3A_326 = vector.shape_cast %mul3A_315 : vector<16xf32> to vector<1x1x16xf32>
        tpu.vector_store %arg22[%swap3A_321, %swap3A_322, %swap3A_323], %swap3A_326 {strides = array<i32>} : memref<2x512x16xf32, #tpu.memory_space<vmem>>, vector<1x1x16xf32>,
        %mul3A_327 = arith.mulf %get3A_307, %get3A_307 : vector<16xf32>
        %sub3A_328 = arith.constant 1.000000e+00 : f32
        %sub3A_329 = vector.broadcast %sub3A_328 : f32 to vector<16xf32>
        %sub3A_330 = arith.subf %sub3A_329, %mul3A_327 : vector<16xf32>
        %mul3A_331 = vector.broadcast %squeeze3A_301 : f32 to vector<16xf32>
        %mul3A_332 = arith.mulf %get3A_313, %mul3A_331 : vector<16xf32>
        %mul3A_333 = arith.mulf %sub3A_330, %mul3A_332 : vector<16xf32>
        %mul3A_334 = arith.constant 16 : i32
        %mul3A_335 = arith.muli %scan3A_72, %mul3A_334 : i32
        %add3A_336 = arith.constant 5 : i32
        %add3A_337 = arith.addi %mul3A_335, %add3A_336 : i32
        %swap3A_338 = arith.constant 0 : i32
        %swap3A_339 = arith.index_cast %swap3A_338 : i32 to index
        %swap3A_340 = arith.index_cast %add3A_337 : i32 to index
        %swap3A_341 = arith.constant 0 : index
        %swap3A_342 = tpu.vector_load %arg23[%swap3A_339, %swap3A_340, %swap3A_341] {strides = array<i32>} : memref<2x512x16xf32, #tpu.memory_space<vmem>>, vector<1x1x16xf32>,
        %swap3A_343 = vector.shape_cast %swap3A_342 : vector<1x1x16xf32> to vector<16xf32>
        %swap3A_344 = vector.shape_cast %mul3A_333 : vector<16xf32> to vector<1x1x16xf32>
        tpu.vector_store %arg23[%swap3A_339, %swap3A_340, %swap3A_341], %swap3A_344 {strides = array<i32>} : memref<2x512x16xf32, #tpu.memory_space<vmem>>, vector<1x1x16xf32>,
        %slice3A_345 = vector.extract_strided_slice %get3A_78 {offsets = [6], sizes = [1], strides = [1]} : vector<16xf32> to vector<1xf32>
        %squeeze3A_346 = vector.extract %slice3A_345[0] : f32 from vector<1xf32>
        %add3A_347 = arith.constant 6 : i32
        %add3A_348 = arith.addi %add3A_76, %add3A_347 : i32
        %get3A_349 = arith.index_cast %add3A_348 : i32 to index
        %get3A_350 = arith.constant 0 : index
        %get3A_351 = tpu.vector_load %arg20[%get3A_349, %get3A_350] {strides = array<i32>} : memref<1024x16xf32, #tpu.memory_space<vmem>>, vector<1x16xf32>,
        %get3A_352 = vector.shape_cast %get3A_351 : vector<1x16xf32> to vector<16xf32>
        %add3A_353 = arith.constant 6 : i32
        %add3A_354 = arith.addi %add3A_76, %add3A_353 : i32
        %get3A_355 = arith.index_cast %add3A_354 : i32 to index
        %get3A_356 = arith.constant 0 : index
        %get3A_357 = tpu.vector_load %arg21[%get3A_355, %get3A_356] {strides = array<i32>} : memref<1024x16xf32, #tpu.memory_space<vmem>>, vector<1x16xf32>,
        %get3A_358 = vector.shape_cast %get3A_357 : vector<1x16xf32> to vector<16xf32>
        %mul3A_359 = vector.broadcast %squeeze3A_346 : f32 to vector<16xf32>
        %mul3A_360 = arith.mulf %get3A_352, %mul3A_359 : vector<16xf32>
        %mul3A_361 = arith.constant 16 : i32
        %mul3A_362 = arith.muli %scan3A_72, %mul3A_361 : i32
        %add3A_363 = arith.constant 6 : i32
        %add3A_364 = arith.addi %mul3A_362, %add3A_363 : i32
        %swap3A_365 = arith.constant 0 : i32
        %swap3A_366 = arith.index_cast %swap3A_365 : i32 to index
        %swap3A_367 = arith.index_cast %add3A_364 : i32 to index
        %swap3A_368 = arith.constant 0 : index
        %swap3A_369 = tpu.vector_load %arg22[%swap3A_366, %swap3A_367, %swap3A_368] {strides = array<i32>} : memref<2x512x16xf32, #tpu.memory_space<vmem>>, vector<1x1x16xf32>,
        %swap3A_370 = vector.shape_cast %swap3A_369 : vector<1x1x16xf32> to vector<16xf32>
        %swap3A_371 = vector.shape_cast %mul3A_360 : vector<16xf32> to vector<1x1x16xf32>
        tpu.vector_store %arg22[%swap3A_366, %swap3A_367, %swap3A_368], %swap3A_371 {strides = array<i32>} : memref<2x512x16xf32, #tpu.memory_space<vmem>>, vector<1x1x16xf32>,
        %mul3A_372 = arith.mulf %get3A_352, %get3A_352 : vector<16xf32>
        %sub3A_373 = arith.constant 1.000000e+00 : f32
        %sub3A_374 = vector.broadcast %sub3A_373 : f32 to vector<16xf32>
        %sub3A_375 = arith.subf %sub3A_374, %mul3A_372 : vector<16xf32>
        %mul3A_376 = vector.broadcast %squeeze3A_346 : f32 to vector<16xf32>
        %mul3A_377 = arith.mulf %get3A_358, %mul3A_376 : vector<16xf32>
        %mul3A_378 = arith.mulf %sub3A_375, %mul3A_377 : vector<16xf32>
        %mul3A_379 = arith.constant 16 : i32
        %mul3A_380 = arith.muli %scan3A_72, %mul3A_379 : i32
        %add3A_381 = arith.constant 6 : i32
        %add3A_382 = arith.addi %mul3A_380, %add3A_381 : i32
        %swap3A_383 = arith.constant 0 : i32
        %swap3A_384 = arith.index_cast %swap3A_383 : i32 to index
        %swap3A_385 = arith.index_cast %add3A_382 : i32 to index
        %swap3A_386 = arith.constant 0 : index
        %swap3A_387 = tpu.vector_load %arg23[%swap3A_384, %swap3A_385, %swap3A_386] {strides = array<i32>} : memref<2x512x16xf32, #tpu.memory_space<vmem>>, vector<1x1x16xf32>,
        %swap3A_388 = vector.shape_cast %swap3A_387 : vector<1x1x16xf32> to vector<16xf32>
        %swap3A_389 = vector.shape_cast %mul3A_378 : vector<16xf32> to vector<1x1x16xf32>
        tpu.vector_store %arg23[%swap3A_384, %swap3A_385, %swap3A_386], %swap3A_389 {strides = array<i32>} : memref<2x512x16xf32, #tpu.memory_space<vmem>>, vector<1x1x16xf32>,
        %slice3A_390 = vector.extract_strided_slice %get3A_78 {offsets = [7], sizes = [1], strides = [1]} : vector<16xf32> to vector<1xf32>
        %squeeze3A_391 = vector.extract %slice3A_390[0] : f32 from vector<1xf32>
        %add3A_392 = arith.constant 7 : i32
        %add3A_393 = arith.addi %add3A_76, %add3A_392 : i32
        %get3A_394 = arith.index_cast %add3A_393 : i32 to index
        %get3A_395 = arith.constant 0 : index
        %get3A_396 = tpu.vector_load %arg20[%get3A_394, %get3A_395] {strides = array<i32>} : memref<1024x16xf32, #tpu.memory_space<vmem>>, vector<1x16xf32>,
        %get3A_397 = vector.shape_cast %get3A_396 : vector<1x16xf32> to vector<16xf32>
        %add3A_398 = arith.constant 7 : i32
        %add3A_399 = arith.addi %add3A_76, %add3A_398 : i32
        %get3A_400 = arith.index_cast %add3A_399 : i32 to index
        %get3A_401 = arith.constant 0 : index
        %get3A_402 = tpu.vector_load %arg21[%get3A_400, %get3A_401] {strides = array<i32>} : memref<1024x16xf32, #tpu.memory_space<vmem>>, vector<1x16xf32>,
        %get3A_403 = vector.shape_cast %get3A_402 : vector<1x16xf32> to vector<16xf32>
        %mul3A_404 = vector.broadcast %squeeze3A_391 : f32 to vector<16xf32>
        %mul3A_405 = arith.mulf %get3A_397, %mul3A_404 : vector<16xf32>
        %mul3A_406 = arith.constant 16 : i32
        %mul3A_407 = arith.muli %scan3A_72, %mul3A_406 : i32
        %add3A_408 = arith.constant 7 : i32
        %add3A_409 = arith.addi %mul3A_407, %add3A_408 : i32
        %swap3A_410 = arith.constant 0 : i32
        %swap3A_411 = arith.index_cast %swap3A_410 : i32 to index
        %swap3A_412 = arith.index_cast %add3A_409 : i32 to index
        %swap3A_413 = arith.constant 0 : index
        %swap3A_414 = tpu.vector_load %arg22[%swap3A_411, %swap3A_412, %swap3A_413] {strides = array<i32>} : memref<2x512x16xf32, #tpu.memory_space<vmem>>, vector<1x1x16xf32>,
        %swap3A_415 = vector.shape_cast %swap3A_414 : vector<1x1x16xf32> to vector<16xf32>
        %swap3A_416 = vector.shape_cast %mul3A_405 : vector<16xf32> to vector<1x1x16xf32>
        tpu.vector_store %arg22[%swap3A_411, %swap3A_412, %swap3A_413], %swap3A_416 {strides = array<i32>} : memref<2x512x16xf32, #tpu.memory_space<vmem>>, vector<1x1x16xf32>,
        %mul3A_417 = arith.mulf %get3A_397, %get3A_397 : vector<16xf32>
        %sub3A_418 = arith.constant 1.000000e+00 : f32
        %sub3A_419 = vector.broadcast %sub3A_418 : f32 to vector<16xf32>
        %sub3A_420 = arith.subf %sub3A_419, %mul3A_417 : vector<16xf32>
        %mul3A_421 = vector.broadcast %squeeze3A_391 : f32 to vector<16xf32>
        %mul3A_422 = arith.mulf %get3A_403, %mul3A_421 : vector<16xf32>
        %mul3A_423 = arith.mulf %sub3A_420, %mul3A_422 : vector<16xf32>
        %mul3A_424 = arith.constant 16 : i32
        %mul3A_425 = arith.muli %scan3A_72, %mul3A_424 : i32
        %add3A_426 = arith.constant 7 : i32
        %add3A_427 = arith.addi %mul3A_425, %add3A_426 : i32
        %swap3A_428 = arith.constant 0 : i32
        %swap3A_429 = arith.index_cast %swap3A_428 : i32 to index
        %swap3A_430 = arith.index_cast %add3A_427 : i32 to index
        %swap3A_431 = arith.constant 0 : index
        %swap3A_432 = tpu.vector_load %arg23[%swap3A_429, %swap3A_430, %swap3A_431] {strides = array<i32>} : memref<2x512x16xf32, #tpu.memory_space<vmem>>, vector<1x1x16xf32>,
        %swap3A_433 = vector.shape_cast %swap3A_432 : vector<1x1x16xf32> to vector<16xf32>
        %swap3A_434 = vector.shape_cast %mul3A_423 : vector<16xf32> to vector<1x1x16xf32>
        tpu.vector_store %arg23[%swap3A_429, %swap3A_430, %swap3A_431], %swap3A_434 {strides = array<i32>} : memref<2x512x16xf32, #tpu.memory_space<vmem>>, vector<1x1x16xf32>,
        %slice3A_435 = vector.extract_strided_slice %get3A_78 {offsets = [8], sizes = [1], strides = [1]} : vector<16xf32> to vector<1xf32>
        %squeeze3A_436 = vector.extract %slice3A_435[0] : f32 from vector<1xf32>
        %add3A_437 = arith.constant 8 : i32
        %add3A_438 = arith.addi %add3A_76, %add3A_437 : i32
        %get3A_439 = arith.index_cast %add3A_438 : i32 to index
        %get3A_440 = arith.constant 0 : index
        %get3A_441 = tpu.vector_load %arg20[%get3A_439, %get3A_440] {strides = array<i32>} : memref<1024x16xf32, #tpu.memory_space<vmem>>, vector<1x16xf32>,
        %get3A_442 = vector.shape_cast %get3A_441 : vector<1x16xf32> to vector<16xf32>
        %add3A_443 = arith.constant 8 : i32
        %add3A_444 = arith.addi %add3A_76, %add3A_443 : i32
        %get3A_445 = arith.index_cast %add3A_444 : i32 to index
        %get3A_446 = arith.constant 0 : index
        %get3A_447 = tpu.vector_load %arg21[%get3A_445, %get3A_446] {strides = array<i32>} : memref<1024x16xf32, #tpu.memory_space<vmem>>, vector<1x16xf32>,
        %get3A_448 = vector.shape_cast %get3A_447 : vector<1x16xf32> to vector<16xf32>
        %mul3A_449 = vector.broadcast %squeeze3A_436 : f32 to vector<16xf32>
        %mul3A_450 = arith.mulf %get3A_442, %mul3A_449 : vector<16xf32>
        %mul3A_451 = arith.constant 16 : i32
        %mul3A_452 = arith.muli %scan3A_72, %mul3A_451 : i32
        %add3A_453 = arith.constant 8 : i32
        %add3A_454 = arith.addi %mul3A_452, %add3A_453 : i32
        %swap3A_455 = arith.constant 0 : i32
        %swap3A_456 = arith.index_cast %swap3A_455 : i32 to index
        %swap3A_457 = arith.index_cast %add3A_454 : i32 to index
        %swap3A_458 = arith.constant 0 : index
        %swap3A_459 = tpu.vector_load %arg22[%swap3A_456, %swap3A_457, %swap3A_458] {strides = array<i32>} : memref<2x512x16xf32, #tpu.memory_space<vmem>>, vector<1x1x16xf32>,
        %swap3A_460 = vector.shape_cast %swap3A_459 : vector<1x1x16xf32> to vector<16xf32>
        %swap3A_461 = vector.shape_cast %mul3A_450 : vector<16xf32> to vector<1x1x16xf32>
        tpu.vector_store %arg22[%swap3A_456, %swap3A_457, %swap3A_458], %swap3A_461 {strides = array<i32>} : memref<2x512x16xf32, #tpu.memory_space<vmem>>, vector<1x1x16xf32>,
        %mul3A_462 = arith.mulf %get3A_442, %get3A_442 : vector<16xf32>
        %sub3A_463 = arith.constant 1.000000e+00 : f32
        %sub3A_464 = vector.broadcast %sub3A_463 : f32 to vector<16xf32>
        %sub3A_465 = arith.subf %sub3A_464, %mul3A_462 : vector<16xf32>
        %mul3A_466 = vector.broadcast %squeeze3A_436 : f32 to vector<16xf32>
        %mul3A_467 = arith.mulf %get3A_448, %mul3A_466 : vector<16xf32>
        %mul3A_468 = arith.mulf %sub3A_465, %mul3A_467 : vector<16xf32>
        %mul3A_469 = arith.constant 16 : i32
        %mul3A_470 = arith.muli %scan3A_72, %mul3A_469 : i32
        %add3A_471 = arith.constant 8 : i32
        %add3A_472 = arith.addi %mul3A_470, %add3A_471 : i32
        %swap3A_473 = arith.constant 0 : i32
        %swap3A_474 = arith.index_cast %swap3A_473 : i32 to index
        %swap3A_475 = arith.index_cast %add3A_472 : i32 to index
        %swap3A_476 = arith.constant 0 : index
        %swap3A_477 = tpu.vector_load %arg23[%swap3A_474, %swap3A_475, %swap3A_476] {strides = array<i32>} : memref<2x512x16xf32, #tpu.memory_space<vmem>>, vector<1x1x16xf32>,
        %swap3A_478 = vector.shape_cast %swap3A_477 : vector<1x1x16xf32> to vector<16xf32>
        %swap3A_479 = vector.shape_cast %mul3A_468 : vector<16xf32> to vector<1x1x16xf32>
        tpu.vector_store %arg23[%swap3A_474, %swap3A_475, %swap3A_476], %swap3A_479 {strides = array<i32>} : memref<2x512x16xf32, #tpu.memory_space<vmem>>, vector<1x1x16xf32>,
        %slice3A_480 = vector.extract_strided_slice %get3A_78 {offsets = [9], sizes = [1], strides = [1]} : vector<16xf32> to vector<1xf32>
        %squeeze3A_481 = vector.extract %slice3A_480[0] : f32 from vector<1xf32>
        %add3A_482 = arith.constant 9 : i32
        %add3A_483 = arith.addi %add3A_76, %add3A_482 : i32
        %get3A_484 = arith.index_cast %add3A_483 : i32 to index
        %get3A_485 = arith.constant 0 : index
        %get3A_486 = tpu.vector_load %arg20[%get3A_484, %get3A_485] {strides = array<i32>} : memref<1024x16xf32, #tpu.memory_space<vmem>>, vector<1x16xf32>,
        %get3A_487 = vector.shape_cast %get3A_486 : vector<1x16xf32> to vector<16xf32>
        %add3A_488 = arith.constant 9 : i32
        %add3A_489 = arith.addi %add3A_76, %add3A_488 : i32
        %get3A_490 = arith.index_cast %add3A_489 : i32 to index
        %get3A_491 = arith.constant 0 : index
        %get3A_492 = tpu.vector_load %arg21[%get3A_490, %get3A_491] {strides = array<i32>} : memref<1024x16xf32, #tpu.memory_space<vmem>>, vector<1x16xf32>,
        %get3A_493 = vector.shape_cast %get3A_492 : vector<1x16xf32> to vector<16xf32>
        %mul3A_494 = vector.broadcast %squeeze3A_481 : f32 to vector<16xf32>
        %mul3A_495 = arith.mulf %get3A_487, %mul3A_494 : vector<16xf32>
        %mul3A_496 = arith.constant 16 : i32
        %mul3A_497 = arith.muli %scan3A_72, %mul3A_496 : i32
        %add3A_498 = arith.constant 9 : i32
        %add3A_499 = arith.addi %mul3A_497, %add3A_498 : i32
        %swap3A_500 = arith.constant 0 : i32
        %swap3A_501 = arith.index_cast %swap3A_500 : i32 to index
        %swap3A_502 = arith.index_cast %add3A_499 : i32 to index
        %swap3A_503 = arith.constant 0 : index
        %swap3A_504 = tpu.vector_load %arg22[%swap3A_501, %swap3A_502, %swap3A_503] {strides = array<i32>} : memref<2x512x16xf32, #tpu.memory_space<vmem>>, vector<1x1x16xf32>,
        %swap3A_505 = vector.shape_cast %swap3A_504 : vector<1x1x16xf32> to vector<16xf32>
        %swap3A_506 = vector.shape_cast %mul3A_495 : vector<16xf32> to vector<1x1x16xf32>
        tpu.vector_store %arg22[%swap3A_501, %swap3A_502, %swap3A_503], %swap3A_506 {strides = array<i32>} : memref<2x512x16xf32, #tpu.memory_space<vmem>>, vector<1x1x16xf32>,
        %mul3A_507 = arith.mulf %get3A_487, %get3A_487 : vector<16xf32>
        %sub3A_508 = arith.constant 1.000000e+00 : f32
        %sub3A_509 = vector.broadcast %sub3A_508 : f32 to vector<16xf32>
        %sub3A_510 = arith.subf %sub3A_509, %mul3A_507 : vector<16xf32>
        %mul3A_511 = vector.broadcast %squeeze3A_481 : f32 to vector<16xf32>
        %mul3A_512 = arith.mulf %get3A_493, %mul3A_511 : vector<16xf32>
        %mul3A_513 = arith.mulf %sub3A_510, %mul3A_512 : vector<16xf32>
        %mul3A_514 = arith.constant 16 : i32
        %mul3A_515 = arith.muli %scan3A_72, %mul3A_514 : i32
        %add3A_516 = arith.constant 9 : i32
        %add3A_517 = arith.addi %mul3A_515, %add3A_516 : i32
        %swap3A_518 = arith.constant 0 : i32
        %swap3A_519 = arith.index_cast %swap3A_518 : i32 to index
        %swap3A_520 = arith.index_cast %add3A_517 : i32 to index
        %swap3A_521 = arith.constant 0 : index
        %swap3A_522 = tpu.vector_load %arg23[%swap3A_519, %swap3A_520, %swap3A_521] {strides = array<i32>} : memref<2x512x16xf32, #tpu.memory_space<vmem>>, vector<1x1x16xf32>,
        %swap3A_523 = vector.shape_cast %swap3A_522 : vector<1x1x16xf32> to vector<16xf32>
        %swap3A_524 = vector.shape_cast %mul3A_513 : vector<16xf32> to vector<1x1x16xf32>
        tpu.vector_store %arg23[%swap3A_519, %swap3A_520, %swap3A_521], %swap3A_524 {strides = array<i32>} : memref<2x512x16xf32, #tpu.memory_space<vmem>>, vector<1x1x16xf32>,
        %slice3A_525 = vector.extract_strided_slice %get3A_78 {offsets = [10], sizes = [1], strides = [1]} : vector<16xf32> to vector<1xf32>
        %squeeze3A_526 = vector.extract %slice3A_525[0] : f32 from vector<1xf32>
        %add3A_527 = arith.constant 10 : i32
        %add3A_528 = arith.addi %add3A_76, %add3A_527 : i32
        %get3A_529 = arith.index_cast %add3A_528 : i32 to index
        %get3A_530 = arith.constant 0 : index
        %get3A_531 = tpu.vector_load %arg20[%get3A_529, %get3A_530] {strides = array<i32>} : memref<1024x16xf32, #tpu.memory_space<vmem>>, vector<1x16xf32>,
        %get3A_532 = vector.shape_cast %get3A_531 : vector<1x16xf32> to vector<16xf32>
        %add3A_533 = arith.constant 10 : i32
        %add3A_534 = arith.addi %add3A_76, %add3A_533 : i32
        %get3A_535 = arith.index_cast %add3A_534 : i32 to index
        %get3A_536 = arith.constant 0 : index
        %get3A_537 = tpu.vector_load %arg21[%get3A_535, %get3A_536] {strides = array<i32>} : memref<1024x16xf32, #tpu.memory_space<vmem>>, vector<1x16xf32>,
        %get3A_538 = vector.shape_cast %get3A_537 : vector<1x16xf32> to vector<16xf32>
        %mul3A_539 = vector.broadcast %squeeze3A_526 : f32 to vector<16xf32>
        %mul3A_540 = arith.mulf %get3A_532, %mul3A_539 : vector<16xf32>
        %mul3A_541 = arith.constant 16 : i32
        %mul3A_542 = arith.muli %scan3A_72, %mul3A_541 : i32
        %add3A_543 = arith.constant 10 : i32
        %add3A_544 = arith.addi %mul3A_542, %add3A_543 : i32
        %swap3A_545 = arith.constant 0 : i32
        %swap3A_546 = arith.index_cast %swap3A_545 : i32 to index
        %swap3A_547 = arith.index_cast %add3A_544 : i32 to index
        %swap3A_548 = arith.constant 0 : index
        %swap3A_549 = tpu.vector_load %arg22[%swap3A_546, %swap3A_547, %swap3A_548] {strides = array<i32>} : memref<2x512x16xf32, #tpu.memory_space<vmem>>, vector<1x1x16xf32>,
        %swap3A_550 = vector.shape_cast %swap3A_549 : vector<1x1x16xf32> to vector<16xf32>
        %swap3A_551 = vector.shape_cast %mul3A_540 : vector<16xf32> to vector<1x1x16xf32>
        tpu.vector_store %arg22[%swap3A_546, %swap3A_547, %swap3A_548], %swap3A_551 {strides = array<i32>} : memref<2x512x16xf32, #tpu.memory_space<vmem>>, vector<1x1x16xf32>,
        %mul3A_552 = arith.mulf %get3A_532, %get3A_532 : vector<16xf32>
        %sub3A_553 = arith.constant 1.000000e+00 : f32
        %sub3A_554 = vector.broadcast %sub3A_553 : f32 to vector<16xf32>
        %sub3A_555 = arith.subf %sub3A_554, %mul3A_552 : vector<16xf32>
        %mul3A_556 = vector.broadcast %squeeze3A_526 : f32 to vector<16xf32>
        %mul3A_557 = arith.mulf %get3A_538, %mul3A_556 : vector<16xf32>
        %mul3A_558 = arith.mulf %sub3A_555, %mul3A_557 : vector<16xf32>
        %mul3A_559 = arith.constant 16 : i32
        %mul3A_560 = arith.muli %scan3A_72, %mul3A_559 : i32
        %add3A_561 = arith.constant 10 : i32
        %add3A_562 = arith.addi %mul3A_560, %add3A_561 : i32
        %swap3A_563 = arith.constant 0 : i32
        %swap3A_564 = arith.index_cast %swap3A_563 : i32 to index
        %swap3A_565 = arith.index_cast %add3A_562 : i32 to index
        %swap3A_566 = arith.constant 0 : index
        %swap3A_567 = tpu.vector_load %arg23[%swap3A_564, %swap3A_565, %swap3A_566] {strides = array<i32>} : memref<2x512x16xf32, #tpu.memory_space<vmem>>, vector<1x1x16xf32>,
        %swap3A_568 = vector.shape_cast %swap3A_567 : vector<1x1x16xf32> to vector<16xf32>
        %swap3A_569 = vector.shape_cast %mul3A_558 : vector<16xf32> to vector<1x1x16xf32>
        tpu.vector_store %arg23[%swap3A_564, %swap3A_565, %swap3A_566], %swap3A_569 {strides = array<i32>} : memref<2x512x16xf32, #tpu.memory_space<vmem>>, vector<1x1x16xf32>,
        %slice3A_570 = vector.extract_strided_slice %get3A_78 {offsets = [11], sizes = [1], strides = [1]} : vector<16xf32> to vector<1xf32>
        %squeeze3A_571 = vector.extract %slice3A_570[0] : f32 from vector<1xf32>
        %add3A_572 = arith.constant 11 : i32
        %add3A_573 = arith.addi %add3A_76, %add3A_572 : i32
        %get3A_574 = arith.index_cast %add3A_573 : i32 to index
        %get3A_575 = arith.constant 0 : index
        %get3A_576 = tpu.vector_load %arg20[%get3A_574, %get3A_575] {strides = array<i32>} : memref<1024x16xf32, #tpu.memory_space<vmem>>, vector<1x16xf32>,
        %get3A_577 = vector.shape_cast %get3A_576 : vector<1x16xf32> to vector<16xf32>
        %add3A_578 = arith.constant 11 : i32
        %add3A_579 = arith.addi %add3A_76, %add3A_578 : i32
        %get3A_580 = arith.index_cast %add3A_579 : i32 to index
        %get3A_581 = arith.constant 0 : index
        %get3A_582 = tpu.vector_load %arg21[%get3A_580, %get3A_581] {strides = array<i32>} : memref<1024x16xf32, #tpu.memory_space<vmem>>, vector<1x16xf32>,
        %get3A_583 = vector.shape_cast %get3A_582 : vector<1x16xf32> to vector<16xf32>
        %mul3A_584 = vector.broadcast %squeeze3A_571 : f32 to vector<16xf32>
        %mul3A_585 = arith.mulf %get3A_577, %mul3A_584 : vector<16xf32>
        %mul3A_586 = arith.constant 16 : i32
        %mul3A_587 = arith.muli %scan3A_72, %mul3A_586 : i32
        %add3A_588 = arith.constant 11 : i32
        %add3A_589 = arith.addi %mul3A_587, %add3A_588 : i32
        %swap3A_590 = arith.constant 0 : i32
        %swap3A_591 = arith.index_cast %swap3A_590 : i32 to index
        %swap3A_592 = arith.index_cast %add3A_589 : i32 to index
        %swap3A_593 = arith.constant 0 : index
        %swap3A_594 = tpu.vector_load %arg22[%swap3A_591, %swap3A_592, %swap3A_593] {strides = array<i32>} : memref<2x512x16xf32, #tpu.memory_space<vmem>>, vector<1x1x16xf32>,
        %swap3A_595 = vector.shape_cast %swap3A_594 : vector<1x1x16xf32> to vector<16xf32>
        %swap3A_596 = vector.shape_cast %mul3A_585 : vector<16xf32> to vector<1x1x16xf32>
        tpu.vector_store %arg22[%swap3A_591, %swap3A_592, %swap3A_593], %swap3A_596 {strides = array<i32>} : memref<2x512x16xf32, #tpu.memory_space<vmem>>, vector<1x1x16xf32>,
        %mul3A_597 = arith.mulf %get3A_577, %get3A_577 : vector<16xf32>
        %sub3A_598 = arith.constant 1.000000e+00 : f32
        %sub3A_599 = vector.broadcast %sub3A_598 : f32 to vector<16xf32>
        %sub3A_600 = arith.subf %sub3A_599, %mul3A_597 : vector<16xf32>
        %mul3A_601 = vector.broadcast %squeeze3A_571 : f32 to vector<16xf32>
        %mul3A_602 = arith.mulf %get3A_583, %mul3A_601 : vector<16xf32>
        %mul3A_603 = arith.mulf %sub3A_600, %mul3A_602 : vector<16xf32>
        %mul3A_604 = arith.constant 16 : i32
        %mul3A_605 = arith.muli %scan3A_72, %mul3A_604 : i32
        %add3A_606 = arith.constant 11 : i32
        %add3A_607 = arith.addi %mul3A_605, %add3A_606 : i32
        %swap3A_608 = arith.constant 0 : i32
        %swap3A_609 = arith.index_cast %swap3A_608 : i32 to index
        %swap3A_610 = arith.index_cast %add3A_607 : i32 to index
        %swap3A_611 = arith.constant 0 : index
        %swap3A_612 = tpu.vector_load %arg23[%swap3A_609, %swap3A_610, %swap3A_611] {strides = array<i32>} : memref<2x512x16xf32, #tpu.memory_space<vmem>>, vector<1x1x16xf32>,
        %swap3A_613 = vector.shape_cast %swap3A_612 : vector<1x1x16xf32> to vector<16xf32>
        %swap3A_614 = vector.shape_cast %mul3A_603 : vector<16xf32> to vector<1x1x16xf32>
        tpu.vector_store %arg23[%swap3A_609, %swap3A_610, %swap3A_611], %swap3A_614 {strides = array<i32>} : memref<2x512x16xf32, #tpu.memory_space<vmem>>, vector<1x1x16xf32>,
        %slice3A_615 = vector.extract_strided_slice %get3A_78 {offsets = [12], sizes = [1], strides = [1]} : vector<16xf32> to vector<1xf32>
        %squeeze3A_616 = vector.extract %slice3A_615[0] : f32 from vector<1xf32>
        %add3A_617 = arith.constant 12 : i32
        %add3A_618 = arith.addi %add3A_76, %add3A_617 : i32
        %get3A_619 = arith.index_cast %add3A_618 : i32 to index
        %get3A_620 = arith.constant 0 : index
        %get3A_621 = tpu.vector_load %arg20[%get3A_619, %get3A_620] {strides = array<i32>} : memref<1024x16xf32, #tpu.memory_space<vmem>>, vector<1x16xf32>,
        %get3A_622 = vector.shape_cast %get3A_621 : vector<1x16xf32> to vector<16xf32>
        %add3A_623 = arith.constant 12 : i32
        %add3A_624 = arith.addi %add3A_76, %add3A_623 : i32
        %get3A_625 = arith.index_cast %add3A_624 : i32 to index
        %get3A_626 = arith.constant 0 : index
        %get3A_627 = tpu.vector_load %arg21[%get3A_625, %get3A_626] {strides = array<i32>} : memref<1024x16xf32, #tpu.memory_space<vmem>>, vector<1x16xf32>,
        %get3A_628 = vector.shape_cast %get3A_627 : vector<1x16xf32> to vector<16xf32>
        %mul3A_629 = vector.broadcast %squeeze3A_616 : f32 to vector<16xf32>
        %mul3A_630 = arith.mulf %get3A_622, %mul3A_629 : vector<16xf32>
        %mul3A_631 = arith.constant 16 : i32
        %mul3A_632 = arith.muli %scan3A_72, %mul3A_631 : i32
        %add3A_633 = arith.constant 12 : i32
        %add3A_634 = arith.addi %mul3A_632, %add3A_633 : i32
        %swap3A_635 = arith.constant 0 : i32
        %swap3A_636 = arith.index_cast %swap3A_635 : i32 to index
        %swap3A_637 = arith.index_cast %add3A_634 : i32 to index
        %swap3A_638 = arith.constant 0 : index
        %swap3A_639 = tpu.vector_load %arg22[%swap3A_636, %swap3A_637, %swap3A_638] {strides = array<i32>} : memref<2x512x16xf32, #tpu.memory_space<vmem>>, vector<1x1x16xf32>,
        %swap3A_640 = vector.shape_cast %swap3A_639 : vector<1x1x16xf32> to vector<16xf32>
        %swap3A_641 = vector.shape_cast %mul3A_630 : vector<16xf32> to vector<1x1x16xf32>
        tpu.vector_store %arg22[%swap3A_636, %swap3A_637, %swap3A_638], %swap3A_641 {strides = array<i32>} : memref<2x512x16xf32, #tpu.memory_space<vmem>>, vector<1x1x16xf32>,
        %mul3A_642 = arith.mulf %get3A_622, %get3A_622 : vector<16xf32>
        %sub3A_643 = arith.constant 1.000000e+00 : f32
        %sub3A_644 = vector.broadcast %sub3A_643 : f32 to vector<16xf32>
        %sub3A_645 = arith.subf %sub3A_644, %mul3A_642 : vector<16xf32>
        %mul3A_646 = vector.broadcast %squeeze3A_616 : f32 to vector<16xf32>
        %mul3A_647 = arith.mulf %get3A_628, %mul3A_646 : vector<16xf32>
        %mul3A_648 = arith.mulf %sub3A_645, %mul3A_647 : vector<16xf32>
        %mul3A_649 = arith.constant 16 : i32
        %mul3A_650 = arith.muli %scan3A_72, %mul3A_649 : i32
        %add3A_651 = arith.constant 12 : i32
        %add3A_652 = arith.addi %mul3A_650, %add3A_651 : i32
        %swap3A_653 = arith.constant 0 : i32
        %swap3A_654 = arith.index_cast %swap3A_653 : i32 to index
        %swap3A_655 = arith.index_cast %add3A_652 : i32 to index
        %swap3A_656 = arith.constant 0 : index
        %swap3A_657 = tpu.vector_load %arg23[%swap3A_654, %swap3A_655, %swap3A_656] {strides = array<i32>} : memref<2x512x16xf32, #tpu.memory_space<vmem>>, vector<1x1x16xf32>,
        %swap3A_658 = vector.shape_cast %swap3A_657 : vector<1x1x16xf32> to vector<16xf32>
        %swap3A_659 = vector.shape_cast %mul3A_648 : vector<16xf32> to vector<1x1x16xf32>
        tpu.vector_store %arg23[%swap3A_654, %swap3A_655, %swap3A_656], %swap3A_659 {strides = array<i32>} : memref<2x512x16xf32, #tpu.memory_space<vmem>>, vector<1x1x16xf32>,
        %slice3A_660 = vector.extract_strided_slice %get3A_78 {offsets = [13], sizes = [1], strides = [1]} : vector<16xf32> to vector<1xf32>
        %squeeze3A_661 = vector.extract %slice3A_660[0] : f32 from vector<1xf32>
        %add3A_662 = arith.constant 13 : i32
        %add3A_663 = arith.addi %add3A_76, %add3A_662 : i32
        %get3A_664 = arith.index_cast %add3A_663 : i32 to index
        %get3A_665 = arith.constant 0 : index
        %get3A_666 = tpu.vector_load %arg20[%get3A_664, %get3A_665] {strides = array<i32>} : memref<1024x16xf32, #tpu.memory_space<vmem>>, vector<1x16xf32>,
        %get3A_667 = vector.shape_cast %get3A_666 : vector<1x16xf32> to vector<16xf32>
        %add3A_668 = arith.constant 13 : i32
        %add3A_669 = arith.addi %add3A_76, %add3A_668 : i32
        %get3A_670 = arith.index_cast %add3A_669 : i32 to index
        %get3A_671 = arith.constant 0 : index
        %get3A_672 = tpu.vector_load %arg21[%get3A_670, %get3A_671] {strides = array<i32>} : memref<1024x16xf32, #tpu.memory_space<vmem>>, vector<1x16xf32>,
        %get3A_673 = vector.shape_cast %get3A_672 : vector<1x16xf32> to vector<16xf32>
        %mul3A_674 = vector.broadcast %squeeze3A_661 : f32 to vector<16xf32>
        %mul3A_675 = arith.mulf %get3A_667, %mul3A_674 : vector<16xf32>
        %mul3A_676 = arith.constant 16 : i32
        %mul3A_677 = arith.muli %scan3A_72, %mul3A_676 : i32
        %add3A_678 = arith.constant 13 : i32
        %add3A_679 = arith.addi %mul3A_677, %add3A_678 : i32
        %swap3A_680 = arith.constant 0 : i32
        %swap3A_681 = arith.index_cast %swap3A_680 : i32 to index
        %swap3A_682 = arith.index_cast %add3A_679 : i32 to index
        %swap3A_683 = arith.constant 0 : index
        %swap3A_684 = tpu.vector_load %arg22[%swap3A_681, %swap3A_682, %swap3A_683] {strides = array<i32>} : memref<2x512x16xf32, #tpu.memory_space<vmem>>, vector<1x1x16xf32>,
        %swap3A_685 = vector.shape_cast %swap3A_684 : vector<1x1x16xf32> to vector<16xf32>
        %swap3A_686 = vector.shape_cast %mul3A_675 : vector<16xf32> to vector<1x1x16xf32>
        tpu.vector_store %arg22[%swap3A_681, %swap3A_682, %swap3A_683], %swap3A_686 {strides = array<i32>} : memref<2x512x16xf32, #tpu.memory_space<vmem>>, vector<1x1x16xf32>,
        %mul3A_687 = arith.mulf %get3A_667, %get3A_667 : vector<16xf32>
        %sub3A_688 = arith.constant 1.000000e+00 : f32
        %sub3A_689 = vector.broadcast %sub3A_688 : f32 to vector<16xf32>
        %sub3A_690 = arith.subf %sub3A_689, %mul3A_687 : vector<16xf32>
        %mul3A_691 = vector.broadcast %squeeze3A_661 : f32 to vector<16xf32>
        %mul3A_692 = arith.mulf %get3A_673, %mul3A_691 : vector<16xf32>
        %mul3A_693 = arith.mulf %sub3A_690, %mul3A_692 : vector<16xf32>
        %mul3A_694 = arith.constant 16 : i32
        %mul3A_695 = arith.muli %scan3A_72, %mul3A_694 : i32
        %add3A_696 = arith.constant 13 : i32
        %add3A_697 = arith.addi %mul3A_695, %add3A_696 : i32
        %swap3A_698 = arith.constant 0 : i32
        %swap3A_699 = arith.index_cast %swap3A_698 : i32 to index
        %swap3A_700 = arith.index_cast %add3A_697 : i32 to index
        %swap3A_701 = arith.constant 0 : index
        %swap3A_702 = tpu.vector_load %arg23[%swap3A_699, %swap3A_700, %swap3A_701] {strides = array<i32>} : memref<2x512x16xf32, #tpu.memory_space<vmem>>, vector<1x1x16xf32>,
        %swap3A_703 = vector.shape_cast %swap3A_702 : vector<1x1x16xf32> to vector<16xf32>
        %swap3A_704 = vector.shape_cast %mul3A_693 : vector<16xf32> to vector<1x1x16xf32>
        tpu.vector_store %arg23[%swap3A_699, %swap3A_700, %swap3A_701], %swap3A_704 {strides = array<i32>} : memref<2x512x16xf32, #tpu.memory_space<vmem>>, vector<1x1x16xf32>,
        %slice3A_705 = vector.extract_strided_slice %get3A_78 {offsets = [14], sizes = [1], strides = [1]} : vector<16xf32> to vector<1xf32>
        %squeeze3A_706 = vector.extract %slice3A_705[0] : f32 from vector<1xf32>
        %add3A_707 = arith.constant 14 : i32
        %add3A_708 = arith.addi %add3A_76, %add3A_707 : i32
        %get3A_709 = arith.index_cast %add3A_708 : i32 to index
        %get3A_710 = arith.constant 0 : index
        %get3A_711 = tpu.vector_load %arg20[%get3A_709, %get3A_710] {strides = array<i32>} : memref<1024x16xf32, #tpu.memory_space<vmem>>, vector<1x16xf32>,
        %get3A_712 = vector.shape_cast %get3A_711 : vector<1x16xf32> to vector<16xf32>
        %add3A_713 = arith.constant 14 : i32
        %add3A_714 = arith.addi %add3A_76, %add3A_713 : i32
        %get3A_715 = arith.index_cast %add3A_714 : i32 to index
        %get3A_716 = arith.constant 0 : index
        %get3A_717 = tpu.vector_load %arg21[%get3A_715, %get3A_716] {strides = array<i32>} : memref<1024x16xf32, #tpu.memory_space<vmem>>, vector<1x16xf32>,
        %get3A_718 = vector.shape_cast %get3A_717 : vector<1x16xf32> to vector<16xf32>
        %mul3A_719 = vector.broadcast %squeeze3A_706 : f32 to vector<16xf32>
        %mul3A_720 = arith.mulf %get3A_712, %mul3A_719 : vector<16xf32>
        %mul3A_721 = arith.constant 16 : i32
        %mul3A_722 = arith.muli %scan3A_72, %mul3A_721 : i32
        %add3A_723 = arith.constant 14 : i32
        %add3A_724 = arith.addi %mul3A_722, %add3A_723 : i32
        %swap3A_725 = arith.constant 0 : i32
        %swap3A_726 = arith.index_cast %swap3A_725 : i32 to index
        %swap3A_727 = arith.index_cast %add3A_724 : i32 to index
        %swap3A_728 = arith.constant 0 : index
        %swap3A_729 = tpu.vector_load %arg22[%swap3A_726, %swap3A_727, %swap3A_728] {strides = array<i32>} : memref<2x512x16xf32, #tpu.memory_space<vmem>>, vector<1x1x16xf32>,
        %swap3A_730 = vector.shape_cast %swap3A_729 : vector<1x1x16xf32> to vector<16xf32>
        %swap3A_731 = vector.shape_cast %mul3A_720 : vector<16xf32> to vector<1x1x16xf32>
        tpu.vector_store %arg22[%swap3A_726, %swap3A_727, %swap3A_728], %swap3A_731 {strides = array<i32>} : memref<2x512x16xf32, #tpu.memory_space<vmem>>, vector<1x1x16xf32>,
        %mul3A_732 = arith.mulf %get3A_712, %get3A_712 : vector<16xf32>
        %sub3A_733 = arith.constant 1.000000e+00 : f32
        %sub3A_734 = vector.broadcast %sub3A_733 : f32 to vector<16xf32>
        %sub3A_735 = arith.subf %sub3A_734, %mul3A_732 : vector<16xf32>
        %mul3A_736 = vector.broadcast %squeeze3A_706 : f32 to vector<16xf32>
        %mul3A_737 = arith.mulf %get3A_718, %mul3A_736 : vector<16xf32>
        %mul3A_738 = arith.mulf %sub3A_735, %mul3A_737 : vector<16xf32>
        %mul3A_739 = arith.constant 16 : i32
        %mul3A_740 = arith.muli %scan3A_72, %mul3A_739 : i32
        %add3A_741 = arith.constant 14 : i32
        %add3A_742 = arith.addi %mul3A_740, %add3A_741 : i32
        %swap3A_743 = arith.constant 0 : i32
        %swap3A_744 = arith.index_cast %swap3A_743 : i32 to index
        %swap3A_745 = arith.index_cast %add3A_742 : i32 to index
        %swap3A_746 = arith.constant 0 : index
        %swap3A_747 = tpu.vector_load %arg23[%swap3A_744, %swap3A_745, %swap3A_746] {strides = array<i32>} : memref<2x512x16xf32, #tpu.memory_space<vmem>>, vector<1x1x16xf32>,
        %swap3A_748 = vector.shape_cast %swap3A_747 : vector<1x1x16xf32> to vector<16xf32>
        %swap3A_749 = vector.shape_cast %mul3A_738 : vector<16xf32> to vector<1x1x16xf32>
        tpu.vector_store %arg23[%swap3A_744, %swap3A_745, %swap3A_746], %swap3A_749 {strides = array<i32>} : memref<2x512x16xf32, #tpu.memory_space<vmem>>, vector<1x1x16xf32>,
        %slice3A_750 = vector.extract_strided_slice %get3A_78 {offsets = [15], sizes = [1], strides = [1]} : vector<16xf32> to vector<1xf32>
        %squeeze3A_751 = vector.extract %slice3A_750[0] : f32 from vector<1xf32>
        %add3A_752 = arith.constant 15 : i32
        %add3A_753 = arith.addi %add3A_76, %add3A_752 : i32
        %get3A_754 = arith.index_cast %add3A_753 : i32 to index
        %get3A_755 = arith.constant 0 : index
        %get3A_756 = tpu.vector_load %arg20[%get3A_754, %get3A_755] {strides = array<i32>} : memref<1024x16xf32, #tpu.memory_space<vmem>>, vector<1x16xf32>,
        %get3A_757 = vector.shape_cast %get3A_756 : vector<1x16xf32> to vector<16xf32>
        %add3A_758 = arith.constant 15 : i32
        %add3A_759 = arith.addi %add3A_76, %add3A_758 : i32
        %get3A_760 = arith.index_cast %add3A_759 : i32 to index
        %get3A_761 = arith.constant 0 : index
        %get3A_762 = tpu.vector_load %arg21[%get3A_760, %get3A_761] {strides = array<i32>} : memref<1024x16xf32, #tpu.memory_space<vmem>>, vector<1x16xf32>,
        %get3A_763 = vector.shape_cast %get3A_762 : vector<1x16xf32> to vector<16xf32>
        %mul3A_764 = vector.broadcast %squeeze3A_751 : f32 to vector<16xf32>
        %mul3A_765 = arith.mulf %get3A_757, %mul3A_764 : vector<16xf32>
        %mul3A_766 = arith.constant 16 : i32
        %mul3A_767 = arith.muli %scan3A_72, %mul3A_766 : i32
        %add3A_768 = arith.constant 15 : i32
        %add3A_769 = arith.addi %mul3A_767, %add3A_768 : i32
        %swap3A_770 = arith.constant 0 : i32
        %swap3A_771 = arith.index_cast %swap3A_770 : i32 to index
        %swap3A_772 = arith.index_cast %add3A_769 : i32 to index
        %swap3A_773 = arith.constant 0 : index
        %swap3A_774 = tpu.vector_load %arg22[%swap3A_771, %swap3A_772, %swap3A_773] {strides = array<i32>} : memref<2x512x16xf32, #tpu.memory_space<vmem>>, vector<1x1x16xf32>,
        %swap3A_775 = vector.shape_cast %swap3A_774 : vector<1x1x16xf32> to vector<16xf32>
        %swap3A_776 = vector.shape_cast %mul3A_765 : vector<16xf32> to vector<1x1x16xf32>
        tpu.vector_store %arg22[%swap3A_771, %swap3A_772, %swap3A_773], %swap3A_776 {strides = array<i32>} : memref<2x512x16xf32, #tpu.memory_space<vmem>>, vector<1x1x16xf32>,
        %mul3A_777 = arith.mulf %get3A_757, %get3A_757 : vector<16xf32>
        %sub3A_778 = arith.constant 1.000000e+00 : f32
        %sub3A_779 = vector.broadcast %sub3A_778 : f32 to vector<16xf32>
        %sub3A_780 = arith.subf %sub3A_779, %mul3A_777 : vector<16xf32>
        %mul3A_781 = vector.broadcast %squeeze3A_751 : f32 to vector<16xf32>
        %mul3A_782 = arith.mulf %get3A_763, %mul3A_781 : vector<16xf32>
        %mul3A_783 = arith.mulf %sub3A_780, %mul3A_782 : vector<16xf32>
        %mul3A_784 = arith.constant 16 : i32
        %mul3A_785 = arith.muli %scan3A_72, %mul3A_784 : i32
        %add3A_786 = arith.constant 15 : i32
        %add3A_787 = arith.addi %mul3A_785, %add3A_786 : i32
        %swap3A_788 = arith.constant 0 : i32
        %swap3A_789 = arith.index_cast %swap3A_788 : i32 to index
        %swap3A_790 = arith.index_cast %add3A_787 : i32 to index
        %swap3A_791 = arith.constant 0 : index
        %swap3A_792 = tpu.vector_load %arg23[%swap3A_789, %swap3A_790, %swap3A_791] {strides = array<i32>} : memref<2x512x16xf32, #tpu.memory_space<vmem>>, vector<1x1x16xf32>,
        %swap3A_793 = vector.shape_cast %swap3A_792 : vector<1x1x16xf32> to vector<16xf32>
        %swap3A_794 = vector.shape_cast %mul3A_783 : vector<16xf32> to vector<1x1x16xf32>
        tpu.vector_store %arg23[%swap3A_789, %swap3A_790, %swap3A_791], %swap3A_794 {strides = array<i32>} : memref<2x512x16xf32, #tpu.memory_space<vmem>>, vector<1x1x16xf32>,
      }
      %scan3A_58 = arith.constant 32 : i32
      %run_scoped3A = arith.constant 0 : i32
      %run_scoped3A_59 = arith.constant 0 : i32
      "tpu.region"() ({
        %run_scoped3A_72 = tpu.sem_alloc : memref<!tpu.dma_semaphore, #tpu.memory_space<semaphore_mem>>
        %dma_start3A_73 = arith.constant 0 : i32
        %dma_start3A_74 = arith.constant 0 : i32
        %dma_start3A_75 = tpu.memref_slice %arg22[%run_scoped3A, %dma_start3A_73, %dma_start3A_74] : memref<2x512x16xf32, #tpu.memory_space<vmem>> -> memref<1x512x16xf32, #tpu.memory_space<vmem>>
        %dma_start3A_76 = tpu.memref_squeeze %dma_start3A_75 : memref<1x512x16xf32, #tpu.memory_space<vmem>> -> memref<512x16xf32, #tpu.memory_space<vmem>>
        %dma_start3A_77 = arith.constant 0 : i32
        %dma_start3A_78 = tpu.memref_slice %arg18[%run_scoped3A_59, %dma_start3A_77] : memref<2x512xi32, #tpu.memory_space<vmem>> -> memref<1x512xi32, #tpu.memory_space<vmem>>
        %dma_start3A_79 = tpu.memref_squeeze %dma_start3A_78 : memref<1x512xi32, #tpu.memory_space<vmem>> -> memref<512xi32, #tpu.memory_space<vmem>>
        %dma_start3A_80 = arith.constant 0 : i32
        %dma_start3A_81 = arith.constant 0 : i32
        %dma_start3A_82 = tpu.memref_slice %arg11[%dma_start3A_80, %dma_start3A_81] : memref<10112x16xf32, #tpu.memory_space<vmem_shared>> -> memref<10112x16xf32, #tpu.memory_space<vmem_shared>>
        tpu.enqueue_indirect_dma source(%dma_start3A_76 : memref<512x16xf32, #tpu.memory_space<vmem>>) target(%dma_start3A_82 : memref<10112x16xf32, #tpu.memory_space<vmem_shared>>) offsets(%dma_start3A_79 : memref<512xi32, #tpu.memory_space<vmem>>) semaphore(%run_scoped3A_72 : memref<!tpu.dma_semaphore, #tpu.memory_space<semaphore_mem>>) {add = true}
        %dma_wait3A_83 = arith.constant 0 : i32
        %dma_wait3A_84 = arith.constant 0 : i32
        %dma_wait3A_85 = tpu.memref_slice %arg22[%run_scoped3A, %dma_wait3A_83, %dma_wait3A_84] : memref<2x512x16xf32, #tpu.memory_space<vmem>> -> memref<1x512x16xf32, #tpu.memory_space<vmem>>
        %dma_wait3A_86 = tpu.memref_squeeze %dma_wait3A_85 : memref<1x512x16xf32, #tpu.memory_space<vmem>> -> memref<512x16xf32, #tpu.memory_space<vmem>>
        %dma_wait3A_87 = arith.constant 0 : i32
        %dma_wait3A_88 = tpu.memref_slice %arg18[%run_scoped3A_59, %dma_wait3A_87] : memref<2x512xi32, #tpu.memory_space<vmem>> -> memref<1x512xi32, #tpu.memory_space<vmem>>
        %dma_wait3A_89 = tpu.memref_squeeze %dma_wait3A_88 : memref<1x512xi32, #tpu.memory_space<vmem>> -> memref<512xi32, #tpu.memory_space<vmem>>
        %dma_wait3A_90 = arith.constant 0 : i32
        %dma_wait3A_91 = arith.constant 0 : i32
        %dma_wait3A_92 = tpu.memref_slice %arg11[%dma_wait3A_90, %dma_wait3A_91] : memref<10112x16xf32, #tpu.memory_space<vmem_shared>> -> memref<10112x16xf32, #tpu.memory_space<vmem_shared>>
        tpu.wait_indirect_dma semaphore(%run_scoped3A_72 : memref<!tpu.dma_semaphore, #tpu.memory_space<semaphore_mem>>) src(%dma_wait3A_86 : memref<512x16xf32, #tpu.memory_space<vmem>>) dst(%dma_wait3A_92 : memref<10112x16xf32, #tpu.memory_space<vmem_shared>>)
        tpu.yield
      }) : () -> ()
      %run_scoped3A_60 = arith.constant 0 : i32
      %run_scoped3A_61 = arith.constant 0 : i32
      "tpu.region"() ({
        %run_scoped3A_72 = tpu.sem_alloc : memref<!tpu.dma_semaphore, #tpu.memory_space<semaphore_mem>>
        %dma_start3A_73 = arith.constant 0 : i32
        %dma_start3A_74 = arith.constant 0 : i32
        %dma_start3A_75 = tpu.memref_slice %arg23[%run_scoped3A_60, %dma_start3A_73, %dma_start3A_74] : memref<2x512x16xf32, #tpu.memory_space<vmem>> -> memref<1x512x16xf32, #tpu.memory_space<vmem>>
        %dma_start3A_76 = tpu.memref_squeeze %dma_start3A_75 : memref<1x512x16xf32, #tpu.memory_space<vmem>> -> memref<512x16xf32, #tpu.memory_space<vmem>>
        %dma_start3A_77 = arith.constant 0 : i32
        %dma_start3A_78 = tpu.memref_slice %arg19[%run_scoped3A_61, %dma_start3A_77] : memref<2x512xi32, #tpu.memory_space<vmem>> -> memref<1x512xi32, #tpu.memory_space<vmem>>
        %dma_start3A_79 = tpu.memref_squeeze %dma_start3A_78 : memref<1x512xi32, #tpu.memory_space<vmem>> -> memref<512xi32, #tpu.memory_space<vmem>>
        %dma_start3A_80 = arith.constant 0 : i32
        %dma_start3A_81 = arith.constant 0 : i32
        %dma_start3A_82 = tpu.memref_slice %arg12[%dma_start3A_80, %dma_start3A_81] : memref<10112x16xf32, #tpu.memory_space<vmem_shared>> -> memref<10112x16xf32, #tpu.memory_space<vmem_shared>>
        tpu.enqueue_indirect_dma source(%dma_start3A_76 : memref<512x16xf32, #tpu.memory_space<vmem>>) target(%dma_start3A_82 : memref<10112x16xf32, #tpu.memory_space<vmem_shared>>) offsets(%dma_start3A_79 : memref<512xi32, #tpu.memory_space<vmem>>) semaphore(%run_scoped3A_72 : memref<!tpu.dma_semaphore, #tpu.memory_space<semaphore_mem>>) {add = true}
        %dma_wait3A_83 = arith.constant 0 : i32
        %dma_wait3A_84 = arith.constant 0 : i32
        %dma_wait3A_85 = tpu.memref_slice %arg23[%run_scoped3A_60, %dma_wait3A_83, %dma_wait3A_84] : memref<2x512x16xf32, #tpu.memory_space<vmem>> -> memref<1x512x16xf32, #tpu.memory_space<vmem>>
        %dma_wait3A_86 = tpu.memref_squeeze %dma_wait3A_85 : memref<1x512x16xf32, #tpu.memory_space<vmem>> -> memref<512x16xf32, #tpu.memory_space<vmem>>
        %dma_wait3A_87 = arith.constant 0 : i32
        %dma_wait3A_88 = tpu.memref_slice %arg19[%run_scoped3A_61, %dma_wait3A_87] : memref<2x512xi32, #tpu.memory_space<vmem>> -> memref<1x512xi32, #tpu.memory_space<vmem>>
        %dma_wait3A_89 = tpu.memref_squeeze %dma_wait3A_88 : memref<1x512xi32, #tpu.memory_space<vmem>> -> memref<512xi32, #tpu.memory_space<vmem>>
        %dma_wait3A_90 = arith.constant 0 : i32
        %dma_wait3A_91 = arith.constant 0 : i32
        %dma_wait3A_92 = tpu.memref_slice %arg12[%dma_wait3A_90, %dma_wait3A_91] : memref<10112x16xf32, #tpu.memory_space<vmem_shared>> -> memref<10112x16xf32, #tpu.memory_space<vmem_shared>>
        tpu.wait_indirect_dma semaphore(%run_scoped3A_72 : memref<!tpu.dma_semaphore, #tpu.memory_space<semaphore_mem>>) src(%dma_wait3A_86 : memref<512x16xf32, #tpu.memory_space<vmem>>) dst(%dma_wait3A_92 : memref<10112x16xf32, #tpu.memory_space<vmem_shared>>)
        tpu.yield
      }) : () -> ()
      %scan3A_62 = arith.constant 0 : i32
      %scan3A_63 = arith.constant 0 : i32
      %scan3A_64 = arith.constant 32 : i32
      %scan3A_65 = arith.addi %scan3A_63, %scan3A_64 : i32
      %scan3A_66 = arith.constant 1 : i32
      scf.for %scan3A_72 = %scan3A_63 to %scan3A_65 step %scan3A_66  : i32 {
        %mul3A_73 = arith.constant 16 : i32
        %mul3A_74 = arith.muli %scan3A_72, %mul3A_73 : i32
        %add3A_75 = arith.constant 512 : i32
        %add3A_76 = arith.addi %add3A_75, %mul3A_74 : i32
        %get3A = arith.index_cast %add3A_76 : i32 to index
        %get3A_77 = tpu.vector_load %arg17[%get3A] {strides = array<i32>} : memref<1024xf32, #tpu.memory_space<vmem>>, vector<16xf32>,
        %get3A_78 = vector.shape_cast %get3A_77 : vector<16xf32> to vector<16xf32>
        %slice3A = vector.extract_strided_slice %get3A_78 {offsets = [0], sizes = [1], strides = [1]} : vector<16xf32> to vector<1xf32>
        %squeeze3A = vector.extract %slice3A[0] : f32 from vector<1xf32>
        %add3A_79 = arith.constant 0 : i32
        %add3A_80 = arith.addi %add3A_76, %add3A_79 : i32
        %get3A_81 = arith.index_cast %add3A_80 : i32 to index
        %get3A_82 = arith.constant 0 : index
        %get3A_83 = tpu.vector_load %arg20[%get3A_81, %get3A_82] {strides = array<i32>} : memref<1024x16xf32, #tpu.memory_space<vmem>>, vector<1x16xf32>,
        %get3A_84 = vector.shape_cast %get3A_83 : vector<1x16xf32> to vector<16xf32>
        %add3A_85 = arith.constant 0 : i32
        %add3A_86 = arith.addi %add3A_76, %add3A_85 : i32
        %get3A_87 = arith.index_cast %add3A_86 : i32 to index
        %get3A_88 = arith.constant 0 : index
        %get3A_89 = tpu.vector_load %arg21[%get3A_87, %get3A_88] {strides = array<i32>} : memref<1024x16xf32, #tpu.memory_space<vmem>>, vector<1x16xf32>,
        %get3A_90 = vector.shape_cast %get3A_89 : vector<1x16xf32> to vector<16xf32>
        %mul3A_91 = vector.broadcast %squeeze3A : f32 to vector<16xf32>
        %mul3A_92 = arith.mulf %get3A_84, %mul3A_91 : vector<16xf32>
        %mul3A_93 = arith.constant 16 : i32
        %mul3A_94 = arith.muli %scan3A_72, %mul3A_93 : i32
        %add3A_95 = arith.constant 0 : i32
        %add3A_96 = arith.addi %mul3A_94, %add3A_95 : i32
        %swap3A = arith.constant 1 : i32
        %swap3A_97 = arith.index_cast %swap3A : i32 to index
        %swap3A_98 = arith.index_cast %add3A_96 : i32 to index
        %swap3A_99 = arith.constant 0 : index
        %swap3A_100 = tpu.vector_load %arg22[%swap3A_97, %swap3A_98, %swap3A_99] {strides = array<i32>} : memref<2x512x16xf32, #tpu.memory_space<vmem>>, vector<1x1x16xf32>,
        %swap3A_101 = vector.shape_cast %swap3A_100 : vector<1x1x16xf32> to vector<16xf32>
        %swap3A_102 = vector.shape_cast %mul3A_92 : vector<16xf32> to vector<1x1x16xf32>
        tpu.vector_store %arg22[%swap3A_97, %swap3A_98, %swap3A_99], %swap3A_102 {strides = array<i32>} : memref<2x512x16xf32, #tpu.memory_space<vmem>>, vector<1x1x16xf32>,
        %mul3A_103 = arith.mulf %get3A_84, %get3A_84 : vector<16xf32>
        %sub3A = arith.constant 1.000000e+00 : f32
        %sub3A_104 = vector.broadcast %sub3A : f32 to vector<16xf32>
        %sub3A_105 = arith.subf %sub3A_104, %mul3A_103 : vector<16xf32>
        %mul3A_106 = vector.broadcast %squeeze3A : f32 to vector<16xf32>
        %mul3A_107 = arith.mulf %get3A_90, %mul3A_106 : vector<16xf32>
        %mul3A_108 = arith.mulf %sub3A_105, %mul3A_107 : vector<16xf32>
        %mul3A_109 = arith.constant 16 : i32
        %mul3A_110 = arith.muli %scan3A_72, %mul3A_109 : i32
        %add3A_111 = arith.constant 0 : i32
        %add3A_112 = arith.addi %mul3A_110, %add3A_111 : i32
        %swap3A_113 = arith.constant 1 : i32
        %swap3A_114 = arith.index_cast %swap3A_113 : i32 to index
        %swap3A_115 = arith.index_cast %add3A_112 : i32 to index
        %swap3A_116 = arith.constant 0 : index
        %swap3A_117 = tpu.vector_load %arg23[%swap3A_114, %swap3A_115, %swap3A_116] {strides = array<i32>} : memref<2x512x16xf32, #tpu.memory_space<vmem>>, vector<1x1x16xf32>,
        %swap3A_118 = vector.shape_cast %swap3A_117 : vector<1x1x16xf32> to vector<16xf32>
        %swap3A_119 = vector.shape_cast %mul3A_108 : vector<16xf32> to vector<1x1x16xf32>
        tpu.vector_store %arg23[%swap3A_114, %swap3A_115, %swap3A_116], %swap3A_119 {strides = array<i32>} : memref<2x512x16xf32, #tpu.memory_space<vmem>>, vector<1x1x16xf32>,
        %slice3A_120 = vector.extract_strided_slice %get3A_78 {offsets = [1], sizes = [1], strides = [1]} : vector<16xf32> to vector<1xf32>
        %squeeze3A_121 = vector.extract %slice3A_120[0] : f32 from vector<1xf32>
        %add3A_122 = arith.constant 1 : i32
        %add3A_123 = arith.addi %add3A_76, %add3A_122 : i32
        %get3A_124 = arith.index_cast %add3A_123 : i32 to index
        %get3A_125 = arith.constant 0 : index
        %get3A_126 = tpu.vector_load %arg20[%get3A_124, %get3A_125] {strides = array<i32>} : memref<1024x16xf32, #tpu.memory_space<vmem>>, vector<1x16xf32>,
        %get3A_127 = vector.shape_cast %get3A_126 : vector<1x16xf32> to vector<16xf32>
        %add3A_128 = arith.constant 1 : i32
        %add3A_129 = arith.addi %add3A_76, %add3A_128 : i32
        %get3A_130 = arith.index_cast %add3A_129 : i32 to index
        %get3A_131 = arith.constant 0 : index
        %get3A_132 = tpu.vector_load %arg21[%get3A_130, %get3A_131] {strides = array<i32>} : memref<1024x16xf32, #tpu.memory_space<vmem>>, vector<1x16xf32>,
        %get3A_133 = vector.shape_cast %get3A_132 : vector<1x16xf32> to vector<16xf32>
        %mul3A_134 = vector.broadcast %squeeze3A_121 : f32 to vector<16xf32>
        %mul3A_135 = arith.mulf %get3A_127, %mul3A_134 : vector<16xf32>
        %mul3A_136 = arith.constant 16 : i32
        %mul3A_137 = arith.muli %scan3A_72, %mul3A_136 : i32
        %add3A_138 = arith.constant 1 : i32
        %add3A_139 = arith.addi %mul3A_137, %add3A_138 : i32
        %swap3A_140 = arith.constant 1 : i32
        %swap3A_141 = arith.index_cast %swap3A_140 : i32 to index
        %swap3A_142 = arith.index_cast %add3A_139 : i32 to index
        %swap3A_143 = arith.constant 0 : index
        %swap3A_144 = tpu.vector_load %arg22[%swap3A_141, %swap3A_142, %swap3A_143] {strides = array<i32>} : memref<2x512x16xf32, #tpu.memory_space<vmem>>, vector<1x1x16xf32>,
        %swap3A_145 = vector.shape_cast %swap3A_144 : vector<1x1x16xf32> to vector<16xf32>
        %swap3A_146 = vector.shape_cast %mul3A_135 : vector<16xf32> to vector<1x1x16xf32>
        tpu.vector_store %arg22[%swap3A_141, %swap3A_142, %swap3A_143], %swap3A_146 {strides = array<i32>} : memref<2x512x16xf32, #tpu.memory_space<vmem>>, vector<1x1x16xf32>,
        %mul3A_147 = arith.mulf %get3A_127, %get3A_127 : vector<16xf32>
        %sub3A_148 = arith.constant 1.000000e+00 : f32
        %sub3A_149 = vector.broadcast %sub3A_148 : f32 to vector<16xf32>
        %sub3A_150 = arith.subf %sub3A_149, %mul3A_147 : vector<16xf32>
        %mul3A_151 = vector.broadcast %squeeze3A_121 : f32 to vector<16xf32>
        %mul3A_152 = arith.mulf %get3A_133, %mul3A_151 : vector<16xf32>
        %mul3A_153 = arith.mulf %sub3A_150, %mul3A_152 : vector<16xf32>
        %mul3A_154 = arith.constant 16 : i32
        %mul3A_155 = arith.muli %scan3A_72, %mul3A_154 : i32
        %add3A_156 = arith.constant 1 : i32
        %add3A_157 = arith.addi %mul3A_155, %add3A_156 : i32
        %swap3A_158 = arith.constant 1 : i32
        %swap3A_159 = arith.index_cast %swap3A_158 : i32 to index
        %swap3A_160 = arith.index_cast %add3A_157 : i32 to index
        %swap3A_161 = arith.constant 0 : index
        %swap3A_162 = tpu.vector_load %arg23[%swap3A_159, %swap3A_160, %swap3A_161] {strides = array<i32>} : memref<2x512x16xf32, #tpu.memory_space<vmem>>, vector<1x1x16xf32>,
        %swap3A_163 = vector.shape_cast %swap3A_162 : vector<1x1x16xf32> to vector<16xf32>
        %swap3A_164 = vector.shape_cast %mul3A_153 : vector<16xf32> to vector<1x1x16xf32>
        tpu.vector_store %arg23[%swap3A_159, %swap3A_160, %swap3A_161], %swap3A_164 {strides = array<i32>} : memref<2x512x16xf32, #tpu.memory_space<vmem>>, vector<1x1x16xf32>,
        %slice3A_165 = vector.extract_strided_slice %get3A_78 {offsets = [2], sizes = [1], strides = [1]} : vector<16xf32> to vector<1xf32>
        %squeeze3A_166 = vector.extract %slice3A_165[0] : f32 from vector<1xf32>
        %add3A_167 = arith.constant 2 : i32
        %add3A_168 = arith.addi %add3A_76, %add3A_167 : i32
        %get3A_169 = arith.index_cast %add3A_168 : i32 to index
        %get3A_170 = arith.constant 0 : index
        %get3A_171 = tpu.vector_load %arg20[%get3A_169, %get3A_170] {strides = array<i32>} : memref<1024x16xf32, #tpu.memory_space<vmem>>, vector<1x16xf32>,
        %get3A_172 = vector.shape_cast %get3A_171 : vector<1x16xf32> to vector<16xf32>
        %add3A_173 = arith.constant 2 : i32
        %add3A_174 = arith.addi %add3A_76, %add3A_173 : i32
        %get3A_175 = arith.index_cast %add3A_174 : i32 to index
        %get3A_176 = arith.constant 0 : index
        %get3A_177 = tpu.vector_load %arg21[%get3A_175, %get3A_176] {strides = array<i32>} : memref<1024x16xf32, #tpu.memory_space<vmem>>, vector<1x16xf32>,
        %get3A_178 = vector.shape_cast %get3A_177 : vector<1x16xf32> to vector<16xf32>
        %mul3A_179 = vector.broadcast %squeeze3A_166 : f32 to vector<16xf32>
        %mul3A_180 = arith.mulf %get3A_172, %mul3A_179 : vector<16xf32>
        %mul3A_181 = arith.constant 16 : i32
        %mul3A_182 = arith.muli %scan3A_72, %mul3A_181 : i32
        %add3A_183 = arith.constant 2 : i32
        %add3A_184 = arith.addi %mul3A_182, %add3A_183 : i32
        %swap3A_185 = arith.constant 1 : i32
        %swap3A_186 = arith.index_cast %swap3A_185 : i32 to index
        %swap3A_187 = arith.index_cast %add3A_184 : i32 to index
        %swap3A_188 = arith.constant 0 : index
        %swap3A_189 = tpu.vector_load %arg22[%swap3A_186, %swap3A_187, %swap3A_188] {strides = array<i32>} : memref<2x512x16xf32, #tpu.memory_space<vmem>>, vector<1x1x16xf32>,
        %swap3A_190 = vector.shape_cast %swap3A_189 : vector<1x1x16xf32> to vector<16xf32>
        %swap3A_191 = vector.shape_cast %mul3A_180 : vector<16xf32> to vector<1x1x16xf32>
        tpu.vector_store %arg22[%swap3A_186, %swap3A_187, %swap3A_188], %swap3A_191 {strides = array<i32>} : memref<2x512x16xf32, #tpu.memory_space<vmem>>, vector<1x1x16xf32>,
        %mul3A_192 = arith.mulf %get3A_172, %get3A_172 : vector<16xf32>
        %sub3A_193 = arith.constant 1.000000e+00 : f32
        %sub3A_194 = vector.broadcast %sub3A_193 : f32 to vector<16xf32>
        %sub3A_195 = arith.subf %sub3A_194, %mul3A_192 : vector<16xf32>
        %mul3A_196 = vector.broadcast %squeeze3A_166 : f32 to vector<16xf32>
        %mul3A_197 = arith.mulf %get3A_178, %mul3A_196 : vector<16xf32>
        %mul3A_198 = arith.mulf %sub3A_195, %mul3A_197 : vector<16xf32>
        %mul3A_199 = arith.constant 16 : i32
        %mul3A_200 = arith.muli %scan3A_72, %mul3A_199 : i32
        %add3A_201 = arith.constant 2 : i32
        %add3A_202 = arith.addi %mul3A_200, %add3A_201 : i32
        %swap3A_203 = arith.constant 1 : i32
        %swap3A_204 = arith.index_cast %swap3A_203 : i32 to index
        %swap3A_205 = arith.index_cast %add3A_202 : i32 to index
        %swap3A_206 = arith.constant 0 : index
        %swap3A_207 = tpu.vector_load %arg23[%swap3A_204, %swap3A_205, %swap3A_206] {strides = array<i32>} : memref<2x512x16xf32, #tpu.memory_space<vmem>>, vector<1x1x16xf32>,
        %swap3A_208 = vector.shape_cast %swap3A_207 : vector<1x1x16xf32> to vector<16xf32>
        %swap3A_209 = vector.shape_cast %mul3A_198 : vector<16xf32> to vector<1x1x16xf32>
        tpu.vector_store %arg23[%swap3A_204, %swap3A_205, %swap3A_206], %swap3A_209 {strides = array<i32>} : memref<2x512x16xf32, #tpu.memory_space<vmem>>, vector<1x1x16xf32>,
        %slice3A_210 = vector.extract_strided_slice %get3A_78 {offsets = [3], sizes = [1], strides = [1]} : vector<16xf32> to vector<1xf32>
        %squeeze3A_211 = vector.extract %slice3A_210[0] : f32 from vector<1xf32>
        %add3A_212 = arith.constant 3 : i32
        %add3A_213 = arith.addi %add3A_76, %add3A_212 : i32
        %get3A_214 = arith.index_cast %add3A_213 : i32 to index
        %get3A_215 = arith.constant 0 : index
        %get3A_216 = tpu.vector_load %arg20[%get3A_214, %get3A_215] {strides = array<i32>} : memref<1024x16xf32, #tpu.memory_space<vmem>>, vector<1x16xf32>,
        %get3A_217 = vector.shape_cast %get3A_216 : vector<1x16xf32> to vector<16xf32>
        %add3A_218 = arith.constant 3 : i32
        %add3A_219 = arith.addi %add3A_76, %add3A_218 : i32
        %get3A_220 = arith.index_cast %add3A_219 : i32 to index
        %get3A_221 = arith.constant 0 : index
        %get3A_222 = tpu.vector_load %arg21[%get3A_220, %get3A_221] {strides = array<i32>} : memref<1024x16xf32, #tpu.memory_space<vmem>>, vector<1x16xf32>,
        %get3A_223 = vector.shape_cast %get3A_222 : vector<1x16xf32> to vector<16xf32>
        %mul3A_224 = vector.broadcast %squeeze3A_211 : f32 to vector<16xf32>
        %mul3A_225 = arith.mulf %get3A_217, %mul3A_224 : vector<16xf32>
        %mul3A_226 = arith.constant 16 : i32
        %mul3A_227 = arith.muli %scan3A_72, %mul3A_226 : i32
        %add3A_228 = arith.constant 3 : i32
        %add3A_229 = arith.addi %mul3A_227, %add3A_228 : i32
        %swap3A_230 = arith.constant 1 : i32
        %swap3A_231 = arith.index_cast %swap3A_230 : i32 to index
        %swap3A_232 = arith.index_cast %add3A_229 : i32 to index
        %swap3A_233 = arith.constant 0 : index
        %swap3A_234 = tpu.vector_load %arg22[%swap3A_231, %swap3A_232, %swap3A_233] {strides = array<i32>} : memref<2x512x16xf32, #tpu.memory_space<vmem>>, vector<1x1x16xf32>,
        %swap3A_235 = vector.shape_cast %swap3A_234 : vector<1x1x16xf32> to vector<16xf32>
        %swap3A_236 = vector.shape_cast %mul3A_225 : vector<16xf32> to vector<1x1x16xf32>
        tpu.vector_store %arg22[%swap3A_231, %swap3A_232, %swap3A_233], %swap3A_236 {strides = array<i32>} : memref<2x512x16xf32, #tpu.memory_space<vmem>>, vector<1x1x16xf32>,
        %mul3A_237 = arith.mulf %get3A_217, %get3A_217 : vector<16xf32>
        %sub3A_238 = arith.constant 1.000000e+00 : f32
        %sub3A_239 = vector.broadcast %sub3A_238 : f32 to vector<16xf32>
        %sub3A_240 = arith.subf %sub3A_239, %mul3A_237 : vector<16xf32>
        %mul3A_241 = vector.broadcast %squeeze3A_211 : f32 to vector<16xf32>
        %mul3A_242 = arith.mulf %get3A_223, %mul3A_241 : vector<16xf32>
        %mul3A_243 = arith.mulf %sub3A_240, %mul3A_242 : vector<16xf32>
        %mul3A_244 = arith.constant 16 : i32
        %mul3A_245 = arith.muli %scan3A_72, %mul3A_244 : i32
        %add3A_246 = arith.constant 3 : i32
        %add3A_247 = arith.addi %mul3A_245, %add3A_246 : i32
        %swap3A_248 = arith.constant 1 : i32
        %swap3A_249 = arith.index_cast %swap3A_248 : i32 to index
        %swap3A_250 = arith.index_cast %add3A_247 : i32 to index
        %swap3A_251 = arith.constant 0 : index
        %swap3A_252 = tpu.vector_load %arg23[%swap3A_249, %swap3A_250, %swap3A_251] {strides = array<i32>} : memref<2x512x16xf32, #tpu.memory_space<vmem>>, vector<1x1x16xf32>,
        %swap3A_253 = vector.shape_cast %swap3A_252 : vector<1x1x16xf32> to vector<16xf32>
        %swap3A_254 = vector.shape_cast %mul3A_243 : vector<16xf32> to vector<1x1x16xf32>
        tpu.vector_store %arg23[%swap3A_249, %swap3A_250, %swap3A_251], %swap3A_254 {strides = array<i32>} : memref<2x512x16xf32, #tpu.memory_space<vmem>>, vector<1x1x16xf32>,
        %slice3A_255 = vector.extract_strided_slice %get3A_78 {offsets = [4], sizes = [1], strides = [1]} : vector<16xf32> to vector<1xf32>
        %squeeze3A_256 = vector.extract %slice3A_255[0] : f32 from vector<1xf32>
        %add3A_257 = arith.constant 4 : i32
        %add3A_258 = arith.addi %add3A_76, %add3A_257 : i32
        %get3A_259 = arith.index_cast %add3A_258 : i32 to index
        %get3A_260 = arith.constant 0 : index
        %get3A_261 = tpu.vector_load %arg20[%get3A_259, %get3A_260] {strides = array<i32>} : memref<1024x16xf32, #tpu.memory_space<vmem>>, vector<1x16xf32>,
        %get3A_262 = vector.shape_cast %get3A_261 : vector<1x16xf32> to vector<16xf32>
        %add3A_263 = arith.constant 4 : i32
        %add3A_264 = arith.addi %add3A_76, %add3A_263 : i32
        %get3A_265 = arith.index_cast %add3A_264 : i32 to index
        %get3A_266 = arith.constant 0 : index
        %get3A_267 = tpu.vector_load %arg21[%get3A_265, %get3A_266] {strides = array<i32>} : memref<1024x16xf32, #tpu.memory_space<vmem>>, vector<1x16xf32>,
        %get3A_268 = vector.shape_cast %get3A_267 : vector<1x16xf32> to vector<16xf32>
        %mul3A_269 = vector.broadcast %squeeze3A_256 : f32 to vector<16xf32>
        %mul3A_270 = arith.mulf %get3A_262, %mul3A_269 : vector<16xf32>
        %mul3A_271 = arith.constant 16 : i32
        %mul3A_272 = arith.muli %scan3A_72, %mul3A_271 : i32
        %add3A_273 = arith.constant 4 : i32
        %add3A_274 = arith.addi %mul3A_272, %add3A_273 : i32
        %swap3A_275 = arith.constant 1 : i32
        %swap3A_276 = arith.index_cast %swap3A_275 : i32 to index
        %swap3A_277 = arith.index_cast %add3A_274 : i32 to index
        %swap3A_278 = arith.constant 0 : index
        %swap3A_279 = tpu.vector_load %arg22[%swap3A_276, %swap3A_277, %swap3A_278] {strides = array<i32>} : memref<2x512x16xf32, #tpu.memory_space<vmem>>, vector<1x1x16xf32>,
        %swap3A_280 = vector.shape_cast %swap3A_279 : vector<1x1x16xf32> to vector<16xf32>
        %swap3A_281 = vector.shape_cast %mul3A_270 : vector<16xf32> to vector<1x1x16xf32>
        tpu.vector_store %arg22[%swap3A_276, %swap3A_277, %swap3A_278], %swap3A_281 {strides = array<i32>} : memref<2x512x16xf32, #tpu.memory_space<vmem>>, vector<1x1x16xf32>,
        %mul3A_282 = arith.mulf %get3A_262, %get3A_262 : vector<16xf32>
        %sub3A_283 = arith.constant 1.000000e+00 : f32
        %sub3A_284 = vector.broadcast %sub3A_283 : f32 to vector<16xf32>
        %sub3A_285 = arith.subf %sub3A_284, %mul3A_282 : vector<16xf32>
        %mul3A_286 = vector.broadcast %squeeze3A_256 : f32 to vector<16xf32>
        %mul3A_287 = arith.mulf %get3A_268, %mul3A_286 : vector<16xf32>
        %mul3A_288 = arith.mulf %sub3A_285, %mul3A_287 : vector<16xf32>
        %mul3A_289 = arith.constant 16 : i32
        %mul3A_290 = arith.muli %scan3A_72, %mul3A_289 : i32
        %add3A_291 = arith.constant 4 : i32
        %add3A_292 = arith.addi %mul3A_290, %add3A_291 : i32
        %swap3A_293 = arith.constant 1 : i32
        %swap3A_294 = arith.index_cast %swap3A_293 : i32 to index
        %swap3A_295 = arith.index_cast %add3A_292 : i32 to index
        %swap3A_296 = arith.constant 0 : index
        %swap3A_297 = tpu.vector_load %arg23[%swap3A_294, %swap3A_295, %swap3A_296] {strides = array<i32>} : memref<2x512x16xf32, #tpu.memory_space<vmem>>, vector<1x1x16xf32>,
        %swap3A_298 = vector.shape_cast %swap3A_297 : vector<1x1x16xf32> to vector<16xf32>
        %swap3A_299 = vector.shape_cast %mul3A_288 : vector<16xf32> to vector<1x1x16xf32>
        tpu.vector_store %arg23[%swap3A_294, %swap3A_295, %swap3A_296], %swap3A_299 {strides = array<i32>} : memref<2x512x16xf32, #tpu.memory_space<vmem>>, vector<1x1x16xf32>,
        %slice3A_300 = vector.extract_strided_slice %get3A_78 {offsets = [5], sizes = [1], strides = [1]} : vector<16xf32> to vector<1xf32>
        %squeeze3A_301 = vector.extract %slice3A_300[0] : f32 from vector<1xf32>
        %add3A_302 = arith.constant 5 : i32
        %add3A_303 = arith.addi %add3A_76, %add3A_302 : i32
        %get3A_304 = arith.index_cast %add3A_303 : i32 to index
        %get3A_305 = arith.constant 0 : index
        %get3A_306 = tpu.vector_load %arg20[%get3A_304, %get3A_305] {strides = array<i32>} : memref<1024x16xf32, #tpu.memory_space<vmem>>, vector<1x16xf32>,
        %get3A_307 = vector.shape_cast %get3A_306 : vector<1x16xf32> to vector<16xf32>
        %add3A_308 = arith.constant 5 : i32
        %add3A_309 = arith.addi %add3A_76, %add3A_308 : i32
        %get3A_310 = arith.index_cast %add3A_309 : i32 to index
        %get3A_311 = arith.constant 0 : index
        %get3A_312 = tpu.vector_load %arg21[%get3A_310, %get3A_311] {strides = array<i32>} : memref<1024x16xf32, #tpu.memory_space<vmem>>, vector<1x16xf32>,
        %get3A_313 = vector.shape_cast %get3A_312 : vector<1x16xf32> to vector<16xf32>
        %mul3A_314 = vector.broadcast %squeeze3A_301 : f32 to vector<16xf32>
        %mul3A_315 = arith.mulf %get3A_307, %mul3A_314 : vector<16xf32>
        %mul3A_316 = arith.constant 16 : i32
        %mul3A_317 = arith.muli %scan3A_72, %mul3A_316 : i32
        %add3A_318 = arith.constant 5 : i32
        %add3A_319 = arith.addi %mul3A_317, %add3A_318 : i32
        %swap3A_320 = arith.constant 1 : i32
        %swap3A_321 = arith.index_cast %swap3A_320 : i32 to index
        %swap3A_322 = arith.index_cast %add3A_319 : i32 to index
        %swap3A_323 = arith.constant 0 : index
        %swap3A_324 = tpu.vector_load %arg22[%swap3A_321, %swap3A_322, %swap3A_323] {strides = array<i32>} : memref<2x512x16xf32, #tpu.memory_space<vmem>>, vector<1x1x16xf32>,
        %swap3A_325 = vector.shape_cast %swap3A_324 : vector<1x1x16xf32> to vector<16xf32>
        %swap3A_326 = vector.shape_cast %mul3A_315 : vector<16xf32> to vector<1x1x16xf32>
        tpu.vector_store %arg22[%swap3A_321, %swap3A_322, %swap3A_323], %swap3A_326 {strides = array<i32>} : memref<2x512x16xf32, #tpu.memory_space<vmem>>, vector<1x1x16xf32>,
        %mul3A_327 = arith.mulf %get3A_307, %get3A_307 : vector<16xf32>
        %sub3A_328 = arith.constant 1.000000e+00 : f32
        %sub3A_329 = vector.broadcast %sub3A_328 : f32 to vector<16xf32>
        %sub3A_330 = arith.subf %sub3A_329, %mul3A_327 : vector<16xf32>
        %mul3A_331 = vector.broadcast %squeeze3A_301 : f32 to vector<16xf32>
        %mul3A_332 = arith.mulf %get3A_313, %mul3A_331 : vector<16xf32>
        %mul3A_333 = arith.mulf %sub3A_330, %mul3A_332 : vector<16xf32>
        %mul3A_334 = arith.constant 16 : i32
        %mul3A_335 = arith.muli %scan3A_72, %mul3A_334 : i32
        %add3A_336 = arith.constant 5 : i32
        %add3A_337 = arith.addi %mul3A_335, %add3A_336 : i32
        %swap3A_338 = arith.constant 1 : i32
        %swap3A_339 = arith.index_cast %swap3A_338 : i32 to index
        %swap3A_340 = arith.index_cast %add3A_337 : i32 to index
        %swap3A_341 = arith.constant 0 : index
        %swap3A_342 = tpu.vector_load %arg23[%swap3A_339, %swap3A_340, %swap3A_341] {strides = array<i32>} : memref<2x512x16xf32, #tpu.memory_space<vmem>>, vector<1x1x16xf32>,
        %swap3A_343 = vector.shape_cast %swap3A_342 : vector<1x1x16xf32> to vector<16xf32>
        %swap3A_344 = vector.shape_cast %mul3A_333 : vector<16xf32> to vector<1x1x16xf32>
        tpu.vector_store %arg23[%swap3A_339, %swap3A_340, %swap3A_341], %swap3A_344 {strides = array<i32>} : memref<2x512x16xf32, #tpu.memory_space<vmem>>, vector<1x1x16xf32>,
        %slice3A_345 = vector.extract_strided_slice %get3A_78 {offsets = [6], sizes = [1], strides = [1]} : vector<16xf32> to vector<1xf32>
        %squeeze3A_346 = vector.extract %slice3A_345[0] : f32 from vector<1xf32>
        %add3A_347 = arith.constant 6 : i32
        %add3A_348 = arith.addi %add3A_76, %add3A_347 : i32
        %get3A_349 = arith.index_cast %add3A_348 : i32 to index
        %get3A_350 = arith.constant 0 : index
        %get3A_351 = tpu.vector_load %arg20[%get3A_349, %get3A_350] {strides = array<i32>} : memref<1024x16xf32, #tpu.memory_space<vmem>>, vector<1x16xf32>,
        %get3A_352 = vector.shape_cast %get3A_351 : vector<1x16xf32> to vector<16xf32>
        %add3A_353 = arith.constant 6 : i32
        %add3A_354 = arith.addi %add3A_76, %add3A_353 : i32
        %get3A_355 = arith.index_cast %add3A_354 : i32 to index
        %get3A_356 = arith.constant 0 : index
        %get3A_357 = tpu.vector_load %arg21[%get3A_355, %get3A_356] {strides = array<i32>} : memref<1024x16xf32, #tpu.memory_space<vmem>>, vector<1x16xf32>,
        %get3A_358 = vector.shape_cast %get3A_357 : vector<1x16xf32> to vector<16xf32>
        %mul3A_359 = vector.broadcast %squeeze3A_346 : f32 to vector<16xf32>
        %mul3A_360 = arith.mulf %get3A_352, %mul3A_359 : vector<16xf32>
        %mul3A_361 = arith.constant 16 : i32
        %mul3A_362 = arith.muli %scan3A_72, %mul3A_361 : i32
        %add3A_363 = arith.constant 6 : i32
        %add3A_364 = arith.addi %mul3A_362, %add3A_363 : i32
        %swap3A_365 = arith.constant 1 : i32
        %swap3A_366 = arith.index_cast %swap3A_365 : i32 to index
        %swap3A_367 = arith.index_cast %add3A_364 : i32 to index
        %swap3A_368 = arith.constant 0 : index
        %swap3A_369 = tpu.vector_load %arg22[%swap3A_366, %swap3A_367, %swap3A_368] {strides = array<i32>} : memref<2x512x16xf32, #tpu.memory_space<vmem>>, vector<1x1x16xf32>,
        %swap3A_370 = vector.shape_cast %swap3A_369 : vector<1x1x16xf32> to vector<16xf32>
        %swap3A_371 = vector.shape_cast %mul3A_360 : vector<16xf32> to vector<1x1x16xf32>
        tpu.vector_store %arg22[%swap3A_366, %swap3A_367, %swap3A_368], %swap3A_371 {strides = array<i32>} : memref<2x512x16xf32, #tpu.memory_space<vmem>>, vector<1x1x16xf32>,
        %mul3A_372 = arith.mulf %get3A_352, %get3A_352 : vector<16xf32>
        %sub3A_373 = arith.constant 1.000000e+00 : f32
        %sub3A_374 = vector.broadcast %sub3A_373 : f32 to vector<16xf32>
        %sub3A_375 = arith.subf %sub3A_374, %mul3A_372 : vector<16xf32>
        %mul3A_376 = vector.broadcast %squeeze3A_346 : f32 to vector<16xf32>
        %mul3A_377 = arith.mulf %get3A_358, %mul3A_376 : vector<16xf32>
        %mul3A_378 = arith.mulf %sub3A_375, %mul3A_377 : vector<16xf32>
        %mul3A_379 = arith.constant 16 : i32
        %mul3A_380 = arith.muli %scan3A_72, %mul3A_379 : i32
        %add3A_381 = arith.constant 6 : i32
        %add3A_382 = arith.addi %mul3A_380, %add3A_381 : i32
        %swap3A_383 = arith.constant 1 : i32
        %swap3A_384 = arith.index_cast %swap3A_383 : i32 to index
        %swap3A_385 = arith.index_cast %add3A_382 : i32 to index
        %swap3A_386 = arith.constant 0 : index
        %swap3A_387 = tpu.vector_load %arg23[%swap3A_384, %swap3A_385, %swap3A_386] {strides = array<i32>} : memref<2x512x16xf32, #tpu.memory_space<vmem>>, vector<1x1x16xf32>,
        %swap3A_388 = vector.shape_cast %swap3A_387 : vector<1x1x16xf32> to vector<16xf32>
        %swap3A_389 = vector.shape_cast %mul3A_378 : vector<16xf32> to vector<1x1x16xf32>
        tpu.vector_store %arg23[%swap3A_384, %swap3A_385, %swap3A_386], %swap3A_389 {strides = array<i32>} : memref<2x512x16xf32, #tpu.memory_space<vmem>>, vector<1x1x16xf32>,
        %slice3A_390 = vector.extract_strided_slice %get3A_78 {offsets = [7], sizes = [1], strides = [1]} : vector<16xf32> to vector<1xf32>
        %squeeze3A_391 = vector.extract %slice3A_390[0] : f32 from vector<1xf32>
        %add3A_392 = arith.constant 7 : i32
        %add3A_393 = arith.addi %add3A_76, %add3A_392 : i32
        %get3A_394 = arith.index_cast %add3A_393 : i32 to index
        %get3A_395 = arith.constant 0 : index
        %get3A_396 = tpu.vector_load %arg20[%get3A_394, %get3A_395] {strides = array<i32>} : memref<1024x16xf32, #tpu.memory_space<vmem>>, vector<1x16xf32>,
        %get3A_397 = vector.shape_cast %get3A_396 : vector<1x16xf32> to vector<16xf32>
        %add3A_398 = arith.constant 7 : i32
        %add3A_399 = arith.addi %add3A_76, %add3A_398 : i32
        %get3A_400 = arith.index_cast %add3A_399 : i32 to index
        %get3A_401 = arith.constant 0 : index
        %get3A_402 = tpu.vector_load %arg21[%get3A_400, %get3A_401] {strides = array<i32>} : memref<1024x16xf32, #tpu.memory_space<vmem>>, vector<1x16xf32>,
        %get3A_403 = vector.shape_cast %get3A_402 : vector<1x16xf32> to vector<16xf32>
        %mul3A_404 = vector.broadcast %squeeze3A_391 : f32 to vector<16xf32>
        %mul3A_405 = arith.mulf %get3A_397, %mul3A_404 : vector<16xf32>
        %mul3A_406 = arith.constant 16 : i32
        %mul3A_407 = arith.muli %scan3A_72, %mul3A_406 : i32
        %add3A_408 = arith.constant 7 : i32
        %add3A_409 = arith.addi %mul3A_407, %add3A_408 : i32
        %swap3A_410 = arith.constant 1 : i32
        %swap3A_411 = arith.index_cast %swap3A_410 : i32 to index
        %swap3A_412 = arith.index_cast %add3A_409 : i32 to index
        %swap3A_413 = arith.constant 0 : index
        %swap3A_414 = tpu.vector_load %arg22[%swap3A_411, %swap3A_412, %swap3A_413] {strides = array<i32>} : memref<2x512x16xf32, #tpu.memory_space<vmem>>, vector<1x1x16xf32>,
        %swap3A_415 = vector.shape_cast %swap3A_414 : vector<1x1x16xf32> to vector<16xf32>
        %swap3A_416 = vector.shape_cast %mul3A_405 : vector<16xf32> to vector<1x1x16xf32>
        tpu.vector_store %arg22[%swap3A_411, %swap3A_412, %swap3A_413], %swap3A_416 {strides = array<i32>} : memref<2x512x16xf32, #tpu.memory_space<vmem>>, vector<1x1x16xf32>,
        %mul3A_417 = arith.mulf %get3A_397, %get3A_397 : vector<16xf32>
        %sub3A_418 = arith.constant 1.000000e+00 : f32
        %sub3A_419 = vector.broadcast %sub3A_418 : f32 to vector<16xf32>
        %sub3A_420 = arith.subf %sub3A_419, %mul3A_417 : vector<16xf32>
        %mul3A_421 = vector.broadcast %squeeze3A_391 : f32 to vector<16xf32>
        %mul3A_422 = arith.mulf %get3A_403, %mul3A_421 : vector<16xf32>
        %mul3A_423 = arith.mulf %sub3A_420, %mul3A_422 : vector<16xf32>
        %mul3A_424 = arith.constant 16 : i32
        %mul3A_425 = arith.muli %scan3A_72, %mul3A_424 : i32
        %add3A_426 = arith.constant 7 : i32
        %add3A_427 = arith.addi %mul3A_425, %add3A_426 : i32
        %swap3A_428 = arith.constant 1 : i32
        %swap3A_429 = arith.index_cast %swap3A_428 : i32 to index
        %swap3A_430 = arith.index_cast %add3A_427 : i32 to index
        %swap3A_431 = arith.constant 0 : index
        %swap3A_432 = tpu.vector_load %arg23[%swap3A_429, %swap3A_430, %swap3A_431] {strides = array<i32>} : memref<2x512x16xf32, #tpu.memory_space<vmem>>, vector<1x1x16xf32>,
        %swap3A_433 = vector.shape_cast %swap3A_432 : vector<1x1x16xf32> to vector<16xf32>
        %swap3A_434 = vector.shape_cast %mul3A_423 : vector<16xf32> to vector<1x1x16xf32>
        tpu.vector_store %arg23[%swap3A_429, %swap3A_430, %swap3A_431], %swap3A_434 {strides = array<i32>} : memref<2x512x16xf32, #tpu.memory_space<vmem>>, vector<1x1x16xf32>,
        %slice3A_435 = vector.extract_strided_slice %get3A_78 {offsets = [8], sizes = [1], strides = [1]} : vector<16xf32> to vector<1xf32>
        %squeeze3A_436 = vector.extract %slice3A_435[0] : f32 from vector<1xf32>
        %add3A_437 = arith.constant 8 : i32
        %add3A_438 = arith.addi %add3A_76, %add3A_437 : i32
        %get3A_439 = arith.index_cast %add3A_438 : i32 to index
        %get3A_440 = arith.constant 0 : index
        %get3A_441 = tpu.vector_load %arg20[%get3A_439, %get3A_440] {strides = array<i32>} : memref<1024x16xf32, #tpu.memory_space<vmem>>, vector<1x16xf32>,
        %get3A_442 = vector.shape_cast %get3A_441 : vector<1x16xf32> to vector<16xf32>
        %add3A_443 = arith.constant 8 : i32
        %add3A_444 = arith.addi %add3A_76, %add3A_443 : i32
        %get3A_445 = arith.index_cast %add3A_444 : i32 to index
        %get3A_446 = arith.constant 0 : index
        %get3A_447 = tpu.vector_load %arg21[%get3A_445, %get3A_446] {strides = array<i32>} : memref<1024x16xf32, #tpu.memory_space<vmem>>, vector<1x16xf32>,
        %get3A_448 = vector.shape_cast %get3A_447 : vector<1x16xf32> to vector<16xf32>
        %mul3A_449 = vector.broadcast %squeeze3A_436 : f32 to vector<16xf32>
        %mul3A_450 = arith.mulf %get3A_442, %mul3A_449 : vector<16xf32>
        %mul3A_451 = arith.constant 16 : i32
        %mul3A_452 = arith.muli %scan3A_72, %mul3A_451 : i32
        %add3A_453 = arith.constant 8 : i32
        %add3A_454 = arith.addi %mul3A_452, %add3A_453 : i32
        %swap3A_455 = arith.constant 1 : i32
        %swap3A_456 = arith.index_cast %swap3A_455 : i32 to index
        %swap3A_457 = arith.index_cast %add3A_454 : i32 to index
        %swap3A_458 = arith.constant 0 : index
        %swap3A_459 = tpu.vector_load %arg22[%swap3A_456, %swap3A_457, %swap3A_458] {strides = array<i32>} : memref<2x512x16xf32, #tpu.memory_space<vmem>>, vector<1x1x16xf32>,
        %swap3A_460 = vector.shape_cast %swap3A_459 : vector<1x1x16xf32> to vector<16xf32>
        %swap3A_461 = vector.shape_cast %mul3A_450 : vector<16xf32> to vector<1x1x16xf32>
        tpu.vector_store %arg22[%swap3A_456, %swap3A_457, %swap3A_458], %swap3A_461 {strides = array<i32>} : memref<2x512x16xf32, #tpu.memory_space<vmem>>, vector<1x1x16xf32>,
        %mul3A_462 = arith.mulf %get3A_442, %get3A_442 : vector<16xf32>
        %sub3A_463 = arith.constant 1.000000e+00 : f32
        %sub3A_464 = vector.broadcast %sub3A_463 : f32 to vector<16xf32>
        %sub3A_465 = arith.subf %sub3A_464, %mul3A_462 : vector<16xf32>
        %mul3A_466 = vector.broadcast %squeeze3A_436 : f32 to vector<16xf32>
        %mul3A_467 = arith.mulf %get3A_448, %mul3A_466 : vector<16xf32>
        %mul3A_468 = arith.mulf %sub3A_465, %mul3A_467 : vector<16xf32>
        %mul3A_469 = arith.constant 16 : i32
        %mul3A_470 = arith.muli %scan3A_72, %mul3A_469 : i32
        %add3A_471 = arith.constant 8 : i32
        %add3A_472 = arith.addi %mul3A_470, %add3A_471 : i32
        %swap3A_473 = arith.constant 1 : i32
        %swap3A_474 = arith.index_cast %swap3A_473 : i32 to index
        %swap3A_475 = arith.index_cast %add3A_472 : i32 to index
        %swap3A_476 = arith.constant 0 : index
        %swap3A_477 = tpu.vector_load %arg23[%swap3A_474, %swap3A_475, %swap3A_476] {strides = array<i32>} : memref<2x512x16xf32, #tpu.memory_space<vmem>>, vector<1x1x16xf32>,
        %swap3A_478 = vector.shape_cast %swap3A_477 : vector<1x1x16xf32> to vector<16xf32>
        %swap3A_479 = vector.shape_cast %mul3A_468 : vector<16xf32> to vector<1x1x16xf32>
        tpu.vector_store %arg23[%swap3A_474, %swap3A_475, %swap3A_476], %swap3A_479 {strides = array<i32>} : memref<2x512x16xf32, #tpu.memory_space<vmem>>, vector<1x1x16xf32>,
        %slice3A_480 = vector.extract_strided_slice %get3A_78 {offsets = [9], sizes = [1], strides = [1]} : vector<16xf32> to vector<1xf32>
        %squeeze3A_481 = vector.extract %slice3A_480[0] : f32 from vector<1xf32>
        %add3A_482 = arith.constant 9 : i32
        %add3A_483 = arith.addi %add3A_76, %add3A_482 : i32
        %get3A_484 = arith.index_cast %add3A_483 : i32 to index
        %get3A_485 = arith.constant 0 : index
        %get3A_486 = tpu.vector_load %arg20[%get3A_484, %get3A_485] {strides = array<i32>} : memref<1024x16xf32, #tpu.memory_space<vmem>>, vector<1x16xf32>,
        %get3A_487 = vector.shape_cast %get3A_486 : vector<1x16xf32> to vector<16xf32>
        %add3A_488 = arith.constant 9 : i32
        %add3A_489 = arith.addi %add3A_76, %add3A_488 : i32
        %get3A_490 = arith.index_cast %add3A_489 : i32 to index
        %get3A_491 = arith.constant 0 : index
        %get3A_492 = tpu.vector_load %arg21[%get3A_490, %get3A_491] {strides = array<i32>} : memref<1024x16xf32, #tpu.memory_space<vmem>>, vector<1x16xf32>,
        %get3A_493 = vector.shape_cast %get3A_492 : vector<1x16xf32> to vector<16xf32>
        %mul3A_494 = vector.broadcast %squeeze3A_481 : f32 to vector<16xf32>
        %mul3A_495 = arith.mulf %get3A_487, %mul3A_494 : vector<16xf32>
        %mul3A_496 = arith.constant 16 : i32
        %mul3A_497 = arith.muli %scan3A_72, %mul3A_496 : i32
        %add3A_498 = arith.constant 9 : i32
        %add3A_499 = arith.addi %mul3A_497, %add3A_498 : i32
        %swap3A_500 = arith.constant 1 : i32
        %swap3A_501 = arith.index_cast %swap3A_500 : i32 to index
        %swap3A_502 = arith.index_cast %add3A_499 : i32 to index
        %swap3A_503 = arith.constant 0 : index
        %swap3A_504 = tpu.vector_load %arg22[%swap3A_501, %swap3A_502, %swap3A_503] {strides = array<i32>} : memref<2x512x16xf32, #tpu.memory_space<vmem>>, vector<1x1x16xf32>,
        %swap3A_505 = vector.shape_cast %swap3A_504 : vector<1x1x16xf32> to vector<16xf32>
        %swap3A_506 = vector.shape_cast %mul3A_495 : vector<16xf32> to vector<1x1x16xf32>
        tpu.vector_store %arg22[%swap3A_501, %swap3A_502, %swap3A_503], %swap3A_506 {strides = array<i32>} : memref<2x512x16xf32, #tpu.memory_space<vmem>>, vector<1x1x16xf32>,
        %mul3A_507 = arith.mulf %get3A_487, %get3A_487 : vector<16xf32>
        %sub3A_508 = arith.constant 1.000000e+00 : f32
        %sub3A_509 = vector.broadcast %sub3A_508 : f32 to vector<16xf32>
        %sub3A_510 = arith.subf %sub3A_509, %mul3A_507 : vector<16xf32>
        %mul3A_511 = vector.broadcast %squeeze3A_481 : f32 to vector<16xf32>
        %mul3A_512 = arith.mulf %get3A_493, %mul3A_511 : vector<16xf32>
        %mul3A_513 = arith.mulf %sub3A_510, %mul3A_512 : vector<16xf32>
        %mul3A_514 = arith.constant 16 : i32
        %mul3A_515 = arith.muli %scan3A_72, %mul3A_514 : i32
        %add3A_516 = arith.constant 9 : i32
        %add3A_517 = arith.addi %mul3A_515, %add3A_516 : i32
        %swap3A_518 = arith.constant 1 : i32
        %swap3A_519 = arith.index_cast %swap3A_518 : i32 to index
        %swap3A_520 = arith.index_cast %add3A_517 : i32 to index
        %swap3A_521 = arith.constant 0 : index
        %swap3A_522 = tpu.vector_load %arg23[%swap3A_519, %swap3A_520, %swap3A_521] {strides = array<i32>} : memref<2x512x16xf32, #tpu.memory_space<vmem>>, vector<1x1x16xf32>,
        %swap3A_523 = vector.shape_cast %swap3A_522 : vector<1x1x16xf32> to vector<16xf32>
        %swap3A_524 = vector.shape_cast %mul3A_513 : vector<16xf32> to vector<1x1x16xf32>
        tpu.vector_store %arg23[%swap3A_519, %swap3A_520, %swap3A_521], %swap3A_524 {strides = array<i32>} : memref<2x512x16xf32, #tpu.memory_space<vmem>>, vector<1x1x16xf32>,
        %slice3A_525 = vector.extract_strided_slice %get3A_78 {offsets = [10], sizes = [1], strides = [1]} : vector<16xf32> to vector<1xf32>
        %squeeze3A_526 = vector.extract %slice3A_525[0] : f32 from vector<1xf32>
        %add3A_527 = arith.constant 10 : i32
        %add3A_528 = arith.addi %add3A_76, %add3A_527 : i32
        %get3A_529 = arith.index_cast %add3A_528 : i32 to index
        %get3A_530 = arith.constant 0 : index
        %get3A_531 = tpu.vector_load %arg20[%get3A_529, %get3A_530] {strides = array<i32>} : memref<1024x16xf32, #tpu.memory_space<vmem>>, vector<1x16xf32>,
        %get3A_532 = vector.shape_cast %get3A_531 : vector<1x16xf32> to vector<16xf32>
        %add3A_533 = arith.constant 10 : i32
        %add3A_534 = arith.addi %add3A_76, %add3A_533 : i32
        %get3A_535 = arith.index_cast %add3A_534 : i32 to index
        %get3A_536 = arith.constant 0 : index
        %get3A_537 = tpu.vector_load %arg21[%get3A_535, %get3A_536] {strides = array<i32>} : memref<1024x16xf32, #tpu.memory_space<vmem>>, vector<1x16xf32>,
        %get3A_538 = vector.shape_cast %get3A_537 : vector<1x16xf32> to vector<16xf32>
        %mul3A_539 = vector.broadcast %squeeze3A_526 : f32 to vector<16xf32>
        %mul3A_540 = arith.mulf %get3A_532, %mul3A_539 : vector<16xf32>
        %mul3A_541 = arith.constant 16 : i32
        %mul3A_542 = arith.muli %scan3A_72, %mul3A_541 : i32
        %add3A_543 = arith.constant 10 : i32
        %add3A_544 = arith.addi %mul3A_542, %add3A_543 : i32
        %swap3A_545 = arith.constant 1 : i32
        %swap3A_546 = arith.index_cast %swap3A_545 : i32 to index
        %swap3A_547 = arith.index_cast %add3A_544 : i32 to index
        %swap3A_548 = arith.constant 0 : index
        %swap3A_549 = tpu.vector_load %arg22[%swap3A_546, %swap3A_547, %swap3A_548] {strides = array<i32>} : memref<2x512x16xf32, #tpu.memory_space<vmem>>, vector<1x1x16xf32>,
        %swap3A_550 = vector.shape_cast %swap3A_549 : vector<1x1x16xf32> to vector<16xf32>
        %swap3A_551 = vector.shape_cast %mul3A_540 : vector<16xf32> to vector<1x1x16xf32>
        tpu.vector_store %arg22[%swap3A_546, %swap3A_547, %swap3A_548], %swap3A_551 {strides = array<i32>} : memref<2x512x16xf32, #tpu.memory_space<vmem>>, vector<1x1x16xf32>,
        %mul3A_552 = arith.mulf %get3A_532, %get3A_532 : vector<16xf32>
        %sub3A_553 = arith.constant 1.000000e+00 : f32
        %sub3A_554 = vector.broadcast %sub3A_553 : f32 to vector<16xf32>
        %sub3A_555 = arith.subf %sub3A_554, %mul3A_552 : vector<16xf32>
        %mul3A_556 = vector.broadcast %squeeze3A_526 : f32 to vector<16xf32>
        %mul3A_557 = arith.mulf %get3A_538, %mul3A_556 : vector<16xf32>
        %mul3A_558 = arith.mulf %sub3A_555, %mul3A_557 : vector<16xf32>
        %mul3A_559 = arith.constant 16 : i32
        %mul3A_560 = arith.muli %scan3A_72, %mul3A_559 : i32
        %add3A_561 = arith.constant 10 : i32
        %add3A_562 = arith.addi %mul3A_560, %add3A_561 : i32
        %swap3A_563 = arith.constant 1 : i32
        %swap3A_564 = arith.index_cast %swap3A_563 : i32 to index
        %swap3A_565 = arith.index_cast %add3A_562 : i32 to index
        %swap3A_566 = arith.constant 0 : index
        %swap3A_567 = tpu.vector_load %arg23[%swap3A_564, %swap3A_565, %swap3A_566] {strides = array<i32>} : memref<2x512x16xf32, #tpu.memory_space<vmem>>, vector<1x1x16xf32>,
        %swap3A_568 = vector.shape_cast %swap3A_567 : vector<1x1x16xf32> to vector<16xf32>
        %swap3A_569 = vector.shape_cast %mul3A_558 : vector<16xf32> to vector<1x1x16xf32>
        tpu.vector_store %arg23[%swap3A_564, %swap3A_565, %swap3A_566], %swap3A_569 {strides = array<i32>} : memref<2x512x16xf32, #tpu.memory_space<vmem>>, vector<1x1x16xf32>,
        %slice3A_570 = vector.extract_strided_slice %get3A_78 {offsets = [11], sizes = [1], strides = [1]} : vector<16xf32> to vector<1xf32>
        %squeeze3A_571 = vector.extract %slice3A_570[0] : f32 from vector<1xf32>
        %add3A_572 = arith.constant 11 : i32
        %add3A_573 = arith.addi %add3A_76, %add3A_572 : i32
        %get3A_574 = arith.index_cast %add3A_573 : i32 to index
        %get3A_575 = arith.constant 0 : index
        %get3A_576 = tpu.vector_load %arg20[%get3A_574, %get3A_575] {strides = array<i32>} : memref<1024x16xf32, #tpu.memory_space<vmem>>, vector<1x16xf32>,
        %get3A_577 = vector.shape_cast %get3A_576 : vector<1x16xf32> to vector<16xf32>
        %add3A_578 = arith.constant 11 : i32
        %add3A_579 = arith.addi %add3A_76, %add3A_578 : i32
        %get3A_580 = arith.index_cast %add3A_579 : i32 to index
        %get3A_581 = arith.constant 0 : index
        %get3A_582 = tpu.vector_load %arg21[%get3A_580, %get3A_581] {strides = array<i32>} : memref<1024x16xf32, #tpu.memory_space<vmem>>, vector<1x16xf32>,
        %get3A_583 = vector.shape_cast %get3A_582 : vector<1x16xf32> to vector<16xf32>
        %mul3A_584 = vector.broadcast %squeeze3A_571 : f32 to vector<16xf32>
        %mul3A_585 = arith.mulf %get3A_577, %mul3A_584 : vector<16xf32>
        %mul3A_586 = arith.constant 16 : i32
        %mul3A_587 = arith.muli %scan3A_72, %mul3A_586 : i32
        %add3A_588 = arith.constant 11 : i32
        %add3A_589 = arith.addi %mul3A_587, %add3A_588 : i32
        %swap3A_590 = arith.constant 1 : i32
        %swap3A_591 = arith.index_cast %swap3A_590 : i32 to index
        %swap3A_592 = arith.index_cast %add3A_589 : i32 to index
        %swap3A_593 = arith.constant 0 : index
        %swap3A_594 = tpu.vector_load %arg22[%swap3A_591, %swap3A_592, %swap3A_593] {strides = array<i32>} : memref<2x512x16xf32, #tpu.memory_space<vmem>>, vector<1x1x16xf32>,
        %swap3A_595 = vector.shape_cast %swap3A_594 : vector<1x1x16xf32> to vector<16xf32>
        %swap3A_596 = vector.shape_cast %mul3A_585 : vector<16xf32> to vector<1x1x16xf32>
        tpu.vector_store %arg22[%swap3A_591, %swap3A_592, %swap3A_593], %swap3A_596 {strides = array<i32>} : memref<2x512x16xf32, #tpu.memory_space<vmem>>, vector<1x1x16xf32>,
        %mul3A_597 = arith.mulf %get3A_577, %get3A_577 : vector<16xf32>
        %sub3A_598 = arith.constant 1.000000e+00 : f32
        %sub3A_599 = vector.broadcast %sub3A_598 : f32 to vector<16xf32>
        %sub3A_600 = arith.subf %sub3A_599, %mul3A_597 : vector<16xf32>
        %mul3A_601 = vector.broadcast %squeeze3A_571 : f32 to vector<16xf32>
        %mul3A_602 = arith.mulf %get3A_583, %mul3A_601 : vector<16xf32>
        %mul3A_603 = arith.mulf %sub3A_600, %mul3A_602 : vector<16xf32>
        %mul3A_604 = arith.constant 16 : i32
        %mul3A_605 = arith.muli %scan3A_72, %mul3A_604 : i32
        %add3A_606 = arith.constant 11 : i32
        %add3A_607 = arith.addi %mul3A_605, %add3A_606 : i32
        %swap3A_608 = arith.constant 1 : i32
        %swap3A_609 = arith.index_cast %swap3A_608 : i32 to index
        %swap3A_610 = arith.index_cast %add3A_607 : i32 to index
        %swap3A_611 = arith.constant 0 : index
        %swap3A_612 = tpu.vector_load %arg23[%swap3A_609, %swap3A_610, %swap3A_611] {strides = array<i32>} : memref<2x512x16xf32, #tpu.memory_space<vmem>>, vector<1x1x16xf32>,
        %swap3A_613 = vector.shape_cast %swap3A_612 : vector<1x1x16xf32> to vector<16xf32>
        %swap3A_614 = vector.shape_cast %mul3A_603 : vector<16xf32> to vector<1x1x16xf32>
        tpu.vector_store %arg23[%swap3A_609, %swap3A_610, %swap3A_611], %swap3A_614 {strides = array<i32>} : memref<2x512x16xf32, #tpu.memory_space<vmem>>, vector<1x1x16xf32>,
        %slice3A_615 = vector.extract_strided_slice %get3A_78 {offsets = [12], sizes = [1], strides = [1]} : vector<16xf32> to vector<1xf32>
        %squeeze3A_616 = vector.extract %slice3A_615[0] : f32 from vector<1xf32>
        %add3A_617 = arith.constant 12 : i32
        %add3A_618 = arith.addi %add3A_76, %add3A_617 : i32
        %get3A_619 = arith.index_cast %add3A_618 : i32 to index
        %get3A_620 = arith.constant 0 : index
        %get3A_621 = tpu.vector_load %arg20[%get3A_619, %get3A_620] {strides = array<i32>} : memref<1024x16xf32, #tpu.memory_space<vmem>>, vector<1x16xf32>,
        %get3A_622 = vector.shape_cast %get3A_621 : vector<1x16xf32> to vector<16xf32>
        %add3A_623 = arith.constant 12 : i32
        %add3A_624 = arith.addi %add3A_76, %add3A_623 : i32
        %get3A_625 = arith.index_cast %add3A_624 : i32 to index
        %get3A_626 = arith.constant 0 : index
        %get3A_627 = tpu.vector_load %arg21[%get3A_625, %get3A_626] {strides = array<i32>} : memref<1024x16xf32, #tpu.memory_space<vmem>>, vector<1x16xf32>,
        %get3A_628 = vector.shape_cast %get3A_627 : vector<1x16xf32> to vector<16xf32>
        %mul3A_629 = vector.broadcast %squeeze3A_616 : f32 to vector<16xf32>
        %mul3A_630 = arith.mulf %get3A_622, %mul3A_629 : vector<16xf32>
        %mul3A_631 = arith.constant 16 : i32
        %mul3A_632 = arith.muli %scan3A_72, %mul3A_631 : i32
        %add3A_633 = arith.constant 12 : i32
        %add3A_634 = arith.addi %mul3A_632, %add3A_633 : i32
        %swap3A_635 = arith.constant 1 : i32
        %swap3A_636 = arith.index_cast %swap3A_635 : i32 to index
        %swap3A_637 = arith.index_cast %add3A_634 : i32 to index
        %swap3A_638 = arith.constant 0 : index
        %swap3A_639 = tpu.vector_load %arg22[%swap3A_636, %swap3A_637, %swap3A_638] {strides = array<i32>} : memref<2x512x16xf32, #tpu.memory_space<vmem>>, vector<1x1x16xf32>,
        %swap3A_640 = vector.shape_cast %swap3A_639 : vector<1x1x16xf32> to vector<16xf32>
        %swap3A_641 = vector.shape_cast %mul3A_630 : vector<16xf32> to vector<1x1x16xf32>
        tpu.vector_store %arg22[%swap3A_636, %swap3A_637, %swap3A_638], %swap3A_641 {strides = array<i32>} : memref<2x512x16xf32, #tpu.memory_space<vmem>>, vector<1x1x16xf32>,
        %mul3A_642 = arith.mulf %get3A_622, %get3A_622 : vector<16xf32>
        %sub3A_643 = arith.constant 1.000000e+00 : f32
        %sub3A_644 = vector.broadcast %sub3A_643 : f32 to vector<16xf32>
        %sub3A_645 = arith.subf %sub3A_644, %mul3A_642 : vector<16xf32>
        %mul3A_646 = vector.broadcast %squeeze3A_616 : f32 to vector<16xf32>
        %mul3A_647 = arith.mulf %get3A_628, %mul3A_646 : vector<16xf32>
        %mul3A_648 = arith.mulf %sub3A_645, %mul3A_647 : vector<16xf32>
        %mul3A_649 = arith.constant 16 : i32
        %mul3A_650 = arith.muli %scan3A_72, %mul3A_649 : i32
        %add3A_651 = arith.constant 12 : i32
        %add3A_652 = arith.addi %mul3A_650, %add3A_651 : i32
        %swap3A_653 = arith.constant 1 : i32
        %swap3A_654 = arith.index_cast %swap3A_653 : i32 to index
        %swap3A_655 = arith.index_cast %add3A_652 : i32 to index
        %swap3A_656 = arith.constant 0 : index
        %swap3A_657 = tpu.vector_load %arg23[%swap3A_654, %swap3A_655, %swap3A_656] {strides = array<i32>} : memref<2x512x16xf32, #tpu.memory_space<vmem>>, vector<1x1x16xf32>,
        %swap3A_658 = vector.shape_cast %swap3A_657 : vector<1x1x16xf32> to vector<16xf32>
        %swap3A_659 = vector.shape_cast %mul3A_648 : vector<16xf32> to vector<1x1x16xf32>
        tpu.vector_store %arg23[%swap3A_654, %swap3A_655, %swap3A_656], %swap3A_659 {strides = array<i32>} : memref<2x512x16xf32, #tpu.memory_space<vmem>>, vector<1x1x16xf32>,
        %slice3A_660 = vector.extract_strided_slice %get3A_78 {offsets = [13], sizes = [1], strides = [1]} : vector<16xf32> to vector<1xf32>
        %squeeze3A_661 = vector.extract %slice3A_660[0] : f32 from vector<1xf32>
        %add3A_662 = arith.constant 13 : i32
        %add3A_663 = arith.addi %add3A_76, %add3A_662 : i32
        %get3A_664 = arith.index_cast %add3A_663 : i32 to index
        %get3A_665 = arith.constant 0 : index
        %get3A_666 = tpu.vector_load %arg20[%get3A_664, %get3A_665] {strides = array<i32>} : memref<1024x16xf32, #tpu.memory_space<vmem>>, vector<1x16xf32>,
        %get3A_667 = vector.shape_cast %get3A_666 : vector<1x16xf32> to vector<16xf32>
        %add3A_668 = arith.constant 13 : i32
        %add3A_669 = arith.addi %add3A_76, %add3A_668 : i32
        %get3A_670 = arith.index_cast %add3A_669 : i32 to index
        %get3A_671 = arith.constant 0 : index
        %get3A_672 = tpu.vector_load %arg21[%get3A_670, %get3A_671] {strides = array<i32>} : memref<1024x16xf32, #tpu.memory_space<vmem>>, vector<1x16xf32>,
        %get3A_673 = vector.shape_cast %get3A_672 : vector<1x16xf32> to vector<16xf32>
        %mul3A_674 = vector.broadcast %squeeze3A_661 : f32 to vector<16xf32>
        %mul3A_675 = arith.mulf %get3A_667, %mul3A_674 : vector<16xf32>
        %mul3A_676 = arith.constant 16 : i32
        %mul3A_677 = arith.muli %scan3A_72, %mul3A_676 : i32
        %add3A_678 = arith.constant 13 : i32
        %add3A_679 = arith.addi %mul3A_677, %add3A_678 : i32
        %swap3A_680 = arith.constant 1 : i32
        %swap3A_681 = arith.index_cast %swap3A_680 : i32 to index
        %swap3A_682 = arith.index_cast %add3A_679 : i32 to index
        %swap3A_683 = arith.constant 0 : index
        %swap3A_684 = tpu.vector_load %arg22[%swap3A_681, %swap3A_682, %swap3A_683] {strides = array<i32>} : memref<2x512x16xf32, #tpu.memory_space<vmem>>, vector<1x1x16xf32>,
        %swap3A_685 = vector.shape_cast %swap3A_684 : vector<1x1x16xf32> to vector<16xf32>
        %swap3A_686 = vector.shape_cast %mul3A_675 : vector<16xf32> to vector<1x1x16xf32>
        tpu.vector_store %arg22[%swap3A_681, %swap3A_682, %swap3A_683], %swap3A_686 {strides = array<i32>} : memref<2x512x16xf32, #tpu.memory_space<vmem>>, vector<1x1x16xf32>,
        %mul3A_687 = arith.mulf %get3A_667, %get3A_667 : vector<16xf32>
        %sub3A_688 = arith.constant 1.000000e+00 : f32
        %sub3A_689 = vector.broadcast %sub3A_688 : f32 to vector<16xf32>
        %sub3A_690 = arith.subf %sub3A_689, %mul3A_687 : vector<16xf32>
        %mul3A_691 = vector.broadcast %squeeze3A_661 : f32 to vector<16xf32>
        %mul3A_692 = arith.mulf %get3A_673, %mul3A_691 : vector<16xf32>
        %mul3A_693 = arith.mulf %sub3A_690, %mul3A_692 : vector<16xf32>
        %mul3A_694 = arith.constant 16 : i32
        %mul3A_695 = arith.muli %scan3A_72, %mul3A_694 : i32
        %add3A_696 = arith.constant 13 : i32
        %add3A_697 = arith.addi %mul3A_695, %add3A_696 : i32
        %swap3A_698 = arith.constant 1 : i32
        %swap3A_699 = arith.index_cast %swap3A_698 : i32 to index
        %swap3A_700 = arith.index_cast %add3A_697 : i32 to index
        %swap3A_701 = arith.constant 0 : index
        %swap3A_702 = tpu.vector_load %arg23[%swap3A_699, %swap3A_700, %swap3A_701] {strides = array<i32>} : memref<2x512x16xf32, #tpu.memory_space<vmem>>, vector<1x1x16xf32>,
        %swap3A_703 = vector.shape_cast %swap3A_702 : vector<1x1x16xf32> to vector<16xf32>
        %swap3A_704 = vector.shape_cast %mul3A_693 : vector<16xf32> to vector<1x1x16xf32>
        tpu.vector_store %arg23[%swap3A_699, %swap3A_700, %swap3A_701], %swap3A_704 {strides = array<i32>} : memref<2x512x16xf32, #tpu.memory_space<vmem>>, vector<1x1x16xf32>,
        %slice3A_705 = vector.extract_strided_slice %get3A_78 {offsets = [14], sizes = [1], strides = [1]} : vector<16xf32> to vector<1xf32>
        %squeeze3A_706 = vector.extract %slice3A_705[0] : f32 from vector<1xf32>
        %add3A_707 = arith.constant 14 : i32
        %add3A_708 = arith.addi %add3A_76, %add3A_707 : i32
        %get3A_709 = arith.index_cast %add3A_708 : i32 to index
        %get3A_710 = arith.constant 0 : index
        %get3A_711 = tpu.vector_load %arg20[%get3A_709, %get3A_710] {strides = array<i32>} : memref<1024x16xf32, #tpu.memory_space<vmem>>, vector<1x16xf32>,
        %get3A_712 = vector.shape_cast %get3A_711 : vector<1x16xf32> to vector<16xf32>
        %add3A_713 = arith.constant 14 : i32
        %add3A_714 = arith.addi %add3A_76, %add3A_713 : i32
        %get3A_715 = arith.index_cast %add3A_714 : i32 to index
        %get3A_716 = arith.constant 0 : index
        %get3A_717 = tpu.vector_load %arg21[%get3A_715, %get3A_716] {strides = array<i32>} : memref<1024x16xf32, #tpu.memory_space<vmem>>, vector<1x16xf32>,
        %get3A_718 = vector.shape_cast %get3A_717 : vector<1x16xf32> to vector<16xf32>
        %mul3A_719 = vector.broadcast %squeeze3A_706 : f32 to vector<16xf32>
        %mul3A_720 = arith.mulf %get3A_712, %mul3A_719 : vector<16xf32>
        %mul3A_721 = arith.constant 16 : i32
        %mul3A_722 = arith.muli %scan3A_72, %mul3A_721 : i32
        %add3A_723 = arith.constant 14 : i32
        %add3A_724 = arith.addi %mul3A_722, %add3A_723 : i32
        %swap3A_725 = arith.constant 1 : i32
        %swap3A_726 = arith.index_cast %swap3A_725 : i32 to index
        %swap3A_727 = arith.index_cast %add3A_724 : i32 to index
        %swap3A_728 = arith.constant 0 : index
        %swap3A_729 = tpu.vector_load %arg22[%swap3A_726, %swap3A_727, %swap3A_728] {strides = array<i32>} : memref<2x512x16xf32, #tpu.memory_space<vmem>>, vector<1x1x16xf32>,
        %swap3A_730 = vector.shape_cast %swap3A_729 : vector<1x1x16xf32> to vector<16xf32>
        %swap3A_731 = vector.shape_cast %mul3A_720 : vector<16xf32> to vector<1x1x16xf32>
        tpu.vector_store %arg22[%swap3A_726, %swap3A_727, %swap3A_728], %swap3A_731 {strides = array<i32>} : memref<2x512x16xf32, #tpu.memory_space<vmem>>, vector<1x1x16xf32>,
        %mul3A_732 = arith.mulf %get3A_712, %get3A_712 : vector<16xf32>
        %sub3A_733 = arith.constant 1.000000e+00 : f32
        %sub3A_734 = vector.broadcast %sub3A_733 : f32 to vector<16xf32>
        %sub3A_735 = arith.subf %sub3A_734, %mul3A_732 : vector<16xf32>
        %mul3A_736 = vector.broadcast %squeeze3A_706 : f32 to vector<16xf32>
        %mul3A_737 = arith.mulf %get3A_718, %mul3A_736 : vector<16xf32>
        %mul3A_738 = arith.mulf %sub3A_735, %mul3A_737 : vector<16xf32>
        %mul3A_739 = arith.constant 16 : i32
        %mul3A_740 = arith.muli %scan3A_72, %mul3A_739 : i32
        %add3A_741 = arith.constant 14 : i32
        %add3A_742 = arith.addi %mul3A_740, %add3A_741 : i32
        %swap3A_743 = arith.constant 1 : i32
        %swap3A_744 = arith.index_cast %swap3A_743 : i32 to index
        %swap3A_745 = arith.index_cast %add3A_742 : i32 to index
        %swap3A_746 = arith.constant 0 : index
        %swap3A_747 = tpu.vector_load %arg23[%swap3A_744, %swap3A_745, %swap3A_746] {strides = array<i32>} : memref<2x512x16xf32, #tpu.memory_space<vmem>>, vector<1x1x16xf32>,
        %swap3A_748 = vector.shape_cast %swap3A_747 : vector<1x1x16xf32> to vector<16xf32>
        %swap3A_749 = vector.shape_cast %mul3A_738 : vector<16xf32> to vector<1x1x16xf32>
        tpu.vector_store %arg23[%swap3A_744, %swap3A_745, %swap3A_746], %swap3A_749 {strides = array<i32>} : memref<2x512x16xf32, #tpu.memory_space<vmem>>, vector<1x1x16xf32>,
        %slice3A_750 = vector.extract_strided_slice %get3A_78 {offsets = [15], sizes = [1], strides = [1]} : vector<16xf32> to vector<1xf32>
        %squeeze3A_751 = vector.extract %slice3A_750[0] : f32 from vector<1xf32>
        %add3A_752 = arith.constant 15 : i32
        %add3A_753 = arith.addi %add3A_76, %add3A_752 : i32
        %get3A_754 = arith.index_cast %add3A_753 : i32 to index
        %get3A_755 = arith.constant 0 : index
        %get3A_756 = tpu.vector_load %arg20[%get3A_754, %get3A_755] {strides = array<i32>} : memref<1024x16xf32, #tpu.memory_space<vmem>>, vector<1x16xf32>,
        %get3A_757 = vector.shape_cast %get3A_756 : vector<1x16xf32> to vector<16xf32>
        %add3A_758 = arith.constant 15 : i32
        %add3A_759 = arith.addi %add3A_76, %add3A_758 : i32
        %get3A_760 = arith.index_cast %add3A_759 : i32 to index
        %get3A_761 = arith.constant 0 : index
        %get3A_762 = tpu.vector_load %arg21[%get3A_760, %get3A_761] {strides = array<i32>} : memref<1024x16xf32, #tpu.memory_space<vmem>>, vector<1x16xf32>,
        %get3A_763 = vector.shape_cast %get3A_762 : vector<1x16xf32> to vector<16xf32>
        %mul3A_764 = vector.broadcast %squeeze3A_751 : f32 to vector<16xf32>
        %mul3A_765 = arith.mulf %get3A_757, %mul3A_764 : vector<16xf32>
        %mul3A_766 = arith.constant 16 : i32
        %mul3A_767 = arith.muli %scan3A_72, %mul3A_766 : i32
        %add3A_768 = arith.constant 15 : i32
        %add3A_769 = arith.addi %mul3A_767, %add3A_768 : i32
        %swap3A_770 = arith.constant 1 : i32
        %swap3A_771 = arith.index_cast %swap3A_770 : i32 to index
        %swap3A_772 = arith.index_cast %add3A_769 : i32 to index
        %swap3A_773 = arith.constant 0 : index
        %swap3A_774 = tpu.vector_load %arg22[%swap3A_771, %swap3A_772, %swap3A_773] {strides = array<i32>} : memref<2x512x16xf32, #tpu.memory_space<vmem>>, vector<1x1x16xf32>,
        %swap3A_775 = vector.shape_cast %swap3A_774 : vector<1x1x16xf32> to vector<16xf32>
        %swap3A_776 = vector.shape_cast %mul3A_765 : vector<16xf32> to vector<1x1x16xf32>
        tpu.vector_store %arg22[%swap3A_771, %swap3A_772, %swap3A_773], %swap3A_776 {strides = array<i32>} : memref<2x512x16xf32, #tpu.memory_space<vmem>>, vector<1x1x16xf32>,
        %mul3A_777 = arith.mulf %get3A_757, %get3A_757 : vector<16xf32>
        %sub3A_778 = arith.constant 1.000000e+00 : f32
        %sub3A_779 = vector.broadcast %sub3A_778 : f32 to vector<16xf32>
        %sub3A_780 = arith.subf %sub3A_779, %mul3A_777 : vector<16xf32>
        %mul3A_781 = vector.broadcast %squeeze3A_751 : f32 to vector<16xf32>
        %mul3A_782 = arith.mulf %get3A_763, %mul3A_781 : vector<16xf32>
        %mul3A_783 = arith.mulf %sub3A_780, %mul3A_782 : vector<16xf32>
        %mul3A_784 = arith.constant 16 : i32
        %mul3A_785 = arith.muli %scan3A_72, %mul3A_784 : i32
        %add3A_786 = arith.constant 15 : i32
        %add3A_787 = arith.addi %mul3A_785, %add3A_786 : i32
        %swap3A_788 = arith.constant 1 : i32
        %swap3A_789 = arith.index_cast %swap3A_788 : i32 to index
        %swap3A_790 = arith.index_cast %add3A_787 : i32 to index
        %swap3A_791 = arith.constant 0 : index
        %swap3A_792 = tpu.vector_load %arg23[%swap3A_789, %swap3A_790, %swap3A_791] {strides = array<i32>} : memref<2x512x16xf32, #tpu.memory_space<vmem>>, vector<1x1x16xf32>,
        %swap3A_793 = vector.shape_cast %swap3A_792 : vector<1x1x16xf32> to vector<16xf32>
        %swap3A_794 = vector.shape_cast %mul3A_783 : vector<16xf32> to vector<1x1x16xf32>
        tpu.vector_store %arg23[%swap3A_789, %swap3A_790, %swap3A_791], %swap3A_794 {strides = array<i32>} : memref<2x512x16xf32, #tpu.memory_space<vmem>>, vector<1x1x16xf32>,
      }
      %scan3A_67 = arith.constant 32 : i32
      %run_scoped3A_68 = arith.constant 1 : i32
      %run_scoped3A_69 = arith.constant 1 : i32
      "tpu.region"() ({
        %run_scoped3A_72 = tpu.sem_alloc : memref<!tpu.dma_semaphore, #tpu.memory_space<semaphore_mem>>
        %dma_start3A_73 = arith.constant 0 : i32
        %dma_start3A_74 = arith.constant 0 : i32
        %dma_start3A_75 = tpu.memref_slice %arg22[%run_scoped3A_68, %dma_start3A_73, %dma_start3A_74] : memref<2x512x16xf32, #tpu.memory_space<vmem>> -> memref<1x512x16xf32, #tpu.memory_space<vmem>>
        %dma_start3A_76 = tpu.memref_squeeze %dma_start3A_75 : memref<1x512x16xf32, #tpu.memory_space<vmem>> -> memref<512x16xf32, #tpu.memory_space<vmem>>
        %dma_start3A_77 = arith.constant 0 : i32
        %dma_start3A_78 = tpu.memref_slice %arg18[%run_scoped3A_69, %dma_start3A_77] : memref<2x512xi32, #tpu.memory_space<vmem>> -> memref<1x512xi32, #tpu.memory_space<vmem>>
        %dma_start3A_79 = tpu.memref_squeeze %dma_start3A_78 : memref<1x512xi32, #tpu.memory_space<vmem>> -> memref<512xi32, #tpu.memory_space<vmem>>
        %dma_start3A_80 = arith.constant 0 : i32
        %dma_start3A_81 = arith.constant 0 : i32
        %dma_start3A_82 = tpu.memref_slice %arg11[%dma_start3A_80, %dma_start3A_81] : memref<10112x16xf32, #tpu.memory_space<vmem_shared>> -> memref<10112x16xf32, #tpu.memory_space<vmem_shared>>
        tpu.enqueue_indirect_dma source(%dma_start3A_76 : memref<512x16xf32, #tpu.memory_space<vmem>>) target(%dma_start3A_82 : memref<10112x16xf32, #tpu.memory_space<vmem_shared>>) offsets(%dma_start3A_79 : memref<512xi32, #tpu.memory_space<vmem>>) semaphore(%run_scoped3A_72 : memref<!tpu.dma_semaphore, #tpu.memory_space<semaphore_mem>>) {add = true}
        %dma_wait3A_83 = arith.constant 0 : i32
        %dma_wait3A_84 = arith.constant 0 : i32
        %dma_wait3A_85 = tpu.memref_slice %arg22[%run_scoped3A_68, %dma_wait3A_83, %dma_wait3A_84] : memref<2x512x16xf32, #tpu.memory_space<vmem>> -> memref<1x512x16xf32, #tpu.memory_space<vmem>>
        %dma_wait3A_86 = tpu.memref_squeeze %dma_wait3A_85 : memref<1x512x16xf32, #tpu.memory_space<vmem>> -> memref<512x16xf32, #tpu.memory_space<vmem>>
        %dma_wait3A_87 = arith.constant 0 : i32
        %dma_wait3A_88 = tpu.memref_slice %arg18[%run_scoped3A_69, %dma_wait3A_87] : memref<2x512xi32, #tpu.memory_space<vmem>> -> memref<1x512xi32, #tpu.memory_space<vmem>>
        %dma_wait3A_89 = tpu.memref_squeeze %dma_wait3A_88 : memref<1x512xi32, #tpu.memory_space<vmem>> -> memref<512xi32, #tpu.memory_space<vmem>>
        %dma_wait3A_90 = arith.constant 0 : i32
        %dma_wait3A_91 = arith.constant 0 : i32
        %dma_wait3A_92 = tpu.memref_slice %arg11[%dma_wait3A_90, %dma_wait3A_91] : memref<10112x16xf32, #tpu.memory_space<vmem_shared>> -> memref<10112x16xf32, #tpu.memory_space<vmem_shared>>
        tpu.wait_indirect_dma semaphore(%run_scoped3A_72 : memref<!tpu.dma_semaphore, #tpu.memory_space<semaphore_mem>>) src(%dma_wait3A_86 : memref<512x16xf32, #tpu.memory_space<vmem>>) dst(%dma_wait3A_92 : memref<10112x16xf32, #tpu.memory_space<vmem_shared>>)
        tpu.yield
      }) : () -> ()
      %run_scoped3A_70 = arith.constant 1 : i32
      %run_scoped3A_71 = arith.constant 1 : i32
      "tpu.region"() ({
        %run_scoped3A_72 = tpu.sem_alloc : memref<!tpu.dma_semaphore, #tpu.memory_space<semaphore_mem>>
        %dma_start3A_73 = arith.constant 0 : i32
        %dma_start3A_74 = arith.constant 0 : i32
        %dma_start3A_75 = tpu.memref_slice %arg23[%run_scoped3A_70, %dma_start3A_73, %dma_start3A_74] : memref<2x512x16xf32, #tpu.memory_space<vmem>> -> memref<1x512x16xf32, #tpu.memory_space<vmem>>
        %dma_start3A_76 = tpu.memref_squeeze %dma_start3A_75 : memref<1x512x16xf32, #tpu.memory_space<vmem>> -> memref<512x16xf32, #tpu.memory_space<vmem>>
        %dma_start3A_77 = arith.constant 0 : i32
        %dma_start3A_78 = tpu.memref_slice %arg19[%run_scoped3A_71, %dma_start3A_77] : memref<2x512xi32, #tpu.memory_space<vmem>> -> memref<1x512xi32, #tpu.memory_space<vmem>>
        %dma_start3A_79 = tpu.memref_squeeze %dma_start3A_78 : memref<1x512xi32, #tpu.memory_space<vmem>> -> memref<512xi32, #tpu.memory_space<vmem>>
        %dma_start3A_80 = arith.constant 0 : i32
        %dma_start3A_81 = arith.constant 0 : i32
        %dma_start3A_82 = tpu.memref_slice %arg12[%dma_start3A_80, %dma_start3A_81] : memref<10112x16xf32, #tpu.memory_space<vmem_shared>> -> memref<10112x16xf32, #tpu.memory_space<vmem_shared>>
        tpu.enqueue_indirect_dma source(%dma_start3A_76 : memref<512x16xf32, #tpu.memory_space<vmem>>) target(%dma_start3A_82 : memref<10112x16xf32, #tpu.memory_space<vmem_shared>>) offsets(%dma_start3A_79 : memref<512xi32, #tpu.memory_space<vmem>>) semaphore(%run_scoped3A_72 : memref<!tpu.dma_semaphore, #tpu.memory_space<semaphore_mem>>) {add = true}
        %dma_wait3A_83 = arith.constant 0 : i32
        %dma_wait3A_84 = arith.constant 0 : i32
        %dma_wait3A_85 = tpu.memref_slice %arg23[%run_scoped3A_70, %dma_wait3A_83, %dma_wait3A_84] : memref<2x512x16xf32, #tpu.memory_space<vmem>> -> memref<1x512x16xf32, #tpu.memory_space<vmem>>
        %dma_wait3A_86 = tpu.memref_squeeze %dma_wait3A_85 : memref<1x512x16xf32, #tpu.memory_space<vmem>> -> memref<512x16xf32, #tpu.memory_space<vmem>>
        %dma_wait3A_87 = arith.constant 0 : i32
        %dma_wait3A_88 = tpu.memref_slice %arg19[%run_scoped3A_71, %dma_wait3A_87] : memref<2x512xi32, #tpu.memory_space<vmem>> -> memref<1x512xi32, #tpu.memory_space<vmem>>
        %dma_wait3A_89 = tpu.memref_squeeze %dma_wait3A_88 : memref<1x512xi32, #tpu.memory_space<vmem>> -> memref<512xi32, #tpu.memory_space<vmem>>
        %dma_wait3A_90 = arith.constant 0 : i32
        %dma_wait3A_91 = arith.constant 0 : i32
        %dma_wait3A_92 = tpu.memref_slice %arg12[%dma_wait3A_90, %dma_wait3A_91] : memref<10112x16xf32, #tpu.memory_space<vmem_shared>> -> memref<10112x16xf32, #tpu.memory_space<vmem_shared>>
        tpu.wait_indirect_dma semaphore(%run_scoped3A_72 : memref<!tpu.dma_semaphore, #tpu.memory_space<semaphore_mem>>) src(%dma_wait3A_86 : memref<512x16xf32, #tpu.memory_space<vmem>>) dst(%dma_wait3A_92 : memref<10112x16xf32, #tpu.memory_space<vmem_shared>>)
        tpu.yield
      }) : () -> ()
    }
    %scan3A_21 = arith.constant 5 : i32
    %barrier3A_22 = arith.constant 0 : index
    tpu.barrier barrier_id(%barrier3A_22)
    "tpu.region"() ({
      %run_scoped3A = tpu.sem_alloc : memref<!tpu.dma_semaphore, #tpu.memory_space<semaphore_mem>>
      %dma_start3A = arith.constant 0 : i32
      %dma_start3A_23 = tpu.memref_slice %arg11[%mul3A_2, %dma_start3A] : memref<10112x16xf32, #tpu.memory_space<vmem_shared>> -> memref<632x16xf32, #tpu.memory_space<vmem_shared>>
      %dma_start3A_24 = arith.constant 0 : i32
      %dma_start3A_25 = tpu.memref_slice %arg11[%mul3A_2, %dma_start3A_24] : memref<10112x16xf32, #tpu.memory_space<vmem_shared>> -> memref<632x16xf32, #tpu.memory_space<vmem_shared>>
      tpu.enqueue_dma source(%dma_start3A_25 : memref<632x16xf32, #tpu.memory_space<vmem_shared>>) target(%arg13 : memref<632x16xf32, #tpu.memory_space<vmem>>) target_semaphore(%run_scoped3A : memref<!tpu.dma_semaphore, #tpu.memory_space<semaphore_mem>>)
      %dma_wait3A = arith.constant 0 : i32
      %dma_wait3A_26 = tpu.memref_slice %arg11[%mul3A_2, %dma_wait3A] : memref<10112x16xf32, #tpu.memory_space<vmem_shared>> -> memref<632x16xf32, #tpu.memory_space<vmem_shared>>
      %dma_wait3A_27 = arith.constant 0 : i32
      %dma_wait3A_28 = tpu.memref_slice %arg11[%mul3A_2, %dma_wait3A_27] : memref<10112x16xf32, #tpu.memory_space<vmem_shared>> -> memref<632x16xf32, #tpu.memory_space<vmem_shared>>
      tpu.wait_dma2 semaphore(%run_scoped3A : memref<!tpu.dma_semaphore, #tpu.memory_space<semaphore_mem>>) src(%dma_wait3A_28 : memref<632x16xf32, #tpu.memory_space<vmem_shared>>) dst(%arg13 : memref<632x16xf32, #tpu.memory_space<vmem>>)
      tpu.yield
    }) : () -> ()
    "tpu.region"() ({
      %run_scoped3A = tpu.sem_alloc : memref<!tpu.dma_semaphore, #tpu.memory_space<semaphore_mem>>
      %dma_start3A = arith.constant 0 : i32
      %dma_start3A_23 = tpu.memref_slice %arg7[%arg0, %mul3A_2, %dma_start3A] : memref<2x10112x16xf32, #tpu.memory_space<hbm>> -> memref<1x632x16xf32, #tpu.memory_space<hbm>>
      %dma_start3A_24 = tpu.memref_squeeze %dma_start3A_23 : memref<1x632x16xf32, #tpu.memory_space<hbm>> -> memref<632x16xf32, #tpu.memory_space<hbm>>
      %dma_start3A_25 = arith.constant 0 : i32
      %dma_start3A_26 = tpu.memref_slice %arg7[%arg0, %mul3A_2, %dma_start3A_25] : memref<2x10112x16xf32, #tpu.memory_space<hbm>> -> memref<1x632x16xf32, #tpu.memory_space<hbm>>
      %dma_start3A_27 = tpu.memref_squeeze %dma_start3A_26 : memref<1x632x16xf32, #tpu.memory_space<hbm>> -> memref<632x16xf32, #tpu.memory_space<hbm>>
      tpu.enqueue_dma source(%arg13 : memref<632x16xf32, #tpu.memory_space<vmem>>) target(%dma_start3A_27 : memref<632x16xf32, #tpu.memory_space<hbm>>) target_semaphore(%run_scoped3A : memref<!tpu.dma_semaphore, #tpu.memory_space<semaphore_mem>>)
      %dma_wait3A = arith.constant 0 : i32
      %dma_wait3A_28 = tpu.memref_slice %arg7[%arg0, %mul3A_2, %dma_wait3A] : memref<2x10112x16xf32, #tpu.memory_space<hbm>> -> memref<1x632x16xf32, #tpu.memory_space<hbm>>
      %dma_wait3A_29 = tpu.memref_squeeze %dma_wait3A_28 : memref<1x632x16xf32, #tpu.memory_space<hbm>> -> memref<632x16xf32, #tpu.memory_space<hbm>>
      %dma_wait3A_30 = arith.constant 0 : i32
      %dma_wait3A_31 = tpu.memref_slice %arg7[%arg0, %mul3A_2, %dma_wait3A_30] : memref<2x10112x16xf32, #tpu.memory_space<hbm>> -> memref<1x632x16xf32, #tpu.memory_space<hbm>>
      %dma_wait3A_32 = tpu.memref_squeeze %dma_wait3A_31 : memref<1x632x16xf32, #tpu.memory_space<hbm>> -> memref<632x16xf32, #tpu.memory_space<hbm>>
      tpu.wait_dma2 semaphore(%run_scoped3A : memref<!tpu.dma_semaphore, #tpu.memory_space<semaphore_mem>>) src(%arg13 : memref<632x16xf32, #tpu.memory_space<vmem>>) dst(%dma_wait3A_32 : memref<632x16xf32, #tpu.memory_space<hbm>>)
      tpu.yield
    }) : () -> ()
    "tpu.region"() ({
      %run_scoped3A = tpu.sem_alloc : memref<!tpu.dma_semaphore, #tpu.memory_space<semaphore_mem>>
      %dma_start3A = arith.constant 0 : i32
      %dma_start3A_23 = tpu.memref_slice %arg12[%mul3A_2, %dma_start3A] : memref<10112x16xf32, #tpu.memory_space<vmem_shared>> -> memref<632x16xf32, #tpu.memory_space<vmem_shared>>
      %dma_start3A_24 = arith.constant 0 : i32
      %dma_start3A_25 = tpu.memref_slice %arg12[%mul3A_2, %dma_start3A_24] : memref<10112x16xf32, #tpu.memory_space<vmem_shared>> -> memref<632x16xf32, #tpu.memory_space<vmem_shared>>
      tpu.enqueue_dma source(%dma_start3A_25 : memref<632x16xf32, #tpu.memory_space<vmem_shared>>) target(%arg13 : memref<632x16xf32, #tpu.memory_space<vmem>>) target_semaphore(%run_scoped3A : memref<!tpu.dma_semaphore, #tpu.memory_space<semaphore_mem>>)
      %dma_wait3A = arith.constant 0 : i32
      %dma_wait3A_26 = tpu.memref_slice %arg12[%mul3A_2, %dma_wait3A] : memref<10112x16xf32, #tpu.memory_space<vmem_shared>> -> memref<632x16xf32, #tpu.memory_space<vmem_shared>>
      %dma_wait3A_27 = arith.constant 0 : i32
      %dma_wait3A_28 = tpu.memref_slice %arg12[%mul3A_2, %dma_wait3A_27] : memref<10112x16xf32, #tpu.memory_space<vmem_shared>> -> memref<632x16xf32, #tpu.memory_space<vmem_shared>>
      tpu.wait_dma2 semaphore(%run_scoped3A : memref<!tpu.dma_semaphore, #tpu.memory_space<semaphore_mem>>) src(%dma_wait3A_28 : memref<632x16xf32, #tpu.memory_space<vmem_shared>>) dst(%arg13 : memref<632x16xf32, #tpu.memory_space<vmem>>)
      tpu.yield
    }) : () -> ()
    "tpu.region"() ({
      %run_scoped3A = tpu.sem_alloc : memref<!tpu.dma_semaphore, #tpu.memory_space<semaphore_mem>>
      %dma_start3A = arith.constant 0 : i32
      %dma_start3A_23 = tpu.memref_slice %arg8[%arg0, %mul3A_2, %dma_start3A] : memref<2x10112x16xf32, #tpu.memory_space<hbm>> -> memref<1x632x16xf32, #tpu.memory_space<hbm>>
      %dma_start3A_24 = tpu.memref_squeeze %dma_start3A_23 : memref<1x632x16xf32, #tpu.memory_space<hbm>> -> memref<632x16xf32, #tpu.memory_space<hbm>>
      %dma_start3A_25 = arith.constant 0 : i32
      %dma_start3A_26 = tpu.memref_slice %arg8[%arg0, %mul3A_2, %dma_start3A_25] : memref<2x10112x16xf32, #tpu.memory_space<hbm>> -> memref<1x632x16xf32, #tpu.memory_space<hbm>>
      %dma_start3A_27 = tpu.memref_squeeze %dma_start3A_26 : memref<1x632x16xf32, #tpu.memory_space<hbm>> -> memref<632x16xf32, #tpu.memory_space<hbm>>
      tpu.enqueue_dma source(%arg13 : memref<632x16xf32, #tpu.memory_space<vmem>>) target(%dma_start3A_27 : memref<632x16xf32, #tpu.memory_space<hbm>>) target_semaphore(%run_scoped3A : memref<!tpu.dma_semaphore, #tpu.memory_space<semaphore_mem>>)
      %dma_wait3A = arith.constant 0 : i32
      %dma_wait3A_28 = tpu.memref_slice %arg8[%arg0, %mul3A_2, %dma_wait3A] : memref<2x10112x16xf32, #tpu.memory_space<hbm>> -> memref<1x632x16xf32, #tpu.memory_space<hbm>>
      %dma_wait3A_29 = tpu.memref_squeeze %dma_wait3A_28 : memref<1x632x16xf32, #tpu.memory_space<hbm>> -> memref<632x16xf32, #tpu.memory_space<hbm>>
      %dma_wait3A_30 = arith.constant 0 : i32
      %dma_wait3A_31 = tpu.memref_slice %arg8[%arg0, %mul3A_2, %dma_wait3A_30] : memref<2x10112x16xf32, #tpu.memory_space<hbm>> -> memref<1x632x16xf32, #tpu.memory_space<hbm>>
      %dma_wait3A_32 = tpu.memref_squeeze %dma_wait3A_31 : memref<1x632x16xf32, #tpu.memory_space<hbm>> -> memref<632x16xf32, #tpu.memory_space<hbm>>
      tpu.wait_dma2 semaphore(%run_scoped3A : memref<!tpu.dma_semaphore, #tpu.memory_space<semaphore_mem>>) src(%arg13 : memref<632x16xf32, #tpu.memory_space<vmem>>) dst(%dma_wait3A_32 : memref<632x16xf32, #tpu.memory_space<hbm>>)
      tpu.yield
    }) : () -> ()
    return
  }
}

module attributes {stable_mosaic.version = 14 : i64} {
  func.func @_combine_body(%arg0: memref<2x1264x128xf32, #tpu.memory_space<vmem>>, %arg1: memref<2x1264x128xf32, #tpu.memory_space<vmem>>, %arg2: memref<1264x128xf32, #tpu.memory_space<vmem>>, %arg3: memref<1264x128xf32, #tpu.memory_space<vmem>>, %arg4: memref<1264x128xf32, #tpu.memory_space<vmem>>) attributes {dimension_semantics = [], scalar_prefetch = 0 : i64, scratch_operands = 0 : i64, tpu.core_type = #tpu.core_type<tc>} {
    %get3A = arith.constant 0 : index
    %get3A_0 = arith.constant 0 : index
    %get3A_1 = arith.constant 0 : index
    %get3A_2 = vector.load %arg0[%get3A, %get3A_0, %get3A_1] : memref<2x1264x128xf32, #tpu.memory_space<vmem>>, vector<1x1264x128xf32>
    %get3A_3 = vector.shape_cast %get3A_2 : vector<1x1264x128xf32> to vector<1264x128xf32>
    %get3A_4 = arith.constant 1 : index
    %get3A_5 = arith.constant 0 : index
    %get3A_6 = arith.constant 0 : index
    %get3A_7 = vector.load %arg0[%get3A_4, %get3A_5, %get3A_6] : memref<2x1264x128xf32, #tpu.memory_space<vmem>>, vector<1x1264x128xf32>
    %get3A_8 = vector.shape_cast %get3A_7 : vector<1x1264x128xf32> to vector<1264x128xf32>
    %add3A = arith.addf %get3A_3, %get3A_8 : vector<1264x128xf32>
    %swap3A = arith.constant 0 : index
    %swap3A_9 = arith.constant 0 : index
    %swap3A_10 = vector.load %arg3[%swap3A, %swap3A_9] : memref<1264x128xf32, #tpu.memory_space<vmem>>, vector<1264x128xf32>
    tpu.vector_store %arg3[%swap3A, %swap3A_9], %add3A {strides = array<i32>} : memref<1264x128xf32, #tpu.memory_space<vmem>>, vector<1264x128xf32>,
    %get3A_11 = arith.constant 0 : index
    %get3A_12 = arith.constant 0 : index
    %get3A_13 = vector.load %arg2[%get3A_11, %get3A_12] : memref<1264x128xf32, #tpu.memory_space<vmem>>, vector<1264x128xf32>
    %get3A_14 = arith.constant 0 : index
    %get3A_15 = arith.constant 0 : index
    %get3A_16 = arith.constant 0 : index
    %get3A_17 = vector.load %arg1[%get3A_14, %get3A_15, %get3A_16] : memref<2x1264x128xf32, #tpu.memory_space<vmem>>, vector<1x1264x128xf32>
    %get3A_18 = vector.shape_cast %get3A_17 : vector<1x1264x128xf32> to vector<1264x128xf32>
    %get3A_19 = arith.constant 1 : index
    %get3A_20 = arith.constant 0 : index
    %get3A_21 = arith.constant 0 : index
    %get3A_22 = vector.load %arg1[%get3A_19, %get3A_20, %get3A_21] : memref<2x1264x128xf32, #tpu.memory_space<vmem>>, vector<1x1264x128xf32>
    %get3A_23 = vector.shape_cast %get3A_22 : vector<1x1264x128xf32> to vector<1264x128xf32>
    %add3A_24 = arith.addf %get3A_18, %get3A_23 : vector<1264x128xf32>
    %sub3A = arith.subf %get3A_13, %add3A_24 : vector<1264x128xf32>
    %swap3A_25 = arith.constant 0 : index
    %swap3A_26 = arith.constant 0 : index
    %swap3A_27 = vector.load %arg4[%swap3A_25, %swap3A_26] : memref<1264x128xf32, #tpu.memory_space<vmem>>, vector<1264x128xf32>
    tpu.vector_store %arg4[%swap3A_25, %swap3A_26], %sub3A {strides = array<i32>} : memref<1264x128xf32, #tpu.memory_space<vmem>>, vector<1264x128xf32>,
    return
  }
}

</mosaic_0001>

<sc_bundles>
// kernel: kernel.4.cloned.1.call-start
scs
__scs_entry_jumppad:
0x0: {  	(pc) =	sbr.rel $0x88, $3  }
0x1: {  	(tag) =	ssettag $0x0;
	lr =	simm.s32 $0x1  }
0x2: {  	[smem:$0x3F9D] =	sst lr;
	_ =	strace $0xD0000000  }
0x3: {  	_ = 	snop  }
0x4: {  	_ = 	snop  }
0x5: {  	_ = 	snop  }
0x6: {  	_ = 	snop  }
0x7: {  	_ = 	snop  }
__scs_overlays_trampoline_lowered:
0x8: {  	[smem:$0x3FAC] =	sst s0  }
0x9: {  	[smem:$0x3FAD] =	sst s1  }
0xa: {  	[smem:$0x3FAE] =	sst s2  }
0xb: {  	[smem:$0x3FAF] =	sst s3  }
0xc: {  	[smem:$0x3FB0] =	sst s4  }
0xd: {  	[smem:$0x3FB1] =	sst s5  }
0xe: {  	[smem:$0x3FB2] =	sst s6  }
0xf: {  	[smem:$0x3FB3] =	sst s7  }
0x10: {  	[smem:$0x3FB4] =	sst s8  }
0x11: {  	[smem:$0x3FB5] =	sst s9;
	s0 =	simm.s32 @!p0 $0x0  }
0x12: {  	s1 =	sld [smem:$0x3F9B];
	s0 =	simm.s32 @p0 $0x1  }
0x13: {  	[smem:$0x3FB6] =	sst s0;
	s0 =	simm.s32 @!p1 $0x0  }
0x14: {  	s2 =	sld [smem:$0x3F9A];
	s0 =	simm.s32 @p1 $0x1  }
0x15: {  	[smem:$0x3FB7] =	sst s0;
	s0 =	simm.s32 @!p2 $0x0  }
0x16: {  	s3 =	sld [smem:$0x3FDB];
	s0 =	simm.s32 @p2 $0x1  }
0x17: {  	s4 =	simm.s32 $0x1BF5;
	[smem:$0x3FB9] =	sst s0  }
0x18: {  	s0 =	sld [smem:$0x3F9C];
	_ =	swait.ge [sflag:s4], $0x0  }
0x19: {  	s7 =	sld [smem:$0x3F9D]  }
0x1a: {  	s8 =	sadd.s32 $0xFFFFE003, lr  }
0x1b: {  	s9 =	sadd.s32 $0xFFFFFEF7, lr;
	s5 =	simm.s32 $0xFFFFFFFF;
	p2 =	slt.u32 s8, $0xFFFFF086  }
0x1c: {  	p1 =	slt.u32 s9, $0xF7A;
	s5 =	simm.s32 @!p2 $0x0  }
0x1d: {  	s5 =	simm.s32 @p1 $0x1;
	p0 =	seq.s32 s7, s2  }
0x1e: {  	s7 =	smul.u32 @!p0 $0xF7A, s2;
	p2 =	seq.s32 @!p0 s5, $0x0  }
0x1f: {  	s9 =	smul.u32 $0xF7A, s1;
	s8 =	simm.s32 @!p0 $0x1BF5;
	p2 =	por !p2, p0  }
0x20: {  	[sflag:s8] =	ssyncset.s32 @!p0 $0xFFFFF086;
	s6 =	sadd.s32 @!p0 s3, s7;
	s7 =	simm.s32 @!p0 $0x108  }
0x21: {  	s3 =	sadd.s32 s3, s9;
	s6 =	sadd.s32 @!p0 $0x88, s6;
	s7 =	simm.s32 @p2 $0x1082  }
0x22: {  	[simem:s7], [sflag:s8] =	dma.local @!p0 [hbm:s6], $0xF7A  }
0x23: {  	s9 =	sor.u32 $0xD0000000, s2;
	s6 =	simm.s32 $0x108;
	_ =	swait.ge @!p0 [sflag:s8], $0x0  }
0x24: {  	s3 =	sadd.s32 $0x88, s3;
	s6 =	simm.s32 @!p1 $0x1082;
	[sflag:s4] =	ssyncset.s32 $0xFFFFF086  }
0x25: {  	[simem:s6], [sflag:s4] =	dma.local [hbm:s3], $0xF7A  }
0x26: {  	[smem:$0x3F9D] =	sst s1;
	(tag) =	ssettag s2;
	_ =	strace s9  }
0x27: {  	s1 =	sld [smem:$0x3FAD]  }
0x28: {  	s2 =	sld [smem:$0x3FAE]  }
0x29: {  	s4 =	sld [smem:$0x3FB0]  }
0x2a: {  	p0 =	seq.s32 s5, $0x0;
	s5 =	sld [smem:$0x3FB1]  }
0x2b: {  	s6 =	sld [smem:$0x3FB2]  }
0x2c: {  	s7 =	sld [smem:$0x3FB3]  }
0x2d: {  	s3 =	simm.s32 $0x108;
	s8 =	sld [smem:$0x3FB4]  }
0x2e: {  	s3 =	simm.s32 @!p0 $0x1082;
	s9 =	sld [smem:$0x3FB5]  }
0x2f: {  	lr =	sadd.s32 s0, s3;
	s0 =	sld [smem:$0x3FAC]  }
0x30: {  	s3 =	sld [smem:$0x3FAF]  }
0x31: {  	[smem:$0x3FB8] =	sst s10  }
0x32: {  	s10 =	sld [smem:$0x3FB6];
	_ =	sdelay $0x3  }
0x33: {  	p0 =	seq.s32 s10, $0x1;
	s10 =	sld [smem:$0x3FB8];
	_ =	sdelay $0x3  }
0x34: {  	[smem:$0x3FB8] =	sst s10  }
0x35: {  	s10 =	sld [smem:$0x3FB7];
	_ =	sdelay $0x3  }
0x36: {  	p1 =	seq.s32 s10, $0x1;
	s10 =	sld [smem:$0x3FB8];
	_ =	sdelay $0x3  }
0x37: {  	[smem:$0x3FB8] =	sst s10  }
0x38: {  	s10 =	sld [smem:$0x3FB9]  }
0x39: {  	_ = 	snop;
	(pc) =	sbr.ind lr, $3  }
0x3a: {  	_ = 	snop  }
0x3b: {  	_ = 	snop  }
0x3c: {  	p2 =	seq.s32 s10, $0x1;
	s10 =	sld [smem:$0x3FB8]  }
0x3d: {  	_ =	shalt  }
0x3e: {  	_ =	shalt  }
0x3f: {  	_ =	shalt  }
0x40: {  	_ =	shalt  }
0x41: {  	_ =	shalt  }
0x42: {  	_ =	shalt  }
0x43: {  	_ =	shalt  }
0x44: {  	_ =	shalt  }
0x45: {  	_ =	shalt  }
0x46: {  	_ =	shalt  }
0x47: {  	_ =	shalt  }
0x48: {  	_ =	shalt  }
0x49: {  	_ =	shalt  }
0x4a: {  	_ =	shalt  }
0x4b: {  	_ =	shalt  }
0x4c: {  	_ =	shalt  }
0x4d: {  	_ =	shalt  }
0x4e: {  	_ =	shalt  }
0x4f: {  	_ =	shalt  }
0x50: {  	_ =	shalt  }
0x51: {  	_ =	shalt  }
0x52: {  	_ =	shalt  }
0x53: {  	_ =	shalt  }
0x54: {  	_ =	shalt  }
0x55: {  	_ =	shalt  }
0x56: {  	_ =	shalt  }
0x57: {  	_ =	shalt  }
0x58: {  	_ =	shalt  }
0x59: {  	_ =	shalt  }
0x5a: {  	_ =	shalt  }
0x5b: {  	_ =	shalt  }
0x5c: {  	_ =	shalt  }
0x5d: {  	_ =	shalt  }
0x5e: {  	_ =	shalt  }
0x5f: {  	_ =	shalt  }
0x60: {  	_ =	shalt  }
0x61: {  	_ =	shalt  }
0x62: {  	_ =	shalt  }
0x63: {  	_ =	shalt  }
0x64: {  	_ =	shalt  }
0x65: {  	_ =	shalt  }
0x66: {  	_ =	shalt  }
0x67: {  	_ =	shalt  }
0x68: {  	_ =	shalt  }
0x69: {  	_ =	shalt  }
0x6a: {  	_ =	shalt  }
0x6b: {  	_ =	shalt  }
0x6c: {  	_ =	shalt  }
0x6d: {  	_ =	shalt  }
0x6e: {  	_ =	shalt  }
0x6f: {  	_ =	shalt  }
0x70: {  	_ =	shalt  }
0x71: {  	_ =	shalt  }
0x72: {  	_ =	shalt  }
0x73: {  	_ =	shalt  }
0x74: {  	_ =	shalt  }
0x75: {  	_ =	shalt  }
0x76: {  	_ =	shalt  }
0x77: {  	_ =	shalt  }
0x78: {  	_ =	shalt  }
0x79: {  	_ =	shalt  }
0x7a: {  	_ =	shalt  }
0x7b: {  	_ =	shalt  }
0x7c: {  	_ =	shalt  }
0x7d: {  	_ =	shalt  }
0x7e: {  	_ =	shalt  }
0x7f: {  	_ =	shalt  }
0x80: {  	_ =	shalt  }
0x81: {  	_ =	shalt  }
0x82: {  	_ =	shalt  }
0x83: {  	_ =	shalt  }
0x84: {  	_ =	shalt  }
0x85: {  	_ =	shalt  }
0x86: {  	_ =	shalt  }
0x87: {  	_ =	shalt  }
.Lfunc_end0:
.L_simem_size_0:
called_computation_lowered:
.L_overlay_start_0:
0x88: {  	s2 =	sld [smem:$0x3FD9]  }
0x89: {  	s3 =	sld [smem:$0x3FFE];
	_ =	sdelay $0x1  }
0x8a: {  	s1 =	srdreg.scid  }
0x8b: {  	s0 =	sand.u32 $0x1, s1  }
0x8c: {  	s16 =	sshll.u32 s0, $0xA;
	s2 =	sadd.s32 s3, s2  }
0x8d: {  	s2 =	sadd.s32 s2, s16  }
0x8e: {  	[smem:$0x3FC4] =	sst s2  }
0x8f: {  	_ = 	snop  }
0x90: {  	(tm) =	ssettm $0x1  }
0x91: {  	s17 =	sld [smem:$0x3FFB];
	_ =	sdelay $0x3  }
0x92: {  	_ =	strace s17  }
0x93: {  	s2 =	sld [smem:$0x3FFC];
	_ =	sdelay $0x3  }
0x94: {  	_ =	strace s2  }
0x95: {  	s2 =	sld [smem:$0x3FFD];
	_ =	sdelay $0x3  }
0x96: {  	_ =	strace s2  }
0x97: {  	_ =	strace $0x8FFFFFFF  }
0x98: {  	s18 =	sld [smem:$0x3FDB];
	_ =	sdelay $0x1  }
0x99: {  	s19 =	simm.s32 $_scs_section_size  }
0x9a: {  	s4 =	simm.s32 $_size__tile_overlayer_lowered;
	s5 =	simm.s32 $_tile_overlayer_lowered  }
0x9b: {  	s22 =	simm.s32 $0x1BFF;
	s21 =	sshll.u32 s5, $0x1;
	s2 =	sadd.s32 s19, s18  }
0x9c: {  	s6 =	simm.s32 $0x0;
	s20 =	sshll.u32 s4, $0x1;
	s4 =	sadd.s32 s21, s2  }
0x9d: {  	[timem:s6], [sflag:s22] =	dma.local [hbm:s4], s20  }
0x9e: {  	_ =	swait.ge [sflag:s22], s20  }
0x9f: {  	s3 =	ssub.s32 $0x0, s20;
	[sflag:s22] =	ssyncset.done $0x0  }
0xa0: {  	[sflag:s22] =	ssyncadd.s32 s3;
	_ =	sdelay $0x1  }
0xa1: {  	s23 =	simm.s32 $0x1B8B  }
0xa2: {  	_ =	swait.ge [sflag:s23], $0x1  }
0xa3: {  	[sflag:s23] =	ssyncset.done $0x0  }
0xa4: {  	s25 =	simm.s32 $0x1B8E;
	s24 =	sld [smem:$0x3FFE];
	[sflag:s23] =	ssyncadd.s32 $0xFFFFFFFF  }
0xa5: {  	s26 =	simm.s32 $execute0_lowered;
	[smem:$0x3FD2] =	sst s25  }
0xa6: {  	s4 =	sshll.u32 s26, $0x1;
	_ =	strace $0x80000046;
	[dreg:$0x1] =	wrdreg $0xFFFFFFFF  }
0xa7: {  	s28 =	simm.s32 $_size_execute0_lowered;
	s2 =	sadd.s32 s2, s4;
	[dreg:$0x0] =	wrdreg $0x0  }
0xa8: {  	s4 =	sshll.u32 s28, $0x1;
	[dreg:$0x2] =	wrdreg s2  }
0xa9: {  	[dreg:$0x3] =	wrdreg s4  }
0xaa: {  	[dreg:$0x4] =	wrdreg $0xC0  }
0xab: {  	_ =	task [dreg:s6], $0x5FFFF  }
0xac: {  	[dreg:$0x1] =	wrdreg $0xFFFFFFFF  }
0xad: {  	[dreg:$0x0] =	wrdreg $0x60  }
0xae: {  	[dreg:$0x2] =	wrdreg s24  }
0xaf: {  	[dreg:$0x3] =	wrdreg $0x0  }
0xb0: {  	[dreg:$0x4] =	wrdreg $0x27800  }
0xb1: {  	[dreg:$0x5] =	wrdreg $0x4F000  }
0xb2: {  	[dreg:$0x6] =	wrdreg $0x76800  }
0xb3: {  	[dreg:$0x7] =	wrdreg $0x9  }
0xb4: {  	_ =	task.clear_ibuf [dreg:s6], $0x8FFFF;
	_ =	strace $0x90000046  }
0xb5: {  	s29 =	simm.s32 $0x9;
	_ =	strace $0x80000048  }
0xb6: {  	_ =	swait.ge [sflag:s29], $0x1  }
0xb7: {  	[sflag:s29] =	ssyncadd.s32 $0xFFFFFFFF  }
0xb8: {  	_ =	strace $0x90000048  }
0xb9: {  	_ =	sfence  }
0xba: {  	s30 =	sld [smem:$0x0];
	_ =	sdelay $0x2  }
0xbb: {  	s31 =	sshll.u32 s1, $0xD;
	s1 =	sshrl.u32 s1, $0x2  }
0xbc: {  	s3 =	sand.u32 $0x4000, s31;
	s1 =	sadd.s32 s1, s30  }
0xbd: {  	s0 =	sor.u32 s3, s0;
	s1 =	sshll.u32 s1, $0x11  }
0xbe: {  	s0 =	sor.u32 s1, s0  }
0xbf: {  	s0 =	sadd.s32 $0x8F2B, s0  }
0xc0: {  	[sflag:s0] =	ssyncadd.remote.s32 $0x1  }
0xc1: {  	_ =	sfence.sel $0xFFFF  }
0xc2: {  	[dreg:$0x0] =	wrdreg $0xFFFFFFFF;
	(pc) =	sbr.abs _section_cstart, $3  }
0xc3: {  	[dreg:$0x1] =	wrdreg $0xFFFFFFFF  }
0xc4: {  	_ =	task.clear_ibuf [dreg:s6], $0x2FFFF;
	_ =	strace $0x9FFFFFFF  }
0xc5: {  	(tm) =	ssettm $0x7FFFFFFF  }
tec
execute0_lowered:
.L_overlay_start_1:
0x0: {  	(tag) =	ssettag $0x1  }
0x1: {  	s0 =	rddreg [dreg:$0x0]  }
0x2: {  	s2 =	rddreg [dreg:$0x1]  }
0x3: {  	s4 =	rddreg [dreg:$0x2]  }
0x4: {  	s5 =	rddreg [dreg:$0x3]  }
0x5: {  	s6 =	rddreg [dreg:$0x4]  }
0x6: {  	s13 =	stileid.u32;
	s3 =	srdreg.scid  }
0x7: {  	s14 =	simm.s32 $0x0;
	s21 =	simm.s32 $0x2;
	s22 =	simm.s32 $0xC580  }
0x8: {  	s23 =	simm.s32 $0xC980;
	s28 =	simm.s32 $0xDD80;
	s29 =	simm.s32 $0x11D80  }
0x9: {  	s30 =	simm.s32 $0x200;
	s31 =	simm.s32 $0xD580;
	s20 =	simm.s32 $0x0  }
0xa: {  	s1 =	smul.u32 $0x2780, s13;
	s3 =	sand.u32 $0x1, s3;
	[smem:$0x7FF] =	sst s14  }
0xb: {  	s8 =	sadd.s32 $0x3D800, s0;
	s24 =	sshll.u32 s13, $0x1;
	s9 =	smul.u32 $0x27800, s3  }
0xc: {  	_ =	strace $0x80000047;
	s11 =	ssub.s32 $0x2, s3;
	s3 =	sor.u32 s3, s24  }
0xd: {  	s24 =	simm.s32 $0x400;
	[dreg:$0xf] =	wrdreg s20;
	s7 =	sshrl.u32 s1, $0x3  }
0xe: {  	s12 =	sshrl.u32 s11, $0x1;
	s26 =	sadd.s32 s1, s2;
	s15 =	sadd.s32 s1, s5  }
0xf: {  	s18 =	sadd.s32 s1, s6;
	s16 =	smul.u32 $0x1800, s3;
	s3 =	simm.s32 $0x15D80  }
0x10: {  	s7 =	sadd.s32 s7, s0;
	s10 =	sadd.s32 s1, s9;
	[dreg:$0x7] =	wrdreg s26  }
0x11: {  	s9 =	sadd.s32 $0x6000, s0;
	s11 =	ssub.s32 s11, s12;
	[dreg:$0xa] =	wrdreg s15  }
0x12: {  	s12 =	sadd.s32 s1, s4;
	s26 =	simm.s32 $0x1;
	[dreg:$0xb] =	wrdreg s18  }
0x13: {  	s1 =	simm.s32 $0xD980;
	s25 =	sadd.s32 $0x38800, s7;
	[dreg:$0x9] =	wrdreg s12  }
0x14: {  	s10 =	sshrl.u32 s10, $0x3;
	s7 =	sadd.s32 $0x33800, s7;
	[dreg:$0x6] =	wrdreg s25  }
0x15: {  	s19 =	smax.u32 s11, $0x1;
	s11 =	simm.s32 $0xD780;
	[dreg:$0x8] =	wrdreg s7  }
0x16: {  	s12 =	simm.s32 $0x17D80;
	s10 =	sadd.s32 s10, s0;
	[dreg:$0xe] =	wrdreg s19  }
0x17: {  	s19 =	simm.s32 $0x9E00;
	s25 =	simm.s32 $0xCD80;
	s13 =	sadd.s32 $0xC29600, s10  }
0x18: {  	s17 =	sadd.s32 $0xC33400, s10;
	s10 =	simm.s32 $0x19D80;
	[dreg:$0xc] =	wrdreg s13  }
0x19: {  	v0 =	vimm.f32 $0.0e+00;
	[dreg:$0xd] =	wrdreg s17;
	s13 =	simm.s32 $0xDB80;
	s17 =	simm.s32 $0x1BD80  }
.LBB2_1:
0x1a: {  	s7 =	rddreg [dreg:$0x6]  }
0x1b: {  	[tilespmem:s19], [sflag:$0x2] =	stream.linear.gather [hbm4b:s7+s14], $0x2780, $0x38;
	[tilespmem:$0x1DD80] =	vst v63  }
0x1c: {  	_ =	swait.ge [sflag:s21], $0x2780  }
0x1d: {  	[sflag:s21] =	ssyncset.done $0x0  }
0x1e: {  	s7 =	simm.s32 $0x0;
	s14 =	simm.s32 $0x40;
	[sflag:s21] =	ssyncadd.s32 $0xFFFFD880  }
.LBB2_2:
0x1f: {  	p0 =	sne.s32 s14, $0x9DC0;
	v1 =	vld [tilespmem:s7+$0x9E00];
	_ =	sdelay $0x4  }
0x20: {  	v1 =	vadd.f32 v1, v1;
	_ =	sdelay $0x1  }
0x21: {  	v1 =	vmul.f32 $1.442695020e+00, v1;
	_ =	sdelay $0x1  }
0x22: {  	(erf) = vpow2.f32 v1;
	_ =	sdelay $0x8  }
0x23: {  	v1 =	vpop (erf)  }
0x24: {  	v1 =	vadd.f32 $1.000000000e+00, v1;
	_ =	sdelay $0x1  }
0x25: {  	(erf) = vrcp.f32 v1;
	_ =	sdelay $0x8  }
0x26: {  	v1 =	vpop (erf)  }
.Ltmp0:
0x27: {  	v1 =	vadd.f32 v1, v1;
	(pc) =	sbr.rel @p0 .LBB2_2-.Ltmp0, $3  }
0x28: {  	_ = 	snop  }
0x29: {  	v1 =	vsub.f32 $1.000000000e+00, v1;
	_ =	sdelay $0x1  }
0x2a: {  	[tilespmem:s7+$0x9E00] =	vst v1;
	s7 =	sshra.s32 s14, $0x2;
	s14 =	sadd.s32 $0x40, s14  }
0x2b: {  	v1 =	vld [tilespmem:s7+$0x9E00];
	_ =	sdelay $0x4  }
0x2c: {  	v1 =	vadd.f32 v1, v1;
	_ =	sdelay $0x1  }
0x2d: {  	v1 =	vmul.f32 $1.442695020e+00, v1;
	_ =	sdelay $0x1  }
0x2e: {  	(erf) = vpow2.f32 v1;
	_ =	sdelay $0x8  }
0x2f: {  	v1 =	vpop (erf)  }
0x30: {  	v1 =	vadd.f32 $1.000000000e+00, v1;
	_ =	sdelay $0x1  }
0x31: {  	(erf) = vrcp.f32 v1;
	_ =	sdelay $0x8  }
0x32: {  	v1 =	vpop (erf)  }
0x33: {  	v1 =	vadd.f32 v1, v1;
	_ =	sdelay $0x1  }
0x34: {  	v1 =	vsub.f32 $1.000000000e+00, v1;
	_ =	sdelay $0x1  }
0x35: {  	s14 =	rddreg [dreg:$0x7];
	[tilespmem:s7+$0x9E00] =	vst v1  }
0x36: {  	[spmem:s14] =	stream.linear.scatter [tilespmem:s19], [sflag:$0x2], $0x2780, $0x38;
	[tilespmem:$0x1DD80] =	vst v63  }
0x37: {  	_ =	swait.ge [sflag:s21], $0x2780  }
0x38: {  	[sflag:s21] =	ssyncset.done $0x0  }
0x39: {  	s20 =	simm.s32 $0x0;
	s14 =	rddreg [dreg:$0x8];
	[sflag:s21] =	ssyncadd.s32 $0xFFFFD880  }
0x3a: {  	[tilespmem:s19], [sflag:$0x2] =	stream.linear.gather [hbm4b:s14+s20], $0x2780, $0x38;
	[tilespmem:$0x1DD80] =	vst v63  }
0x3b: {  	_ =	swait.ge [sflag:s21], $0x2780  }
0x3c: {  	[sflag:s21] =	ssyncset.done $0x0  }
0x3d: {  	s20 =	rddreg [dreg:$0x9];
	[sflag:s21] =	ssyncadd.s32 $0xFFFFD880  }
0x3e: {  	[spmem:s20] =	stream.linear.scatter [tilespmem:s19], [sflag:$0x2], $0x2780, $0x38;
	[tilespmem:$0x1DD80] =	vst v63  }
0x3f: {  	_ =	swait.ge [sflag:s21], $0x2780  }
0x40: {  	[sflag:s21] =	ssyncset.done $0x0  }
0x41: {  	s7 =	simm.s32 $0x40;
	s14 =	simm.s32 $0x0;
	[sflag:s21] =	ssyncadd.s32 $0xFFFFD880  }
.LBB2_4:
0x42: {  	p0 =	sne.s32 s7, $0x9DC0;
	[tilespmem:s14+$0x9E00] =	vst v0;
	s14 =	smov.u32 s7;
	s7 =	sadd.s32 $0x40, s7  }
.Ltmp1:
0x43: {  	(pc) =	sbr.rel @p0 .LBB2_4-.Ltmp1, $2  }
0x44: {  	_ =	sdelay $0x2  }
0x45: {  	s14 =	sshra.s32 s14, $0x2  }
0x46: {  	[tilespmem:s14+$0x9E00] =	vst v0  }
0x47: {  	[spmem:s15] =	stream.linear.scatter [tilespmem:s19], [sflag:$0x2], $0x2780, $0x38;
	[tilespmem:$0x1DD80] =	vst v63  }
0x48: {  	_ =	swait.ge [sflag:s21], $0x2780  }
0x49: {  	[sflag:s21] =	ssyncset.done $0x0  }
0x4a: {  	[sflag:s21] =	ssyncadd.s32 $0xFFFFD880  }
0x4b: {  	[spmem:s18] =	stream.linear.scatter [tilespmem:s19], [sflag:$0x2], $0x2780, $0x38;
	[tilespmem:$0x1DD80] =	vst v63  }
0x4c: {  	_ =	swait.ge [sflag:s21], $0x2780  }
0x4d: {  	[sflag:s21] =	ssyncset.done $0x0  }
0x4e: {  	[sflag:s21] =	ssyncadd.s32 $0xFFFFD880  }
0x4f: {  	s7 =	simm.s32 $0x0;
	s19 =	simm.s32 $0x0;
	[bflag:$0x0] =	sbarrier.arrive $0xFFFF  }
.LBB2_6:
0x50: {  	s14 =	sshll.u32 s7, $0xA  }
0x51: {  	s14 =	sadd.s32 s16, s14  }
0x52: {  	s14 =	sshrl.u32 s14, $0x3  }
0x53: {  	s15 =	sadd.s32 s0, s14  }
0x54: {  	[tilespmem:s22], [sflag:$0x2] =	stream.linear.gather [hbm4b:s15+s19], $0x400, $0x38;
	[tilespmem:$0x1DD80] =	vst v63  }
0x55: {  	_ =	swait.ge [sflag:s21], $0x400  }
0x56: {  	[sflag:s21] =	ssyncset.done $0x0  }
0x57: {  	s14 =	sadd.s32 s9, s14;
	[sflag:s21] =	ssyncadd.s32 $0xFFFFFC00  }
0x58: {  	[tilespmem:s23], [sflag:$0x2] =	stream.linear.gather [hbm4b:s14+s19], $0x400, $0x38;
	[tilespmem:$0x1DD80] =	vst v63  }
0x59: {  	_ =	swait.ge [sflag:s21], $0x400  }
0x5a: {  	[sflag:s21] =	ssyncset.done $0x0  }
0x5b: {  	s14 =	simm.s32 $0x0;
	[sflag:s21] =	ssyncadd.s32 $0xFFFFFC00  }
0x5c: {  	v1 =	vld [tilespmem:s14+$0xC580];
	_ =	sdelay $0x1  }
0x5d: {  	v2 =	vld [tilespmem:s14+$0xC980];
	_ =	sdelay $0x1  }
0x5e: {  	s15 =	simm.s32 $0x40  }
.LBB2_7:
0x5f: {  	s18 =	sshra.s32 s15, $0x2;
	p0 =	sne.s32 s15, $0x7C0;
	s15 =	sadd.s32 $0x40, s15;
	v3 =	vmul.u32 $0x2710, v1;
	[tilespmem:s14+$0xD580] =	vst v1  }
.Ltmp2:
0x60: {  	v1 =	vld [tilespmem:s18+$0xC580];
	(pc) =	sbr.rel @p0 .LBB2_7-.Ltmp2, $4  }
0x61: {  	v3 =	vadd.s32 v2, v3;
	[tilespmem:s14+$0xD980] =	vst v2  }
0x62: {  	v2 =	vld [tilespmem:s18+$0xC980];
	vm0 =	vlt.s32 v3, $0x5F5E0FF  }
0x63: {  	v3 =	vnsel vm0, $0x5F5E0FF, v3  }
0x64: {  	[tilespmem:s14+$0xCD80] =	vst v3;
	s14 =	smov.u32 s18  }
0x65: {  	v3 =	vmul.u32 $0x2710, v1;
	_ =	sdelay $0x1  }
0x66: {  	v3 =	vadd.s32 v2, v3  }
0x67: {  	[tilespmem:s14+$0xD580] =	vst v1;
	vm0 =	vlt.s32 v3, $0x5F5E0FF  }
0x68: {  	[tilespmem:s14+$0xD980] =	vst v2;
	v1 =	vnsel vm0, $0x5F5E0FF, v3  }
0x69: {  	[tilespmem:s14+$0xCD80] =	vst v1;
	s14 =	simm.s32 $0x0  }
0x6a: {  	v1 =	vld [tilespmem:s14+$0xC780];
	_ =	sdelay $0x1  }
0x6b: {  	v2 =	vld [tilespmem:s14+$0xCB80];
	_ =	sdelay $0x1  }
0x6c: {  	s15 =	simm.s32 $0x40  }
.LBB2_9:
0x6d: {  	s18 =	sshra.s32 s15, $0x2;
	p0 =	sne.s32 s15, $0x7C0;
	s15 =	sadd.s32 $0x40, s15;
	v3 =	vmul.u32 $0x2710, v1;
	[tilespmem:s14+$0xD780] =	vst v1  }
.Ltmp3:
0x6e: {  	v1 =	vld [tilespmem:s18+$0xC780];
	(pc) =	sbr.rel @p0 .LBB2_9-.Ltmp3, $4  }
0x6f: {  	v3 =	vadd.s32 v2, v3;
	[tilespmem:s14+$0xDB80] =	vst v2  }
0x70: {  	v2 =	vld [tilespmem:s18+$0xCB80];
	vm0 =	vlt.s32 v3, $0x5F5E0FF  }
0x71: {  	v3 =	vnsel vm0, $0x5F5E0FF, v3  }
0x72: {  	[tilespmem:s14+$0xCF80] =	vst v3;
	s14 =	smov.u32 s18  }
0x73: {  	v3 =	vmul.u32 $0x2710, v1;
	_ =	sdelay $0x1  }
0x74: {  	v3 =	vadd.s32 v2, v3  }
0x75: {  	[tilespmem:s14+$0xD780] =	vst v1;
	vm0 =	vlt.s32 v3, $0x5F5E0FF  }
0x76: {  	[tilespmem:s14+$0xDB80] =	vst v2;
	v1 =	vnsel vm0, $0x5F5E0FF, v3  }
0x77: {  	s15 =	simm.s32 $0xD180;
	[tilespmem:s14+$0xCF80] =	vst v1  }
0x78: {  	[tilespmem:s15], [sflag:$0x1] =	stream.indirect.gather [hbm4b:s8+s24], $0x1, s25, s24, $0xb8;
	[tilespmem:$0x1DD80] =	vst v63  }
0x79: {  	_ =	swait.ge [sflag:s26], $0x400  }
0x7a: {  	[sflag:s26] =	ssyncset.done $0x0  }
0x7b: {  	[sflag:s26] =	ssyncadd.s32 $0xFFFFFC00  }
0x7c: {  	[tilespmem:s28], [sflag:$0x1] =	stream.indirect.gather [spmem:s2], $0x10, s23, s24, $0xb8;
	[tilespmem:$0x1DD80] =	vst v63  }
0x7d: {  	_ =	swait.ge [sflag:s26], $0x4000  }
0x7e: {  	[sflag:s26] =	ssyncset.done $0x0  }
0x7f: {  	[sflag:s26] =	ssyncadd.s32 $0xFFFFC000  }
0x80: {  	[tilespmem:s29], [sflag:$0x1] =	stream.indirect.gather [spmem:s4], $0x10, s22, s24, $0xb8;
	[tilespmem:$0x1DD80] =	vst v63  }
0x81: {  	_ =	swait.ge [sflag:s26], $0x4000  }
0x82: {  	[sflag:s26] =	ssyncset.done $0x0  }
0x83: {  	s14 =	simm.s32 $0x0;
	[sflag:s26] =	ssyncadd.s32 $0xFFFFC000  }
0x84: {  	v17 =	vld [tilespmem:s14+$0x11D80]  }
0x85: {  	v1 =	vld [tilespmem:s14+$0xDD80]  }
0x86: {  	v4 =	vld [tilespmem:s14+$0xDD90]  }
0x87: {  	v7 =	vld [tilespmem:s14+$0xDDA0]  }
0x88: {  	v12 =	vld [tilespmem:s14+$0xDDB0]  }
0x89: {  	v13 =	vld [tilespmem:s14+$0xDDC0]  }
0x8a: {  	v14 =	vld [tilespmem:s14+$0xDDD0]  }
0x8b: {  	v9 =	vld [tilespmem:s14+$0xDDE0]  }
0x8c: {  	v10 =	vld [tilespmem:s14+$0xDDF0]  }
0x8d: {  	v5 =	vld [tilespmem:s14+$0xDE00]  }
0x8e: {  	v8 =	vld [tilespmem:s14+$0xDE10]  }
0x8f: {  	v3 =	vld [tilespmem:s14+$0xDE20]  }
0x90: {  	v6 =	vld [tilespmem:s14+$0xDE30]  }
0x91: {  	v2 =	vld [tilespmem:s14+$0xDE40]  }
0x92: {  	v11 =	vld [tilespmem:s14+$0xDE50];
	v23 =	vmul.f32 v1, v1;
	v22 =	vmul.f32 v4, v4  }
0x93: {  	v15 =	vld [tilespmem:s14+$0xDE60];
	v21 =	vmul.f32 v7, v7;
	v20 =	vmul.f32 v12, v12  }
0x94: {  	s20 =	simm.s32 $0x400;
	v16 =	vld [tilespmem:s14+$0xDE70];
	v19 =	vmul.f32 v13, v13;
	v18 =	vmul.f32 v14, v14  }
.LBB2_11:
0x95: {  	p0 =	sne.s32 s20, $0x7C00;
	v24 =	vld [tilespmem:s15+$0x0];
	v25 =	vmul.f32 v9, v9;
	v26 =	vmul.f32 v10, v10  }
0x96: {  	v28 =	vmul.f32 v5, v5;
	v29 =	vmul.f32 v8, v8;
	v27 =	vld [tilespmem:s14+$0x11D90]  }
0x97: {  	v31 =	vmul.f32 v3, v3;
	v32 =	vmul.f32 v6, v6;
	v30 =	vld [tilespmem:s14+$0x11DA0]  }
0x98: {  	v34 =	vmul.f32 v2, v2;
	v35 =	vmul.f32 v11, v11;
	v33 =	vld [tilespmem:s14+$0x11DB0]  }
0x99: {  	v36 =	vmul.f32 v15, v15;
	v37 =	vmul.f32 v16, v16  }
0x9a: {  	v23 =	vsub.f32 $1.000000000e+00, v23;
	v38 =	vbroadcast v24, $0x0;
	v39 =	vbroadcast v24, $0x1  }
0x9b: {  	v22 =	vsub.f32 $1.000000000e+00, v22;
	v40 =	vbroadcast v24, $0x2;
	v41 =	vbroadcast v24, $0x3;
	v42 =	vld [tilespmem:s14+$0x11DC0]  }
0x9c: {  	v21 =	vsub.f32 $1.000000000e+00, v21;
	v17 =	vmul.f32 v17, v38;
	v27 =	vmul.f32 v27, v39;
	v43 =	vld [tilespmem:s14+$0x11DD0]  }
0x9d: {  	v20 =	vsub.f32 $1.000000000e+00, v20;
	v30 =	vmul.f32 v30, v40;
	v33 =	vmul.f32 v33, v41;
	v44 =	vld [tilespmem:s14+$0x11DE0]  }
0x9e: {  	v17 =	vmul.f32 v17, v23;
	v22 =	vmul.f32 v27, v22;
	v23 =	vld [tilespmem:s14+$0x11DF0]  }
0x9f: {  	v21 =	vmul.f32 v30, v21;
	v20 =	vmul.f32 v33, v20  }
0xa0: {  	v19 =	vsub.f32 $1.000000000e+00, v19;
	v27 =	vbroadcast v24, $0x5;
	[tilespmem:s14+$0x19D80] =	vst v17;
	v17 =	vbroadcast v24, $0x4  }
0xa1: {  	v18 =	vsub.f32 $1.000000000e+00, v18;
	v30 =	vbroadcast v24, $0x7;
	[tilespmem:s14+$0x19D90] =	vst v22;
	v22 =	vbroadcast v24, $0x6;
	v33 =	vld [tilespmem:s14+$0x11E00]  }
0xa2: {  	v25 =	vsub.f32 $1.000000000e+00, v25;
	[tilespmem:s14+$0x19DA0] =	vst v21;
	v21 =	vmul.f32 v42, v17;
	v42 =	vmul.f32 v43, v27;
	v43 =	vld [tilespmem:s14+$0x11E10]  }
0xa3: {  	v26 =	vsub.f32 $1.000000000e+00, v26;
	[tilespmem:s14+$0x19DB0] =	vst v20;
	v20 =	vmul.f32 v44, v22;
	v23 =	vmul.f32 v23, v30;
	v44 =	vld [tilespmem:s14+$0x11E20]  }
0xa4: {  	v19 =	vmul.f32 v21, v19;
	v18 =	vmul.f32 v42, v18;
	v21 =	vld [tilespmem:s14+$0x11E30]  }
0xa5: {  	v20 =	vmul.f32 v20, v25;
	v23 =	vmul.f32 v23, v26  }
0xa6: {  	v25 =	vsub.f32 $1.000000000e+00, v28;
	v26 =	vbroadcast v24, $0x9;
	[tilespmem:s14+$0x19DC0] =	vst v19;
	v19 =	vbroadcast v24, $0x8  }
0xa7: {  	v28 =	vbroadcast v24, $0xA;
	[tilespmem:s14+$0x19DD0] =	vst v18;
	v18 =	vsub.f32 $1.000000000e+00, v29;
	v29 =	vbroadcast v24, $0xB;
	v42 =	vld [tilespmem:s14+$0x11E40]  }
0xa8: {  	v31 =	vsub.f32 $1.000000000e+00, v31;
	[tilespmem:s14+$0x19DE0] =	vst v20;
	v20 =	vmul.f32 v33, v19;
	v33 =	vmul.f32 v43, v26;
	v43 =	vld [tilespmem:s14+$0x11E50]  }
0xa9: {  	v32 =	vsub.f32 $1.000000000e+00, v32;
	[tilespmem:s14+$0x19DF0] =	vst v23;
	v23 =	vmul.f32 v44, v28;
	v21 =	vmul.f32 v21, v29;
	v44 =	vld [tilespmem:s14+$0x11E60]  }
0xaa: {  	v20 =	vmul.f32 v20, v25;
	v18 =	vmul.f32 v33, v18;
	v25 =	vld [tilespmem:s14+$0x11E70]  }
0xab: {  	v23 =	vmul.f32 v23, v31;
	v21 =	vmul.f32 v21, v32  }
0xac: {  	v31 =	vsub.f32 $1.000000000e+00, v34;
	v32 =	vbroadcast v24, $0xD;
	[tilespmem:s14+$0x19E00] =	vst v20;
	v20 =	vbroadcast v24, $0xC  }
0xad: {  	v33 =	vbroadcast v24, $0xE;
	v24 =	vbroadcast v24, $0xF;
	[tilespmem:s14+$0x19E10] =	vst v18;
	v18 =	vsub.f32 $1.000000000e+00, v35  }
0xae: {  	v34 =	vmul.f32 v43, v32;
	v35 =	vsub.f32 $1.000000000e+00, v36;
	[tilespmem:s14+$0x19E20] =	vst v23;
	v23 =	vmul.f32 v42, v20  }
0xaf: {  	v36 =	vsub.f32 $1.000000000e+00, v37;
	[tilespmem:s14+$0x19E30] =	vst v21;
	v21 =	vmul.f32 v44, v33;
	v25 =	vmul.f32 v25, v24  }
0xb0: {  	v18 =	vmul.f32 v34, v18;
	v23 =	vmul.f32 v23, v31  }
0xb1: {  	v21 =	vmul.f32 v21, v35;
	v25 =	vmul.f32 v25, v36  }
0xb2: {  	v34 =	vmul.f32 v4, v39;
	v31 =	vmul.f32 v38, v1;
	[tilespmem:s14+$0x19E40] =	vst v23  }
0xb3: {  	v35 =	vmul.f32 v12, v41;
	v23 =	vmul.f32 v7, v40;
	[tilespmem:s14+$0x19E50] =	vst v18  }
0xb4: {  	s18 =	sshra.s32 s20, $0x2;
	v27 =	vmul.f32 v14, v27;
	v18 =	vmul.f32 v13, v17;
	[tilespmem:s14+$0x19E60] =	vst v21  }
0xb5: {  	v21 =	vmul.f32 v9, v22;
	v22 =	vmul.f32 v10, v30;
	v17 =	vld [tilespmem:s18+$0x11D80];
	[tilespmem:s14+$0x19E70] =	vst v25  }
0xb6: {  	v19 =	vmul.f32 v5, v19;
	v25 =	vmul.f32 v8, v26;
	v1 =	vld [tilespmem:s18+$0xDD80];
	[tilespmem:s14+$0x15D80] =	vst v31  }
0xb7: {  	v26 =	vmul.f32 v3, v28;
	v28 =	vmul.f32 v6, v29;
	v4 =	vld [tilespmem:s18+$0xDD90];
	[tilespmem:s14+$0x15D90] =	vst v34  }
0xb8: {  	v20 =	vmul.f32 v2, v20;
	v29 =	vmul.f32 v11, v32;
	v7 =	vld [tilespmem:s18+$0xDDA0];
	[tilespmem:s14+$0x15DA0] =	vst v23  }
0xb9: {  	v24 =	vmul.f32 v16, v24;
	v30 =	vmul.f32 v15, v33;
	v12 =	vld [tilespmem:s18+$0xDDB0];
	[tilespmem:s14+$0x15DB0] =	vst v35  }
0xba: {  	v13 =	vld [tilespmem:s18+$0xDDC0];
	[tilespmem:s14+$0x15DC0] =	vst v18  }
0xbb: {  	v14 =	vld [tilespmem:s18+$0xDDD0];
	[tilespmem:s14+$0x15DD0] =	vst v27  }
0xbc: {  	v9 =	vld [tilespmem:s18+$0xDDE0];
	[tilespmem:s14+$0x15DE0] =	vst v21  }
0xbd: {  	v10 =	vld [tilespmem:s18+$0xDDF0];
	[tilespmem:s14+$0x15DF0] =	vst v22  }
0xbe: {  	v5 =	vld [tilespmem:s18+$0xDE00];
	[tilespmem:s14+$0x15E00] =	vst v19  }
0xbf: {  	v8 =	vld [tilespmem:s18+$0xDE10];
	[tilespmem:s14+$0x15E10] =	vst v25  }
0xc0: {  	v3 =	vld [tilespmem:s18+$0xDE20];
	[tilespmem:s14+$0x15E20] =	vst v26  }
.Ltmp4:
0xc1: {  	v6 =	vld [tilespmem:s18+$0xDE30];
	[tilespmem:s14+$0x15E30] =	vst v28;
	(pc) =	sbr.rel @p0 .LBB2_11-.Ltmp4, $4  }
0xc2: {  	v2 =	vld [tilespmem:s18+$0xDE40];
	[tilespmem:s14+$0x15E40] =	vst v20  }
0xc3: {  	v23 =	vmul.f32 v1, v1;
	v22 =	vmul.f32 v4, v4;
	v11 =	vld [tilespmem:s18+$0xDE50];
	[tilespmem:s14+$0x15E50] =	vst v29  }
0xc4: {  	v21 =	vmul.f32 v7, v7;
	v20 =	vmul.f32 v12, v12;
	v15 =	vld [tilespmem:s18+$0xDE60];
	[tilespmem:s14+$0x15E60] =	vst v30  }
0xc5: {  	s20 =	sadd.s32 $0x400, s20;
	s15 =	sadd.s32 $0x10, s15;
	v19 =	vmul.f32 v13, v13;
	v18 =	vmul.f32 v14, v14;
	v16 =	vld [tilespmem:s18+$0xDE70];
	[tilespmem:s14+$0x15E70] =	vst v24;
	s14 =	smov.u32 s18  }
0xc6: {  	v24 =	vld [tilespmem:s15+$0x0];
	v26 =	vmul.f32 v9, v9  }
0xc7: {  	v27 =	vmul.f32 v10, v10;
	v28 =	vmul.f32 v5, v5  }
0xc8: {  	v31 =	vmul.f32 v8, v8;
	v34 =	vmul.f32 v3, v3  }
0xc9: {  	v57 =	vmul.f32 v6, v6;
	v40 =	vmul.f32 v2, v2  }
0xca: {  	v25 =	vld [tilespmem:s14+$0x11D90];
	v62 =	vmul.f32 v15, v15;
	v43 =	vmul.f32 v16, v16  }
0xcb: {  	v30 =	vbroadcast v24, $0x0;
	v33 =	vbroadcast v24, $0x1  }
0xcc: {  	v29 =	vld [tilespmem:s14+$0x11DA0];
	v36 =	vbroadcast v24, $0x2;
	v38 =	vbroadcast v24, $0x3  }
0xcd: {  	v32 =	vld [tilespmem:s14+$0x11DB0];
	v49 =	vbroadcast v24, $0xA;
	v1 =	vmul.f32 v30, v1  }
0xce: {  	v23 =	vsub.f32 $1.000000000e+00, v23;
	v17 =	vmul.f32 v17, v30;
	v4 =	vmul.f32 v4, v33  }
0xcf: {  	v22 =	vsub.f32 $1.000000000e+00, v22;
	v25 =	vmul.f32 v25, v33;
	v7 =	vmul.f32 v7, v36;
	[tilespmem:s14+$0x15D80] =	vst v1  }
0xd0: {  	v35 =	vld [tilespmem:s14+$0x11DC0];
	v3 =	vmul.f32 v3, v49;
	v17 =	vmul.f32 v17, v23;
	[tilespmem:s14+$0x15D90] =	vst v4  }
0xd1: {  	v21 =	vsub.f32 $1.000000000e+00, v21;
	v23 =	vmul.f32 v29, v36;
	v22 =	vmul.f32 v25, v22;
	[tilespmem:s14+$0x15DA0] =	vst v7  }
0xd2: {  	v1 =	vmul.f32 v12, v38;
	[tilespmem:s14+$0x19D80] =	vst v17;
	v17 =	vsub.f32 $1.000000000e+00, v20;
	v20 =	vmul.f32 v32, v38  }
0xd3: {  	[tilespmem:s14+$0x15E20] =	vst v3;
	v21 =	vmul.f32 v23, v21;
	v23 =	vbroadcast v24, $0x4  }
0xd4: {  	v37 =	vld [tilespmem:s14+$0x11DD0];
	v42 =	vbroadcast v24, $0x7;
	v44 =	vbroadcast v24, $0xB;
	[tilespmem:s14+$0x19D90] =	vst v22  }
0xd5: {  	v39 =	vld [tilespmem:s14+$0x11DE0];
	v19 =	vsub.f32 $1.000000000e+00, v19;
	[tilespmem:s14+$0x15DB0] =	vst v1;
	v17 =	vmul.f32 v20, v17;
	v35 =	vmul.f32 v35, v23  }
0xd6: {  	v56 =	vld [tilespmem:s14+$0x11DF0];
	v20 =	vbroadcast v24, $0x5;
	[tilespmem:s14+$0x19DA0] =	vst v21;
	v4 =	vmul.f32 v13, v23  }
0xd7: {  	v61 =	vld [tilespmem:s14+$0x11E30];
	v21 =	vbroadcast v24, $0x6;
	[tilespmem:s14+$0x19DB0] =	vst v17;
	v19 =	vmul.f32 v35, v19  }
0xd8: {  	v63 =	vld [tilespmem:s14+$0x11E40];
	v55 =	vbroadcast v24, $0xC;
	v7 =	vmul.f32 v14, v20;
	[tilespmem:s14+$0x15DC0] =	vst v4  }
0xd9: {  	v18 =	vsub.f32 $1.000000000e+00, v18;
	v37 =	vmul.f32 v37, v20;
	v1 =	vmul.f32 v9, v21;
	[tilespmem:s14+$0x19DC0] =	vst v19  }
0xda: {  	v17 =	vsub.f32 $1.000000000e+00, v26;
	v59 =	vmul.f32 v39, v21;
	v4 =	vmul.f32 v10, v42;
	[tilespmem:s14+$0x15DD0] =	vst v7  }
0xdb: {  	v41 =	vld [tilespmem:s14+$0x11E10];
	v27 =	vsub.f32 $1.000000000e+00, v27;
	v25 =	vmul.f32 v56, v42;
	v18 =	vmul.f32 v37, v18;
	[tilespmem:s14+$0x15DE0] =	vst v1  }
0xdc: {  	v60 =	vld [tilespmem:s14+$0x11E20];
	v29 =	vsub.f32 $1.000000000e+00, v57;
	v35 =	vmul.f32 v61, v44;
	v17 =	vmul.f32 v59, v17;
	[tilespmem:s14+$0x15DF0] =	vst v4  }
0xdd: {  	v57 =	vsub.f32 $1.000000000e+00, v40;
	v26 =	vmul.f32 v63, v55;
	v19 =	vmul.f32 v25, v27;
	[tilespmem:s14+$0x19DD0] =	vst v18  }
0xde: {  	v25 =	vbroadcast v24, $0x9;
	v29 =	vmul.f32 v35, v29;
	[tilespmem:s14+$0x19DE0] =	vst v17  }
0xdf: {  	v52 =	vld [tilespmem:s14+$0x11E50];
	v56 =	vbroadcast v24, $0xD;
	v26 =	vmul.f32 v26, v57;
	[tilespmem:s14+$0x19DF0] =	vst v19  }
0xe0: {  	v58 =	vld [tilespmem:s14+$0x11E00];
	v4 =	vmul.f32 v6, v44;
	v17 =	vsub.f32 $1.000000000e+00, v31;
	v51 =	vmul.f32 v41, v25;
	[tilespmem:s14+$0x19E30] =	vst v29  }
0xe1: {  	v34 =	vsub.f32 $1.000000000e+00, v34;
	v19 =	vmul.f32 v60, v49;
	[tilespmem:s14+$0x19E40] =	vst v26;
	v1 =	vmul.f32 v8, v25  }
0xe2: {  	v18 =	vbroadcast v24, $0x8;
	[tilespmem:s14+$0x15E30] =	vst v4;
	v17 =	vmul.f32 v51, v17  }
0xe3: {  	v53 =	vld [tilespmem:s14+$0x11E60];
	v22 =	vmul.f32 v11, v11;
	v19 =	vmul.f32 v19, v34;
	[tilespmem:s14+$0x15E10] =	vst v1  }
0xe4: {  	v59 =	vmul.f32 v52, v56;
	v5 =	vmul.f32 v5, v18;
	[tilespmem:s14+$0x19E10] =	vst v17  }
0xe5: {  	v54 =	vld [tilespmem:s14+$0x11E70];
	v48 =	vsub.f32 $1.000000000e+00, v28;
	v50 =	vmul.f32 v58, v18;
	v1 =	vmul.f32 v2, v55;
	[tilespmem:s14+$0x19E20] =	vst v19  }
0xe6: {  	v58 =	vbroadcast v24, $0xE;
	v2 =	vmul.f32 v11, v56;
	[tilespmem:s14+$0x15E00] =	vst v5  }
0xe7: {  	v27 =	vmul.f32 v50, v48;
	v17 =	vsub.f32 $1.000000000e+00, v22;
	v22 =	vbroadcast v24, $0xF;
	[tilespmem:s14+$0x15E40] =	vst v1  }
0xe8: {  	v19 =	vsub.f32 $1.000000000e+00, v62;
	v60 =	vmul.f32 v53, v58;
	v3 =	vmul.f32 v15, v58;
	[tilespmem:s14+$0x15E50] =	vst v2  }
0xe9: {  	[tilespmem:s14+$0x19E00] =	vst v27;
	v17 =	vmul.f32 v59, v17  }
0xea: {  	v61 =	vsub.f32 $1.000000000e+00, v43;
	v62 =	vmul.f32 v54, v22;
	v19 =	vmul.f32 v60, v19;
	[tilespmem:s14+$0x15E60] =	vst v3  }
0xeb: {  	v1 =	vmul.f32 v16, v22;
	[tilespmem:s14+$0x19E50] =	vst v17  }
0xec: {  	v63 =	vmul.f32 v62, v61;
	[tilespmem:s14+$0x19E60] =	vst v19  }
0xed: {  	[tilespmem:s14+$0x15E70] =	vst v1  }
0xee: {  	[tilespmem:s14+$0x19E70] =	vst v63  }
0xef: {  	[spmem:s5] =	stream.indirect.scatter.add.f32 [tilespmem:s3], [sflag:$0x2], $0x10, s31, s30, $0xb8;
	[tilespmem:$0x1DD80] =	vst v63  }
0xf0: {  	_ =	swait.ge [sflag:s21], $0x2000  }
0xf1: {  	[sflag:s21] =	ssyncset.done $0x0  }
0xf2: {  	[sflag:s21] =	ssyncadd.s32 $0xFFFFE000  }
0xf3: {  	[spmem:s6] =	stream.indirect.scatter.add.f32 [tilespmem:s10], [sflag:$0x2], $0x10, s1, s30, $0xb8;
	[tilespmem:$0x1DD80] =	vst v63  }
0xf4: {  	_ =	swait.ge [sflag:s21], $0x2000  }
0xf5: {  	[sflag:s21] =	ssyncset.done $0x0  }
0xf6: {  	s14 =	simm.s32 $0x0;
	[sflag:s21] =	ssyncadd.s32 $0xFFFFE000  }
0xf7: {  	v17 =	vld [tilespmem:s14+$0x13D80]  }
0xf8: {  	v1 =	vld [tilespmem:s14+$0xFD80]  }
0xf9: {  	v4 =	vld [tilespmem:s14+$0xFD90]  }
0xfa: {  	v7 =	vld [tilespmem:s14+$0xFDA0]  }
0xfb: {  	v12 =	vld [tilespmem:s14+$0xFDB0]  }
0xfc: {  	v13 =	vld [tilespmem:s14+$0xFDC0]  }
0xfd: {  	v14 =	vld [tilespmem:s14+$0xFDD0]  }
0xfe: {  	v9 =	vld [tilespmem:s14+$0xFDE0]  }
0xff: {  	v10 =	vld [tilespmem:s14+$0xFDF0]  }
0x100: {  	v5 =	vld [tilespmem:s14+$0xFE00]  }
0x101: {  	v8 =	vld [tilespmem:s14+$0xFE10]  }
0x102: {  	v3 =	vld [tilespmem:s14+$0xFE20]  }
0x103: {  	v6 =	vld [tilespmem:s14+$0xFE30]  }
0x104: {  	v2 =	vld [tilespmem:s14+$0xFE40]  }
0x105: {  	v11 =	vld [tilespmem:s14+$0xFE50];
	v23 =	vmul.f32 v1, v1;
	v22 =	vmul.f32 v4, v4  }
0x106: {  	v15 =	vld [tilespmem:s14+$0xFE60];
	v21 =	vmul.f32 v7, v7;
	v20 =	vmul.f32 v12, v12  }
0x107: {  	s15 =	simm.s32 $0xD380;
	s20 =	simm.s32 $0x400;
	v16 =	vld [tilespmem:s14+$0xFE70];
	v19 =	vmul.f32 v13, v13;
	v18 =	vmul.f32 v14, v14  }
.LBB2_13:
0x108: {  	p0 =	sne.s32 s20, $0x7C00;
	v24 =	vld [tilespmem:s15+$0x0];
	v25 =	vmul.f32 v9, v9;
	v26 =	vmul.f32 v10, v10  }
0x109: {  	v28 =	vmul.f32 v5, v5;
	v29 =	vmul.f32 v8, v8;
	v27 =	vld [tilespmem:s14+$0x13D90]  }
0x10a: {  	v31 =	vmul.f32 v3, v3;
	v32 =	vmul.f32 v6, v6;
	v30 =	vld [tilespmem:s14+$0x13DA0]  }
0x10b: {  	v34 =	vmul.f32 v2, v2;
	v35 =	vmul.f32 v11, v11;
	v33 =	vld [tilespmem:s14+$0x13DB0]  }
0x10c: {  	v36 =	vmul.f32 v15, v15;
	v37 =	vmul.f32 v16, v16  }
0x10d: {  	v23 =	vsub.f32 $1.000000000e+00, v23;
	v38 =	vbroadcast v24, $0x0;
	v39 =	vbroadcast v24, $0x1  }
0x10e: {  	v22 =	vsub.f32 $1.000000000e+00, v22;
	v40 =	vbroadcast v24, $0x2;
	v41 =	vbroadcast v24, $0x3;
	v42 =	vld [tilespmem:s14+$0x13DC0]  }
0x10f: {  	v21 =	vsub.f32 $1.000000000e+00, v21;
	v17 =	vmul.f32 v17, v38;
	v27 =	vmul.f32 v27, v39;
	v43 =	vld [tilespmem:s14+$0x13DD0]  }
0x110: {  	v20 =	vsub.f32 $1.000000000e+00, v20;
	v30 =	vmul.f32 v30, v40;
	v33 =	vmul.f32 v33, v41;
	v44 =	vld [tilespmem:s14+$0x13DE0]  }
0x111: {  	v17 =	vmul.f32 v17, v23;
	v22 =	vmul.f32 v27, v22;
	v23 =	vld [tilespmem:s14+$0x13DF0]  }
0x112: {  	v21 =	vmul.f32 v30, v21;
	v20 =	vmul.f32 v33, v20  }
0x113: {  	v19 =	vsub.f32 $1.000000000e+00, v19;
	v27 =	vbroadcast v24, $0x5;
	[tilespmem:s14+$0x1BD80] =	vst v17;
	v17 =	vbroadcast v24, $0x4  }
0x114: {  	v18 =	vsub.f32 $1.000000000e+00, v18;
	v30 =	vbroadcast v24, $0x7;
	[tilespmem:s14+$0x1BD90] =	vst v22;
	v22 =	vbroadcast v24, $0x6;
	v33 =	vld [tilespmem:s14+$0x13E00]  }
0x115: {  	v25 =	vsub.f32 $1.000000000e+00, v25;
	[tilespmem:s14+$0x1BDA0] =	vst v21;
	v21 =	vmul.f32 v42, v17;
	v42 =	vmul.f32 v43, v27;
	v43 =	vld [tilespmem:s14+$0x13E10]  }
0x116: {  	v26 =	vsub.f32 $1.000000000e+00, v26;
	[tilespmem:s14+$0x1BDB0] =	vst v20;
	v20 =	vmul.f32 v44, v22;
	v23 =	vmul.f32 v23, v30;
	v44 =	vld [tilespmem:s14+$0x13E20]  }
0x117: {  	v19 =	vmul.f32 v21, v19;
	v18 =	vmul.f32 v42, v18;
	v21 =	vld [tilespmem:s14+$0x13E30]  }
0x118: {  	v20 =	vmul.f32 v20, v25;
	v23 =	vmul.f32 v23, v26  }
0x119: {  	v25 =	vsub.f32 $1.000000000e+00, v28;
	v26 =	vbroadcast v24, $0x9;
	[tilespmem:s14+$0x1BDC0] =	vst v19;
	v19 =	vbroadcast v24, $0x8  }
0x11a: {  	v28 =	vbroadcast v24, $0xA;
	[tilespmem:s14+$0x1BDD0] =	vst v18;
	v18 =	vsub.f32 $1.000000000e+00, v29;
	v29 =	vbroadcast v24, $0xB;
	v42 =	vld [tilespmem:s14+$0x13E40]  }
0x11b: {  	v31 =	vsub.f32 $1.000000000e+00, v31;
	[tilespmem:s14+$0x1BDE0] =	vst v20;
	v20 =	vmul.f32 v33, v19;
	v33 =	vmul.f32 v43, v26;
	v43 =	vld [tilespmem:s14+$0x13E50]  }
0x11c: {  	v32 =	vsub.f32 $1.000000000e+00, v32;
	[tilespmem:s14+$0x1BDF0] =	vst v23;
	v23 =	vmul.f32 v44, v28;
	v21 =	vmul.f32 v21, v29;
	v44 =	vld [tilespmem:s14+$0x13E60]  }
0x11d: {  	v20 =	vmul.f32 v20, v25;
	v18 =	vmul.f32 v33, v18;
	v25 =	vld [tilespmem:s14+$0x13E70]  }
0x11e: {  	v23 =	vmul.f32 v23, v31;
	v21 =	vmul.f32 v21, v32  }
0x11f: {  	v31 =	vsub.f32 $1.000000000e+00, v34;
	v32 =	vbroadcast v24, $0xD;
	[tilespmem:s14+$0x1BE00] =	vst v20;
	v20 =	vbroadcast v24, $0xC  }
0x120: {  	v33 =	vbroadcast v24, $0xE;
	v24 =	vbroadcast v24, $0xF;
	[tilespmem:s14+$0x1BE10] =	vst v18;
	v18 =	vsub.f32 $1.000000000e+00, v35  }
0x121: {  	v34 =	vmul.f32 v43, v32;
	v35 =	vsub.f32 $1.000000000e+00, v36;
	[tilespmem:s14+$0x1BE20] =	vst v23;
	v23 =	vmul.f32 v42, v20  }
0x122: {  	v36 =	vsub.f32 $1.000000000e+00, v37;
	[tilespmem:s14+$0x1BE30] =	vst v21;
	v21 =	vmul.f32 v44, v33;
	v25 =	vmul.f32 v25, v24  }
0x123: {  	v18 =	vmul.f32 v34, v18;
	v23 =	vmul.f32 v23, v31  }
0x124: {  	v21 =	vmul.f32 v21, v35;
	v25 =	vmul.f32 v25, v36  }
0x125: {  	v34 =	vmul.f32 v4, v39;
	v31 =	vmul.f32 v38, v1;
	[tilespmem:s14+$0x1BE40] =	vst v23  }
0x126: {  	v35 =	vmul.f32 v12, v41;
	v23 =	vmul.f32 v7, v40;
	[tilespmem:s14+$0x1BE50] =	vst v18  }
0x127: {  	s18 =	sshra.s32 s20, $0x2;
	v27 =	vmul.f32 v14, v27;
	v18 =	vmul.f32 v13, v17;
	[tilespmem:s14+$0x1BE60] =	vst v21  }
0x128: {  	v21 =	vmul.f32 v9, v22;
	v22 =	vmul.f32 v10, v30;
	v17 =	vld [tilespmem:s18+$0x13D80];
	[tilespmem:s14+$0x1BE70] =	vst v25  }
0x129: {  	v19 =	vmul.f32 v5, v19;
	v25 =	vmul.f32 v8, v26;
	v1 =	vld [tilespmem:s18+$0xFD80];
	[tilespmem:s14+$0x17D80] =	vst v31  }
0x12a: {  	v26 =	vmul.f32 v3, v28;
	v28 =	vmul.f32 v6, v29;
	v4 =	vld [tilespmem:s18+$0xFD90];
	[tilespmem:s14+$0x17D90] =	vst v34  }
0x12b: {  	v20 =	vmul.f32 v2, v20;
	v29 =	vmul.f32 v11, v32;
	v7 =	vld [tilespmem:s18+$0xFDA0];
	[tilespmem:s14+$0x17DA0] =	vst v23  }
0x12c: {  	v24 =	vmul.f32 v16, v24;
	v30 =	vmul.f32 v15, v33;
	v12 =	vld [tilespmem:s18+$0xFDB0];
	[tilespmem:s14+$0x17DB0] =	vst v35  }
0x12d: {  	v13 =	vld [tilespmem:s18+$0xFDC0];
	[tilespmem:s14+$0x17DC0] =	vst v18  }
0x12e: {  	v14 =	vld [tilespmem:s18+$0xFDD0];
	[tilespmem:s14+$0x17DD0] =	vst v27  }
0x12f: {  	v9 =	vld [tilespmem:s18+$0xFDE0];
	[tilespmem:s14+$0x17DE0] =	vst v21  }
0x130: {  	v10 =	vld [tilespmem:s18+$0xFDF0];
	[tilespmem:s14+$0x17DF0] =	vst v22  }
0x131: {  	v5 =	vld [tilespmem:s18+$0xFE00];
	[tilespmem:s14+$0x17E00] =	vst v19  }
0x132: {  	v8 =	vld [tilespmem:s18+$0xFE10];
	[tilespmem:s14+$0x17E10] =	vst v25  }
0x133: {  	v3 =	vld [tilespmem:s18+$0xFE20];
	[tilespmem:s14+$0x17E20] =	vst v26  }
.Ltmp5:
0x134: {  	v6 =	vld [tilespmem:s18+$0xFE30];
	[tilespmem:s14+$0x17E30] =	vst v28;
	(pc) =	sbr.rel @p0 .LBB2_13-.Ltmp5, $4  }
0x135: {  	v2 =	vld [tilespmem:s18+$0xFE40];
	[tilespmem:s14+$0x17E40] =	vst v20  }
0x136: {  	v23 =	vmul.f32 v1, v1;
	v22 =	vmul.f32 v4, v4;
	v11 =	vld [tilespmem:s18+$0xFE50];
	[tilespmem:s14+$0x17E50] =	vst v29  }
0x137: {  	v21 =	vmul.f32 v7, v7;
	v20 =	vmul.f32 v12, v12;
	v15 =	vld [tilespmem:s18+$0xFE60];
	[tilespmem:s14+$0x17E60] =	vst v30  }
0x138: {  	s20 =	sadd.s32 $0x400, s20;
	s15 =	sadd.s32 $0x10, s15;
	v19 =	vmul.f32 v13, v13;
	v18 =	vmul.f32 v14, v14;
	v16 =	vld [tilespmem:s18+$0xFE70];
	[tilespmem:s14+$0x17E70] =	vst v24;
	s14 =	smov.u32 s18  }
0x139: {  	v24 =	vld [tilespmem:s15+$0x0];
	_ =	sdelay $0x2  }
0x13a: {  	v26 =	vmul.f32 v9, v9;
	v27 =	vmul.f32 v10, v10  }
0x13b: {  	v25 =	vld [tilespmem:s14+$0x13D90];
	v28 =	vmul.f32 v5, v5;
	v34 =	vmul.f32 v3, v3  }
0x13c: {  	v29 =	vld [tilespmem:s14+$0x13DA0];
	v40 =	vmul.f32 v2, v2;
	v30 =	vbroadcast v24, $0x0  }
0x13d: {  	v33 =	vbroadcast v24, $0x1;
	v36 =	vbroadcast v24, $0x2  }
0x13e: {  	v32 =	vld [tilespmem:s14+$0x13DB0];
	v48 =	vsub.f32 $1.000000000e+00, v20;
	v38 =	vbroadcast v24, $0x3;
	v20 =	vbroadcast v24, $0x5  }
0x13f: {  	v37 =	vld [tilespmem:s14+$0x13DD0];
	v58 =	vsub.f32 $1.000000000e+00, v28;
	v42 =	vbroadcast v24, $0x7;
	v28 =	vbroadcast v24, $0xA  }
0x140: {  	v53 =	vld [tilespmem:s14+$0x13E20];
	v44 =	vbroadcast v24, $0xB;
	v17 =	vmul.f32 v17, v30  }
0x141: {  	v25 =	vmul.f32 v25, v33;
	v46 =	vmul.f32 v29, v36  }
0x142: {  	v29 =	vmul.f32 v6, v6;
	v1 =	vmul.f32 v30, v1  }
0x143: {  	v23 =	vsub.f32 $1.000000000e+00, v23;
	v47 =	vld [tilespmem:s14+$0x13DF0];
	v49 =	vmul.f32 v32, v38;
	v4 =	vmul.f32 v4, v33  }
0x144: {  	v22 =	vsub.f32 $1.000000000e+00, v22;
	v37 =	vmul.f32 v37, v20;
	v7 =	vmul.f32 v7, v36;
	[tilespmem:s14+$0x17D80] =	vst v1  }
0x145: {  	v21 =	vsub.f32 $1.000000000e+00, v21;
	v63 =	vmul.f32 v53, v28;
	v3 =	vmul.f32 v3, v28;
	[tilespmem:s14+$0x17D90] =	vst v4  }
0x146: {  	v35 =	vld [tilespmem:s14+$0x13DC0];
	v18 =	vsub.f32 $1.000000000e+00, v18;
	v17 =	vmul.f32 v17, v23;
	v22 =	vmul.f32 v25, v22;
	[tilespmem:s14+$0x17DA0] =	vst v7  }
0x147: {  	v57 =	vld [tilespmem:s14+$0x13E40];
	v21 =	vmul.f32 v46, v21;
	v23 =	vbroadcast v24, $0x4;
	[tilespmem:s14+$0x17E20] =	vst v3  }
0x148: {  	v25 =	vmul.f32 v47, v42;
	v18 =	vmul.f32 v37, v18;
	[tilespmem:s14+$0x1BD80] =	vst v17  }
0x149: {  	v39 =	vld [tilespmem:s14+$0x13DE0];
	v27 =	vsub.f32 $1.000000000e+00, v27;
	v47 =	vbroadcast v24, $0xC;
	v1 =	vmul.f32 v12, v38;
	[tilespmem:s14+$0x1BD90] =	vst v22  }
0x14a: {  	v50 =	vld [tilespmem:s14+$0x13E00];
	v19 =	vsub.f32 $1.000000000e+00, v19;
	v17 =	vmul.f32 v49, v48;
	[tilespmem:s14+$0x1BDA0] =	vst v21;
	v21 =	vbroadcast v24, $0x6  }
0x14b: {  	v62 =	vld [tilespmem:s14+$0x13E50];
	v51 =	vsub.f32 $1.000000000e+00, v26;
	v35 =	vmul.f32 v35, v23;
	v56 =	vmul.f32 v25, v27;
	[tilespmem:s14+$0x1BDD0] =	vst v18  }
0x14c: {  	v18 =	vbroadcast v24, $0x8;
	v49 =	vsub.f32 $1.000000000e+00, v40;
	v26 =	vmul.f32 v57, v47;
	[tilespmem:s14+$0x17DB0] =	vst v1  }
0x14d: {  	v54 =	vld [tilespmem:s14+$0x13E30];
	v48 =	vbroadcast v24, $0xD;
	[tilespmem:s14+$0x1BDB0] =	vst v17;
	v19 =	vmul.f32 v35, v19  }
0x14e: {  	v52 =	vmul.f32 v39, v21;
	[tilespmem:s14+$0x1BDF0] =	vst v56;
	v26 =	vmul.f32 v26, v49  }
0x14f: {  	v60 =	vmul.f32 v50, v18;
	v1 =	vmul.f32 v9, v21;
	[tilespmem:s14+$0x1BDC0] =	vst v19  }
0x150: {  	v53 =	vmul.f32 v62, v48;
	v62 =	vmul.f32 v5, v18;
	[tilespmem:s14+$0x1BE40] =	vst v26  }
0x151: {  	v34 =	vsub.f32 $1.000000000e+00, v34;
	v17 =	vmul.f32 v52, v51;
	[tilespmem:s14+$0x17DE0] =	vst v1  }
0x152: {  	v41 =	vld [tilespmem:s14+$0x13E10];
	v29 =	vsub.f32 $1.000000000e+00, v29;
	v35 =	vmul.f32 v54, v44;
	v27 =	vmul.f32 v60, v58;
	[tilespmem:s14+$0x17E00] =	vst v62  }
0x153: {  	v31 =	vmul.f32 v8, v8;
	v45 =	vld [tilespmem:s14+$0x13E60];
	v19 =	vmul.f32 v63, v34;
	[tilespmem:s14+$0x1BDE0] =	vst v17  }
0x154: {  	v25 =	vbroadcast v24, $0x9;
	v29 =	vmul.f32 v35, v29;
	[tilespmem:s14+$0x1BE00] =	vst v27  }
0x155: {  	v55 =	vmul.f32 v15, v15;
	v60 =	vmul.f32 v14, v20;
	[tilespmem:s14+$0x1BE20] =	vst v19  }
0x156: {  	v50 =	vbroadcast v24, $0xE;
	v1 =	vmul.f32 v8, v25;
	[tilespmem:s14+$0x1BE30] =	vst v29  }
0x157: {  	v59 =	vsub.f32 $1.000000000e+00, v31;
	v61 =	vmul.f32 v41, v25;
	v63 =	vmul.f32 v6, v44;
	[tilespmem:s14+$0x17DD0] =	vst v60  }
0x158: {  	v54 =	vsub.f32 $1.000000000e+00, v55;
	v55 =	vmul.f32 v45, v50;
	v3 =	vmul.f32 v15, v50;
	[tilespmem:s14+$0x17E10] =	vst v1  }
0x159: {  	v46 =	vld [tilespmem:s14+$0x13E70];
	v17 =	vmul.f32 v61, v59;
	[tilespmem:s14+$0x17E30] =	vst v63  }
0x15a: {  	v43 =	vmul.f32 v16, v16;
	v19 =	vmul.f32 v55, v54;
	[tilespmem:s14+$0x17E60] =	vst v3  }
0x15b: {  	v22 =	vmul.f32 v11, v11;
	v59 =	vmul.f32 v13, v23;
	[tilespmem:s14+$0x1BE10] =	vst v17  }
0x15c: {  	v52 =	vbroadcast v24, $0xF;
	v61 =	vmul.f32 v10, v42;
	[tilespmem:s14+$0x1BE60] =	vst v19  }
0x15d: {  	v51 =	vsub.f32 $1.000000000e+00, v22;
	v1 =	vmul.f32 v2, v47;
	[tilespmem:s14+$0x17DC0] =	vst v59  }
0x15e: {  	v56 =	vsub.f32 $1.000000000e+00, v43;
	v57 =	vmul.f32 v46, v52;
	v2 =	vmul.f32 v11, v48;
	[tilespmem:s14+$0x17DF0] =	vst v61  }
0x15f: {  	v17 =	vmul.f32 v53, v51;
	[tilespmem:s14+$0x17E40] =	vst v1  }
0x160: {  	v58 =	vmul.f32 v57, v56;
	[tilespmem:s14+$0x17E50] =	vst v2  }
0x161: {  	v1 =	vmul.f32 v16, v52;
	[tilespmem:s14+$0x1BE50] =	vst v17  }
0x162: {  	[tilespmem:s14+$0x1BE70] =	vst v58  }
0x163: {  	[tilespmem:s14+$0x17E70] =	vst v1  }
0x164: {  	[spmem:s5] =	stream.indirect.scatter.add.f32 [tilespmem:s12], [sflag:$0x2], $0x10, s11, s30, $0xb8;
	[tilespmem:$0x1DD80] =	vst v63  }
0x165: {  	s7 =	sadd.s32 $0x1, s7;
	_ =	swait.ge [sflag:s21], $0x2000  }
0x166: {  	p0 =	sne.s32 s7, $0x5;
	[sflag:s21] =	ssyncset.done $0x0  }
.Ltmp6:
0x167: {  	[sflag:s21] =	ssyncadd.s32 $0xFFFFE000;
	(pc) =	sbr.rel @p0 .LBB2_6-.Ltmp6, $4  }
0x168: {  	[spmem:s6] =	stream.indirect.scatter.add.f32 [tilespmem:s17], [sflag:$0x2], $0x10, s13, s30, $0xb8;
	[tilespmem:$0x1DD80] =	vst v63  }
0x169: {  	_ =	swait.ge [sflag:s21], $0x2000  }
0x16a: {  	[sflag:s21] =	ssyncset.done $0x0  }
0x16b: {  	[sflag:s21] =	ssyncadd.s32 $0xFFFFE000  }
0x16c: {  	[bflag:$0x0] =	sbarrier.arrive $0xFFFF  }
0x16d: {  	s19 =	simm.s32 $0x9E00;
	s15 =	rddreg [dreg:$0xa]  }
0x16e: {  	[tilespmem:s19], [sflag:$0x2] =	stream.linear.gather [spmem:s15], $0x2780, $0x38;
	[tilespmem:$0x1DD80] =	vst v63  }
0x16f: {  	_ =	swait.ge [sflag:s21], $0x2780  }
0x170: {  	[sflag:s21] =	ssyncset.done $0x0  }
0x171: {  	s14 =	simm.s32 $0x0;
	s7 =	rddreg [dreg:$0xc];
	[sflag:s21] =	ssyncadd.s32 $0xFFFFD880  }
0x172: {  	[hbm4b:s7+s14] =	stream.linear.scatter [tilespmem:s19], [sflag:$0x2], $0x2780, $0x38;
	[tilespmem:$0x1DD80] =	vst v63  }
0x173: {  	_ =	swait.ge [sflag:s21], $0x2780  }
0x174: {  	[sflag:s21] =	ssyncset.done $0x0  }
0x175: {  	s18 =	rddreg [dreg:$0xb];
	[sflag:s21] =	ssyncadd.s32 $0xFFFFD880  }
0x176: {  	[tilespmem:s19], [sflag:$0x2] =	stream.linear.gather [spmem:s18], $0x2780, $0x38;
	[tilespmem:$0x1DD80] =	vst v63  }
0x177: {  	_ =	swait.ge [sflag:s21], $0x2780  }
0x178: {  	[sflag:s21] =	ssyncset.done $0x0  }
0x179: {  	s20 =	rddreg [dreg:$0xd];
	[sflag:s21] =	ssyncadd.s32 $0xFFFFD880  }
0x17a: {  	[hbm4b:s20+s14] =	stream.linear.scatter [tilespmem:s19], [sflag:$0x2], $0x2780, $0x38;
	[tilespmem:$0x1DD80] =	vst v63  }
0x17b: {  	_ =	swait.ge [sflag:s21], $0x2780  }
0x17c: {  	s20 =	rddreg [dreg:$0xf]  }
0x17d: {  	s7 =	rddreg [dreg:$0xe];
	s20 =	sadd.s32 $0x1, s20  }
0x17e: {  	p0 =	sne.s32 s20, s7  }
.Ltmp7:
0x17f: {  	_ = 	snop;
	(pc) =	sbr.rel @p0 .LBB2_1-.Ltmp7, $3  }
0x180: {  	_ =	sdelay $0x1  }
0x181: {  	[sflag:s21] =	ssyncset.done $0x0  }
0x182: {  	[sflag:s21] =	ssyncadd.s32 $0xFFFFD880;
	[dreg:$0xf] =	wrdreg s20  }
0x183: {  	_ =	sfence.sel $0x180000  }
0x184: {  	[bflag:$0x0] =	sbarrier.arrive $0xFFFF  }
0x185: {  	_ =	strace $0x90000047  }
0x186: {  	s0 =	stileid.u32;
	[bflag:$0x2] =	sbarrier.arrive $0xFFFF  }
0x187: {  	p0 =	sne.s32 s0, $0x0;
	s0 =	rddreg [dreg:$0x5]  }
0x188: {  	s0 =	sadd.s32 @!p0 $0x100000, s0  }
0x189: {  	[sflag:s0] =	ssyncadd.tile.s32 @!p0 $0x1;
	_ =	shalt  }
.Lfunc_end2:
_tile_overlayer_lowered:
.L_overlay_start_2:
0x18a: {  	(tag) =	ssettag $0x2  }
0x18b: {  	s0 =	rddreg [dreg:$0x0];
	s2 =	stileid.u32  }
0x18c: {  	s1 =	rddreg [dreg:$0x1];
	p0 =	sne.s32 s2, $0x0  }
0x18d: {  	s3 =	rddreg [dreg:$0x2];
	[bflag:$0x3] =	sbarrier.arrive $0xFFFF;
	s2 =	simm.s32 @!p0 $0x1C02  }
0x18e: {  	[timem:s3], [sflag:s2] =	dma.local @!p0 [hbm:s0], s1  }
0x18f: {  	s0 =	simm.s32 @!p0 $0x2  }
0x190: {  	_ =	swait.ge @!p0 [sflag:s0], s1  }
0x191: {  	s1 =	ssub.s32 @!p0 $0x0, s1;
	[sflag:s0] =	ssyncset.done @!p0 $0x0  }
0x192: {  	[sflag:s0] =	ssyncadd.s32 @!p0 s1  }
0x193: {  	[bflag:$0x3] =	sbarrier.arrive $0xFFFF  }
0x194: {  	_ =	shalt  }

</sc_bundles>
